<compile_context>
chip_gen: v7x
topology: tpu7x:2x2x1
jax: 0.10.2.dev20260603
libtpu: 0.0.44.dev20260713+nightly
codegen_flags: <defaults>
</compile_context>

<pallas_src>
import functools

import jax
import jax.numpy as jnp
from jax import lax
from jax.experimental import pallas as pl
from jax.experimental.pallas import tpu as pltpu
from jax.experimental.pallas import tpu_sc as plsc

N = 10000
E = 320000
D = 128
H = 8
F = 16
HF = H * F
ROW = 144
C = 80
NWORK = 32
EPT = E // NWORK
NCHUNK = EPT // C
RPT = 624
TAIL = N - 16 * RPT
ZR = 8
BN = 400
GRID = N // BN
EPB = E // D // GRID


def _tc1_body(x_ref, wp_ref, asrc_ref, atrg_ref, wtp_ref, atp_ref,
              sel_ref, ep_ref, proj_ref, tabt_ref,
              cvec_ref, stats_ref):
    pid = pl.program_id(0)

    @pl.when(pid == 0)
    def _init():
        stats_ref[...] = jnp.full((8, 16), -jnp.inf, jnp.float32)
        stats_ref[2:3, :] = jnp.full((1, 16), jnp.max(ep_ref[...]), jnp.float32)

    xb = x_ref[...]
    pb = jnp.dot(xb, wp_ref[...], preferred_element_type=jnp.float32)
    ts = jnp.dot(pb * asrc_ref[...], sel_ref[...],
                 preferred_element_type=jnp.float32)
    tt = jnp.dot(pb * atrg_ref[...], sel_ref[...],
                 preferred_element_type=jnp.float32)
    proj_ref[:, 0:HF] = pb
    proj_ref[:, HF:ROW] = ts
    tabt_ref[...] = tt
    stats_ref[0:1, :] = jnp.maximum(stats_ref[0:1, :],
                                    jnp.max(ts, axis=0, keepdims=True))
    stats_ref[1:2, :] = jnp.maximum(stats_ref[1:2, :],
                                    jnp.max(tt, axis=0, keepdims=True))

    @pl.when(pid == pl.num_programs(0) - 1)
    def _finish():
        c16 = jnp.dot(wtp_ref[...] * atp_ref[...], sel_ref[...],
                      preferred_element_type=jnp.float32)
        bound = jnp.maximum(c16 * stats_ref[2:3, :], 0.0)
        raw = stats_ref[0:1, :] + stats_ref[1:2, :] + bound
        lk = jnp.where(raw > 0.0, raw, 0.2 * raw)
        mp = jnp.max(lk)
        iot = lax.broadcasted_iota(jnp.int32, (1, 16), 1)
        cvec_ref[...] = jnp.where(iot == 15, mp, c16)


def _tc2_body(feat_ref, den_ref, x_ref, ws_ref, bias_ref, bsel_ref, out_ref):
    num = feat_ref[0] + feat_ref[1]
    den = jnp.dot(den_ref[0] + den_ref[1], bsel_ref[...],
                  preferred_element_type=jnp.float32)
    skip = jnp.dot(x_ref[...], ws_ref[...], preferred_element_type=jnp.float32)
    o = num / (den + 1e-16) + skip + bias_ref[...]
    out_ref[...] = jnp.where(o > 0.0, o, jnp.exp(o) - 1.0)


def _sc_edge(pk, tabt, proj, cvec):
    mesh = plsc.VectorSubcoreMesh(core_axis_name="c", subcore_axis_name="s",
                                  num_cores=2, num_subcores=16)

    @functools.partial(
        pl.kernel,
        mesh=mesh,
        compiler_params=pltpu.CompilerParams(use_tc_tiling_on_sc=False,
                                             needs_layout_passes=False),
        out_type=(jax.ShapeDtypeStruct((2, N, HF), jnp.float32),
                  jax.ShapeDtypeStruct((2, N, 16), jnp.float32)),
        scratch_types=[
            [pltpu.VMEM((3, C + 16), jnp.int32)] * 2,
            [pltpu.VMEM((C, 16), jnp.float32)] * 2,
            [pltpu.VMEM((C, ROW), jnp.float32)] * 2,
            pltpu.VMEM((C, ROW), jnp.float32),
            pltpu.VMEM((16,), jnp.float32),
            pltpu.VMEM((ZR, ROW), jnp.float32),
            pltpu.VMEM_SHARED((N, ROW), jnp.float32),
            [pltpu.SemaphoreType.DMA] * 2,
            [pltpu.SemaphoreType.DMA] * 2,
        ],
    )
    def k(pk_h, tabt_h, proj_h, cvec_h,
          feat_h, den_h,
          pk_v, trows, prows, sbuf, cbuf, zbuf,
          accum, isem, gsem):
        cid = lax.axis_index("c")
        sid = lax.axis_index("s")
        wid = sid * 2 + cid

        def issue_idx(k_, p):
            base = wid * EPT + k_ * C
            pltpu.async_copy(pk_h.at[:, pl.ds(base, C)],
                             pk_v[p].at[:, pl.ds(0, C)], isem[p])

        def wait_idx(p):
            pltpu.make_async_copy(pk_h.at[:, pl.ds(0, C)],
                                  pk_v[p].at[:, pl.ds(0, C)], isem[p]).wait()

        def issue_gather(p):
            pltpu.async_copy(proj_h.at[pk_v[p].at[0, pl.ds(0, C)]],
                             prows[p], gsem[p])
            pltpu.async_copy(tabt_h.at[pk_v[p].at[1, pl.ds(0, C)]],
                             trows[p], gsem[p])

        def wait_gather(p):
            pltpu.make_async_copy(proj_h.at[pl.ds(0, C)], prows[p],
                                  gsem[p]).wait()
            pltpu.make_async_copy(tabt_h.at[pl.ds(0, C)], trows[p],
                                  gsem[p]).wait()

        def zrow(r, carry):
            for j in range(ROW // 16):
                zbuf[r, pl.ds(16 * j, 16)] = jnp.zeros((16,), jnp.float32)
            return carry

        issue_idx(0, 0)
        issue_idx(1, 1)
        lax.fori_loop(0, ZR, zrow, 0)

        def zcopy(z, carry):
            pltpu.sync_copy(zbuf, accum.at[pl.ds(sid * RPT + z * ZR, ZR)])
            return carry

        lax.fori_loop(0, RPT // ZR, zcopy, 0)

        @pl.when(sid == 15)
        def _zero_tail():
            pltpu.sync_copy(zbuf.at[pl.ds(0, TAIL)],
                            accum.at[pl.ds(16 * RPT, TAIL)])
        pltpu.sync_copy(cvec_h, cbuf)
        wait_idx(0)
        issue_gather(0)
        plsc.subcore_barrier()

        cv = cbuf[...]
        mp = cv[15]
        lane_lt8 = lax.iota(jnp.int32, 16) < 8

        def compute_chunk(p):
            @plsc.parallel_loop(0, C, unroll=8)
            def _edges(i):
                ev = plsc.bitcast(pk_v[p][2, pl.ds(i, 16)], jnp.float32)
                s = prows[p][i, pl.ds(HF, 16)] + trows[p][i, :] + ev[0] * cv
                s = jnp.where(s > 0.0, s, 0.2 * s)
                e = jnp.exp(s - mp)
                e = jnp.where(lane_lt8, e, 0.0)
                sbuf[i, pl.ds(HF, 16)] = e
                for j in range(H):
                    sbuf[i, pl.ds(16 * j, 16)] = (
                        prows[p][i, pl.ds(16 * j, 16)] * e[j])

            pltpu.sync_copy(sbuf, accum.at[pk_v[p].at[1, pl.ds(0, C)]],
                            add=True)

        def pair(gg, carry):
            k0 = 2 * gg
            wait_gather(0)
            wait_idx(1)
            issue_gather(1)
            compute_chunk(0)
            issue_idx(k0 + 2, 0)
            wait_gather(1)
            wait_idx(0)
            issue_gather(0)
            compute_chunk(1)

            @pl.when(gg < (NCHUNK - 1) // 2 - 1)
            def _more():
                issue_idx(k0 + 3, 1)

            return carry

        lax.fori_loop(0, (NCHUNK - 1) // 2, pair, 0)
        wait_gather(0)
        compute_chunk(0)
        plsc.subcore_barrier()
        pltpu.sync_copy(accum.at[pl.ds(sid * RPT, RPT), pl.ds(0, HF)],
                        feat_h.at[cid, pl.ds(sid * RPT, RPT)])
        pltpu.sync_copy(accum.at[pl.ds(sid * RPT, RPT), pl.ds(HF, 16)],
                        den_h.at[cid, pl.ds(sid * RPT, RPT)])

        @pl.when(sid == 15)
        def _copy_tail():
            pltpu.sync_copy(accum.at[pl.ds(16 * RPT, TAIL), pl.ds(0, HF)],
                            feat_h.at[cid, pl.ds(16 * RPT, TAIL)])
            pltpu.sync_copy(accum.at[pl.ds(16 * RPT, TAIL), pl.ds(HF, 16)],
                            den_h.at[cid, pl.ds(16 * RPT, TAIL)])

    return k(pk, tabt, proj, cvec)


def kernel(x, edge_index, edge_prob, W_proj, W_tp, a_src, a_trg, a_tp,
           W_skip, bias):
    ep = edge_prob.reshape(E)
    pk = jnp.concatenate(
        [edge_index,
         lax.bitcast_convert_type(ep, jnp.int32).reshape(1, E)], axis=0)
    wp_t = W_proj.T
    ws_t = W_skip.T
    asrc = a_src.reshape(1, HF)
    atrg = a_trg.reshape(1, HF)
    atp = a_tp.reshape(1, HF)
    wtp = W_tp.reshape(1, HF)
    sel16 = jnp.concatenate(
        [jnp.kron(jnp.eye(H, dtype=jnp.float32), jnp.ones((F, 1), jnp.float32)),
         jnp.zeros((HF, 8), jnp.float32)], axis=1)
    ep2d = ep.reshape(E // D, D)

    full = lambda shape: pl.BlockSpec(shape, lambda i: (0,) * len(shape))
    proj, tabt, cvec = pl.pallas_call(
        _tc1_body,
        grid=(GRID,),
        in_specs=[
            pl.BlockSpec((BN, D), lambda i: (i, 0)),
            full((D, HF)),
            full((1, HF)), full((1, HF)), full((1, HF)), full((1, HF)),
            full((HF, 16)),
            full((E // D, D)),
        ],
        out_specs=[
            pl.BlockSpec((BN, ROW), lambda i: (i, 0)),
            pl.BlockSpec((BN, 16), lambda i: (i, 0)),
            full((1, 16)),
        ],
        out_shape=[
            jax.ShapeDtypeStruct((N, ROW), jnp.float32),
            jax.ShapeDtypeStruct((N, 16), jnp.float32),
            jax.ShapeDtypeStruct((1, 16), jnp.float32),
        ],
        scratch_shapes=[pltpu.VMEM((8, 16), jnp.float32)],
    )(x, wp_t, asrc, atrg, wtp, atp, sel16, ep2d)

    feat, den = _sc_edge(pk, tabt, proj, cvec.reshape(16))

    bias2 = bias.reshape(1, HF)
    bsel = jnp.concatenate(
        [jnp.kron(jnp.eye(H, dtype=jnp.float32), jnp.ones((1, F), jnp.float32)),
         jnp.zeros((8, HF), jnp.float32)], axis=0)
    out = pl.pallas_call(
        _tc2_body,
        grid=(GRID,),
        in_specs=[
            pl.BlockSpec((2, BN, HF), lambda i: (0, i, 0)),
            pl.BlockSpec((2, BN, 16), lambda i: (0, i, 0)),
            pl.BlockSpec((BN, D), lambda i: (i, 0)),
            full((D, HF)),
            full((1, HF)),
            full((16, HF)),
        ],
        out_specs=pl.BlockSpec((BN, HF), lambda i: (i, 0)),
        out_shape=jax.ShapeDtypeStruct((N, HF), jnp.float32),
    )(feat, den, x, ws_t, bias2, bsel)

    return out, edge_index, edge_prob

# --- scband reference (transcript-rebuilt; emitter-appended) ---
"""Pipeline reference for scband-gat2-6631429505167 (READ-ONLY COPY).

The authoritative reference and input builder live on the scoring server;
editing this copy changes nothing except your own understanding.
"""

import jax, jax.numpy as jnp
import numpy as np

N = 10000
E = 320000
D = 128
H = 8
F = 16


def setup_inputs(seed: int = 0) -> dict:
    key = jax.random.key(seed)
    ks = jax.random.split(key, 9)
    x = jax.random.normal(ks[0], (N, D), dtype=jnp.float32)
    edge_index = jax.random.randint(ks[1], (2, E), 0, N, dtype=jnp.int32)
    edge_prob = jax.random.uniform(ks[2], (E, 1), dtype=jnp.float32)
    s = float(1.0 / np.sqrt(D))
    W_proj = jax.random.uniform(ks[3], (H * F, D), minval=-s, maxval=s, dtype=jnp.float32)
    W_tp = jax.random.uniform(ks[4], (H * F, 1), minval=-1.0, maxval=1.0, dtype=jnp.float32)
    a_src = jax.random.uniform(ks[5], (1, H, F), minval=-s, maxval=s, dtype=jnp.float32)
    a_trg = jax.random.uniform(ks[6], (1, H, F), minval=-s, maxval=s, dtype=jnp.float32)
    a_tp = jax.random.uniform(ks[7], (1, H, F), minval=-s, maxval=s, dtype=jnp.float32)
    W_skip = jax.random.uniform(ks[8], (H * F, D), minval=-s, maxval=s, dtype=jnp.float32)
    bias = jnp.zeros((H * F,), dtype=jnp.float32)
    return {"x": x, "edge_index": edge_index, "edge_prob": edge_prob,
            "W_proj": W_proj, "W_tp": W_tp, "a_src": a_src, "a_trg": a_trg,
            "a_tp": a_tp, "W_skip": W_skip, "bias": bias}


def reference(x, edge_index, edge_prob, W_proj, W_tp, a_src, a_trg, a_tp, W_skip, bias):
    # linear_proj (dropout_prob=0.0 -> identity dropouts)
    proj = (x @ W_proj.T).reshape(-1, H, F)                      # [N,H,F]
    tp = (edge_prob @ W_tp.T).reshape(-1, H, F)                  # [E,H,F]
    scores_source = (proj * a_src).sum(-1)                       # [N,H]
    scores_target = (proj * a_trg).sum(-1)                       # [N,H]
    src = edge_index[0]
    trg = edge_index[1]
    # lift (gather by edge endpoints)
    ss_lift = jnp.take(scores_source, src, axis=0)               # [E,H]
    st_lift = jnp.take(scores_target, trg, axis=0)               # [E,H]
    proj_lift = jnp.take(proj, src, axis=0)                      # [E,H,F]
    scores_tp = (tp * a_tp).sum(-1)                              # [E,H]
    scores = ss_lift + st_lift + scores_tp
    scores = jnp.where(scores > 0, scores, 0.2 * scores)         # LeakyReLU(0.2)
    # neighborhood-aware softmax (global max subtraction, as in torch code)
    scores = scores - scores.max()
    exp_scores = jnp.exp(scores)
    denom = jax.ops.segment_sum(exp_scores, trg, num_segments=N) # scatter-add [N,H]
    attn = exp_scores / (jnp.take(denom, trg, axis=0) + 1e-16)   # [E,H]
    weighted = proj_lift * attn[..., None]                       # [E,H,F]
    out = jax.ops.segment_sum(weighted, trg, num_segments=N)     # [N,H,F]
    # skip connection: out last dim F=16 != in dim 128 -> skip_proj path
    out = out + (x @ W_skip.T).reshape(-1, H, F)
    # concat heads + bias + ELU activation
    out = out.reshape(-1, H * F) + bias
    out = jax.nn.elu(out)
    return (out, edge_index, edge_prob)

if __name__ == "__main__":
    import jax
    _d = setup_inputs()
    print(jax.jit(kernel)(*tuple(_d.values())))

</pallas_src>

<mosaic_0001>
#map = affine_map<(d0, d1) -> (0, 0)>
#map1 = affine_map<(d0, d1) -> (0)>
#map2 = affine_map<(d0, d1) -> (0, 0, 0)>
module attributes {stable_mosaic.version = 14 : i64} {
  func.func @k(%arg0: i32, %arg1: i32, %arg2: memref<3x320000xi32, #tpu.memory_space<hbm>>, %arg3: memref<10000x16xf32, #tpu.memory_space<hbm>>, %arg4: memref<10000x144xf32, #tpu.memory_space<hbm>>, %arg5: memref<16xf32, #tpu.memory_space<hbm>>, %arg6: memref<2x10000x128xf32, #tpu.memory_space<hbm>>, %arg7: memref<2x10000x16xf32, #tpu.memory_space<hbm>>, %arg8: memref<3x96xi32, #tpu.memory_space<vmem>>, %arg9: memref<3x96xi32, #tpu.memory_space<vmem>>, %arg10: memref<80x16xf32, #tpu.memory_space<vmem>>, %arg11: memref<80x16xf32, #tpu.memory_space<vmem>>, %arg12: memref<80x144xf32, #tpu.memory_space<vmem>>, %arg13: memref<80x144xf32, #tpu.memory_space<vmem>>, %arg14: memref<80x144xf32, #tpu.memory_space<vmem>>, %arg15: memref<16xf32, #tpu.memory_space<vmem>>, %arg16: memref<8x144xf32, #tpu.memory_space<vmem>>, %arg17: memref<10000x144xf32, #tpu.memory_space<vmem_shared>>, %arg18: memref<!tpu.dma_semaphore, #tpu.memory_space<semaphore_mem>>, %arg19: memref<!tpu.dma_semaphore, #tpu.memory_space<semaphore_mem>>, %arg20: memref<!tpu.dma_semaphore, #tpu.memory_space<semaphore_mem>>, %arg21: memref<!tpu.dma_semaphore, #tpu.memory_space<semaphore_mem>>) attributes {dimension_semantics = [#tpu.dimension_semantics<core_parallel>, #tpu.dimension_semantics<subcore_parallel>], iteration_bounds = array<i64: 2, 16>, scalar_prefetch = 0 : i64, scratch_operands = 14 : i64, tpu.core_type = #tpu.core_type<sc_vector_subcore>, window_params = [{transform_indices = #map}, {transform_indices = #map}, {transform_indices = #map}, {transform_indices = #map1}, {transform_indices = #map2}, {transform_indices = #map2}]} {
    %mul3A = arith.constant 2 : i32
    %mul3A_0 = arith.muli %arg1, %mul3A : i32
    %add3A = arith.addi %mul3A_0, %arg0 : i32
    %mul3A_1 = arith.constant 10000 : i32
    %mul3A_2 = arith.muli %add3A, %mul3A_1 : i32
    %add3A_3 = arith.constant 0 : i32
    %add3A_4 = arith.addi %mul3A_2, %add3A_3 : i32
    %dma_start3A = arith.constant 0 : i32
    %dma_start3A_5 = arith.constant 0 : i32
    %dma_start3A_6 = tpu.memref_slice %arg8[%dma_start3A, %dma_start3A_5] : memref<3x96xi32, #tpu.memory_space<vmem>> -> memref<3x80xi32, #tpu.memory_space<vmem>>
    %dma_start3A_7 = arith.constant 0 : i32
    %dma_start3A_8 = tpu.memref_slice %arg2[%dma_start3A_7, %add3A_4] : memref<3x320000xi32, #tpu.memory_space<hbm>> -> memref<3x80xi32, #tpu.memory_space<hbm>>
    %dma_start3A_9 = arith.constant 0 : i32
    %dma_start3A_10 = arith.constant 0 : i32
    %dma_start3A_11 = tpu.memref_slice %arg8[%dma_start3A_9, %dma_start3A_10] : memref<3x96xi32, #tpu.memory_space<vmem>> -> memref<3x80xi32, #tpu.memory_space<vmem>>
    %dma_start3A_12 = arith.constant 0 : i32
    %dma_start3A_13 = tpu.memref_slice %arg2[%dma_start3A_12, %add3A_4] : memref<3x320000xi32, #tpu.memory_space<hbm>> -> memref<3x80xi32, #tpu.memory_space<hbm>>
    tpu.enqueue_dma source(%dma_start3A_13 : memref<3x80xi32, #tpu.memory_space<hbm>>) target(%dma_start3A_11 : memref<3x80xi32, #tpu.memory_space<vmem>>) target_semaphore(%arg18 : memref<!tpu.dma_semaphore, #tpu.memory_space<semaphore_mem>>)
    %mul3A_14 = arith.constant 10000 : i32
    %mul3A_15 = arith.muli %add3A, %mul3A_14 : i32
    %add3A_16 = arith.constant 80 : i32
    %add3A_17 = arith.addi %mul3A_15, %add3A_16 : i32
    %dma_start3A_18 = arith.constant 0 : i32
    %dma_start3A_19 = arith.constant 0 : i32
    %dma_start3A_20 = tpu.memref_slice %arg9[%dma_start3A_18, %dma_start3A_19] : memref<3x96xi32, #tpu.memory_space<vmem>> -> memref<3x80xi32, #tpu.memory_space<vmem>>
    %dma_start3A_21 = arith.constant 0 : i32
    %dma_start3A_22 = tpu.memref_slice %arg2[%dma_start3A_21, %add3A_17] : memref<3x320000xi32, #tpu.memory_space<hbm>> -> memref<3x80xi32, #tpu.memory_space<hbm>>
    %dma_start3A_23 = arith.constant 0 : i32
    %dma_start3A_24 = arith.constant 0 : i32
    %dma_start3A_25 = tpu.memref_slice %arg9[%dma_start3A_23, %dma_start3A_24] : memref<3x96xi32, #tpu.memory_space<vmem>> -> memref<3x80xi32, #tpu.memory_space<vmem>>
    %dma_start3A_26 = arith.constant 0 : i32
    %dma_start3A_27 = tpu.memref_slice %arg2[%dma_start3A_26, %add3A_17] : memref<3x320000xi32, #tpu.memory_space<hbm>> -> memref<3x80xi32, #tpu.memory_space<hbm>>
    tpu.enqueue_dma source(%dma_start3A_27 : memref<3x80xi32, #tpu.memory_space<hbm>>) target(%dma_start3A_25 : memref<3x80xi32, #tpu.memory_space<vmem>>) target_semaphore(%arg19 : memref<!tpu.dma_semaphore, #tpu.memory_space<semaphore_mem>>)
    %scan3A = arith.constant 0 : i32
    %scan3A_28 = arith.constant 0 : i32
    %scan3A_29 = arith.constant 8 : i32
    %scan3A_30 = arith.addi %scan3A_28, %scan3A_29 : i32
    %scan3A_31 = arith.constant 1 : i32
    scf.for %scan3A_103 = %scan3A_28 to %scan3A_30 step %scan3A_31  : i32 {
      %broadcast_in_dim3A = arith.constant 0.000000e+00 : f32
      %broadcast_in_dim3A_104 = vector.broadcast %broadcast_in_dim3A : f32 to vector<16xf32>
      %swap3A = arith.index_cast %scan3A_103 : i32 to index
      %swap3A_105 = arith.constant 0 : index
      %swap3A_106 = tpu.vector_load %arg16[%swap3A, %swap3A_105] {strides = array<i32>} : memref<8x144xf32, #tpu.memory_space<vmem>>, vector<16xf32>,
      tpu.vector_store %arg16[%swap3A, %swap3A_105], %broadcast_in_dim3A_104 {strides = array<i32>} : memref<8x144xf32, #tpu.memory_space<vmem>>, vector<16xf32>,
      %broadcast_in_dim3A_107 = arith.constant 0.000000e+00 : f32
      %broadcast_in_dim3A_108 = vector.broadcast %broadcast_in_dim3A_107 : f32 to vector<16xf32>
      %swap3A_109 = arith.index_cast %scan3A_103 : i32 to index
      %swap3A_110 = arith.constant 16 : index
      %swap3A_111 = tpu.vector_load %arg16[%swap3A_109, %swap3A_110] {strides = array<i32>} : memref<8x144xf32, #tpu.memory_space<vmem>>, vector<16xf32>,
      tpu.vector_store %arg16[%swap3A_109, %swap3A_110], %broadcast_in_dim3A_108 {strides = array<i32>} : memref<8x144xf32, #tpu.memory_space<vmem>>, vector<16xf32>,
      %broadcast_in_dim3A_112 = arith.constant 0.000000e+00 : f32
      %broadcast_in_dim3A_113 = vector.broadcast %broadcast_in_dim3A_112 : f32 to vector<16xf32>
      %swap3A_114 = arith.index_cast %scan3A_103 : i32 to index
      %swap3A_115 = arith.constant 32 : index
      %swap3A_116 = tpu.vector_load %arg16[%swap3A_114, %swap3A_115] {strides = array<i32>} : memref<8x144xf32, #tpu.memory_space<vmem>>, vector<16xf32>,
      tpu.vector_store %arg16[%swap3A_114, %swap3A_115], %broadcast_in_dim3A_113 {strides = array<i32>} : memref<8x144xf32, #tpu.memory_space<vmem>>, vector<16xf32>,
      %broadcast_in_dim3A_117 = arith.constant 0.000000e+00 : f32
      %broadcast_in_dim3A_118 = vector.broadcast %broadcast_in_dim3A_117 : f32 to vector<16xf32>
      %swap3A_119 = arith.index_cast %scan3A_103 : i32 to index
      %swap3A_120 = arith.constant 48 : index
      %swap3A_121 = tpu.vector_load %arg16[%swap3A_119, %swap3A_120] {strides = array<i32>} : memref<8x144xf32, #tpu.memory_space<vmem>>, vector<16xf32>,
      tpu.vector_store %arg16[%swap3A_119, %swap3A_120], %broadcast_in_dim3A_118 {strides = array<i32>} : memref<8x144xf32, #tpu.memory_space<vmem>>, vector<16xf32>,
      %broadcast_in_dim3A_122 = arith.constant 0.000000e+00 : f32
      %broadcast_in_dim3A_123 = vector.broadcast %broadcast_in_dim3A_122 : f32 to vector<16xf32>
      %swap3A_124 = arith.index_cast %scan3A_103 : i32 to index
      %swap3A_125 = arith.constant 64 : index
      %swap3A_126 = tpu.vector_load %arg16[%swap3A_124, %swap3A_125] {strides = array<i32>} : memref<8x144xf32, #tpu.memory_space<vmem>>, vector<16xf32>,
      tpu.vector_store %arg16[%swap3A_124, %swap3A_125], %broadcast_in_dim3A_123 {strides = array<i32>} : memref<8x144xf32, #tpu.memory_space<vmem>>, vector<16xf32>,
      %broadcast_in_dim3A_127 = arith.constant 0.000000e+00 : f32
      %broadcast_in_dim3A_128 = vector.broadcast %broadcast_in_dim3A_127 : f32 to vector<16xf32>
      %swap3A_129 = arith.index_cast %scan3A_103 : i32 to index
      %swap3A_130 = arith.constant 80 : index
      %swap3A_131 = tpu.vector_load %arg16[%swap3A_129, %swap3A_130] {strides = array<i32>} : memref<8x144xf32, #tpu.memory_space<vmem>>, vector<16xf32>,
      tpu.vector_store %arg16[%swap3A_129, %swap3A_130], %broadcast_in_dim3A_128 {strides = array<i32>} : memref<8x144xf32, #tpu.memory_space<vmem>>, vector<16xf32>,
      %broadcast_in_dim3A_132 = arith.constant 0.000000e+00 : f32
      %broadcast_in_dim3A_133 = vector.broadcast %broadcast_in_dim3A_132 : f32 to vector<16xf32>
      %swap3A_134 = arith.index_cast %scan3A_103 : i32 to index
      %swap3A_135 = arith.constant 96 : index
      %swap3A_136 = tpu.vector_load %arg16[%swap3A_134, %swap3A_135] {strides = array<i32>} : memref<8x144xf32, #tpu.memory_space<vmem>>, vector<16xf32>,
      tpu.vector_store %arg16[%swap3A_134, %swap3A_135], %broadcast_in_dim3A_133 {strides = array<i32>} : memref<8x144xf32, #tpu.memory_space<vmem>>, vector<16xf32>,
      %broadcast_in_dim3A_137 = arith.constant 0.000000e+00 : f32
      %broadcast_in_dim3A_138 = vector.broadcast %broadcast_in_dim3A_137 : f32 to vector<16xf32>
      %swap3A_139 = arith.index_cast %scan3A_103 : i32 to index
      %swap3A_140 = arith.constant 112 : index
      %swap3A_141 = tpu.vector_load %arg16[%swap3A_139, %swap3A_140] {strides = array<i32>} : memref<8x144xf32, #tpu.memory_space<vmem>>, vector<16xf32>,
      tpu.vector_store %arg16[%swap3A_139, %swap3A_140], %broadcast_in_dim3A_138 {strides = array<i32>} : memref<8x144xf32, #tpu.memory_space<vmem>>, vector<16xf32>,
      %broadcast_in_dim3A_142 = arith.constant 0.000000e+00 : f32
      %broadcast_in_dim3A_143 = vector.broadcast %broadcast_in_dim3A_142 : f32 to vector<16xf32>
      %swap3A_144 = arith.index_cast %scan3A_103 : i32 to index
      %swap3A_145 = arith.constant 128 : index
      %swap3A_146 = tpu.vector_load %arg16[%swap3A_144, %swap3A_145] {strides = array<i32>} : memref<8x144xf32, #tpu.memory_space<vmem>>, vector<16xf32>,
      tpu.vector_store %arg16[%swap3A_144, %swap3A_145], %broadcast_in_dim3A_143 {strides = array<i32>} : memref<8x144xf32, #tpu.memory_space<vmem>>, vector<16xf32>,
    }
    %scan3A_32 = arith.constant 8 : i32
    %scan3A_33 = arith.constant 0 : i32
    %scan3A_34 = arith.constant 0 : i32
    %scan3A_35 = arith.constant 78 : i32
    %scan3A_36 = arith.addi %scan3A_34, %scan3A_35 : i32
    %scan3A_37 = arith.constant 1 : i32
    scf.for %scan3A_103 = %scan3A_34 to %scan3A_36 step %scan3A_37  : i32 {
      %mul3A_104 = arith.constant 624 : i32
      %mul3A_105 = arith.muli %arg1, %mul3A_104 : i32
      %mul3A_106 = arith.constant 8 : i32
      %mul3A_107 = arith.muli %scan3A_103, %mul3A_106 : i32
      %add3A_108 = arith.addi %mul3A_105, %mul3A_107 : i32
      "tpu.region"() ({
        %run_scoped3A_109 = tpu.sem_alloc : memref<!tpu.dma_semaphore, #tpu.memory_space<semaphore_mem>>
        %dma_start3A_110 = arith.constant 0 : i32
        %dma_start3A_111 = tpu.memref_slice %arg17[%add3A_108, %dma_start3A_110] : memref<10000x144xf32, #tpu.memory_space<vmem_shared>> -> memref<8x144xf32, #tpu.memory_space<vmem_shared>>
        %dma_start3A_112 = arith.constant 0 : i32
        %dma_start3A_113 = tpu.memref_slice %arg17[%add3A_108, %dma_start3A_112] : memref<10000x144xf32, #tpu.memory_space<vmem_shared>> -> memref<8x144xf32, #tpu.memory_space<vmem_shared>>
        tpu.enqueue_dma source(%arg16 : memref<8x144xf32, #tpu.memory_space<vmem>>) target(%dma_start3A_113 : memref<8x144xf32, #tpu.memory_space<vmem_shared>>) target_semaphore(%run_scoped3A_109 : memref<!tpu.dma_semaphore, #tpu.memory_space<semaphore_mem>>)
        %dma_wait3A_114 = arith.constant 0 : i32
        %dma_wait3A_115 = tpu.memref_slice %arg17[%add3A_108, %dma_wait3A_114] : memref<10000x144xf32, #tpu.memory_space<vmem_shared>> -> memref<8x144xf32, #tpu.memory_space<vmem_shared>>
        %dma_wait3A_116 = arith.constant 0 : i32
        %dma_wait3A_117 = tpu.memref_slice %arg17[%add3A_108, %dma_wait3A_116] : memref<10000x144xf32, #tpu.memory_space<vmem_shared>> -> memref<8x144xf32, #tpu.memory_space<vmem_shared>>
        tpu.wait_dma2 semaphore(%run_scoped3A_109 : memref<!tpu.dma_semaphore, #tpu.memory_space<semaphore_mem>>) src(%arg16 : memref<8x144xf32, #tpu.memory_space<vmem>>) dst(%dma_wait3A_117 : memref<8x144xf32, #tpu.memory_space<vmem_shared>>)
        tpu.yield
      }) : () -> ()
    }
    %scan3A_38 = arith.constant 78 : i32
    %eq3A = arith.constant 15 : i32
    %eq3A_39 = arith.cmpi eq, %arg1, %eq3A : i32
    %convert_element_type3A = arith.extui %eq3A_39 : i1 to i32
    %cond3A = arith.constant 0 : i32
    %cond3A_40 = arith.cmpi ne, %convert_element_type3A, %cond3A : i32
    scf.if %cond3A_40 {
      "tpu.region"() ({
        %run_scoped3A_103 = tpu.sem_alloc : memref<!tpu.dma_semaphore, #tpu.memory_space<semaphore_mem>>
        %dma_start3A_104 = arith.constant 0 : i32
        %dma_start3A_105 = arith.constant 0 : i32
        %dma_start3A_106 = tpu.memref_slice %arg16[%dma_start3A_104, %dma_start3A_105] : memref<8x144xf32, #tpu.memory_space<vmem>> -> memref<16x144xf32, #tpu.memory_space<vmem>>
        %dma_start3A_107 = arith.constant 9984 : i32
        %dma_start3A_108 = arith.constant 0 : i32
        %dma_start3A_109 = tpu.memref_slice %arg17[%dma_start3A_107, %dma_start3A_108] : memref<10000x144xf32, #tpu.memory_space<vmem_shared>> -> memref<16x144xf32, #tpu.memory_space<vmem_shared>>
        %dma_start3A_110 = arith.constant 9984 : i32
        %dma_start3A_111 = arith.constant 0 : i32
        %dma_start3A_112 = tpu.memref_slice %arg17[%dma_start3A_110, %dma_start3A_111] : memref<10000x144xf32, #tpu.memory_space<vmem_shared>> -> memref<16x144xf32, #tpu.memory_space<vmem_shared>>
        %dma_start3A_113 = arith.constant 0 : i32
        %dma_start3A_114 = arith.constant 0 : i32
        %dma_start3A_115 = tpu.memref_slice %arg16[%dma_start3A_113, %dma_start3A_114] : memref<8x144xf32, #tpu.memory_space<vmem>> -> memref<16x144xf32, #tpu.memory_space<vmem>>
        tpu.enqueue_dma source(%dma_start3A_115 : memref<16x144xf32, #tpu.memory_space<vmem>>) target(%dma_start3A_112 : memref<16x144xf32, #tpu.memory_space<vmem_shared>>) target_semaphore(%run_scoped3A_103 : memref<!tpu.dma_semaphore, #tpu.memory_space<semaphore_mem>>)
        %dma_wait3A_116 = arith.constant 0 : i32
        %dma_wait3A_117 = arith.constant 0 : i32
        %dma_wait3A_118 = tpu.memref_slice %arg16[%dma_wait3A_116, %dma_wait3A_117] : memref<8x144xf32, #tpu.memory_space<vmem>> -> memref<16x144xf32, #tpu.memory_space<vmem>>
        %dma_wait3A_119 = arith.constant 9984 : i32
        %dma_wait3A_120 = arith.constant 0 : i32
        %dma_wait3A_121 = tpu.memref_slice %arg17[%dma_wait3A_119, %dma_wait3A_120] : memref<10000x144xf32, #tpu.memory_space<vmem_shared>> -> memref<16x144xf32, #tpu.memory_space<vmem_shared>>
        %dma_wait3A_122 = arith.constant 9984 : i32
        %dma_wait3A_123 = arith.constant 0 : i32
        %dma_wait3A_124 = tpu.memref_slice %arg17[%dma_wait3A_122, %dma_wait3A_123] : memref<10000x144xf32, #tpu.memory_space<vmem_shared>> -> memref<16x144xf32, #tpu.memory_space<vmem_shared>>
        %dma_wait3A_125 = arith.constant 0 : i32
        %dma_wait3A_126 = arith.constant 0 : i32
        %dma_wait3A_127 = tpu.memref_slice %arg16[%dma_wait3A_125, %dma_wait3A_126] : memref<8x144xf32, #tpu.memory_space<vmem>> -> memref<16x144xf32, #tpu.memory_space<vmem>>
        tpu.wait_dma2 semaphore(%run_scoped3A_103 : memref<!tpu.dma_semaphore, #tpu.memory_space<semaphore_mem>>) src(%dma_wait3A_127 : memref<16x144xf32, #tpu.memory_space<vmem>>) dst(%dma_wait3A_124 : memref<16x144xf32, #tpu.memory_space<vmem_shared>>)
        tpu.yield
      }) : () -> ()
    } else {
    }
    "tpu.region"() ({
      %run_scoped3A_103 = tpu.sem_alloc : memref<!tpu.dma_semaphore, #tpu.memory_space<semaphore_mem>>
      tpu.enqueue_dma source(%arg5 : memref<16xf32, #tpu.memory_space<hbm>>) target(%arg15 : memref<16xf32, #tpu.memory_space<vmem>>) target_semaphore(%run_scoped3A_103 : memref<!tpu.dma_semaphore, #tpu.memory_space<semaphore_mem>>)
      tpu.wait_dma2 semaphore(%run_scoped3A_103 : memref<!tpu.dma_semaphore, #tpu.memory_space<semaphore_mem>>) src(%arg5 : memref<16xf32, #tpu.memory_space<hbm>>) dst(%arg15 : memref<16xf32, #tpu.memory_space<vmem>>)
      tpu.yield
    }) : () -> ()
    %dma_wait3A = arith.constant 0 : i32
    %dma_wait3A_41 = arith.constant 0 : i32
    %dma_wait3A_42 = tpu.memref_slice %arg8[%dma_wait3A, %dma_wait3A_41] : memref<3x96xi32, #tpu.memory_space<vmem>> -> memref<3x80xi32, #tpu.memory_space<vmem>>
    %dma_wait3A_43 = arith.constant 0 : i32
    %dma_wait3A_44 = arith.constant 0 : i32
    %dma_wait3A_45 = tpu.memref_slice %arg2[%dma_wait3A_43, %dma_wait3A_44] : memref<3x320000xi32, #tpu.memory_space<hbm>> -> memref<3x80xi32, #tpu.memory_space<hbm>>
    %dma_wait3A_46 = arith.constant 0 : i32
    %dma_wait3A_47 = arith.constant 0 : i32
    %dma_wait3A_48 = tpu.memref_slice %arg8[%dma_wait3A_46, %dma_wait3A_47] : memref<3x96xi32, #tpu.memory_space<vmem>> -> memref<3x80xi32, #tpu.memory_space<vmem>>
    %dma_wait3A_49 = arith.constant 0 : i32
    %dma_wait3A_50 = arith.constant 0 : i32
    %dma_wait3A_51 = tpu.memref_slice %arg2[%dma_wait3A_49, %dma_wait3A_50] : memref<3x320000xi32, #tpu.memory_space<hbm>> -> memref<3x80xi32, #tpu.memory_space<hbm>>
    tpu.wait_dma2 semaphore(%arg18 : memref<!tpu.dma_semaphore, #tpu.memory_space<semaphore_mem>>) src(%dma_wait3A_51 : memref<3x80xi32, #tpu.memory_space<hbm>>) dst(%dma_wait3A_48 : memref<3x80xi32, #tpu.memory_space<vmem>>)
    %dma_start3A_52 = arith.constant 0 : i32
    %dma_start3A_53 = arith.constant 0 : i32
    %dma_start3A_54 = tpu.memref_slice %arg8[%dma_start3A_52, %dma_start3A_53] : memref<3x96xi32, #tpu.memory_space<vmem>> -> memref<1x80xi32, #tpu.memory_space<vmem>>
    %dma_start3A_55 = tpu.memref_squeeze %dma_start3A_54 : memref<1x80xi32, #tpu.memory_space<vmem>> -> memref<80xi32, #tpu.memory_space<vmem>>
    %dma_start3A_56 = arith.constant 0 : i32
    %dma_start3A_57 = arith.constant 0 : i32
    %dma_start3A_58 = tpu.memref_slice %arg4[%dma_start3A_56, %dma_start3A_57] : memref<10000x144xf32, #tpu.memory_space<hbm>> -> memref<10000x144xf32, #tpu.memory_space<hbm>>
    tpu.enqueue_indirect_dma source(%dma_start3A_58 : memref<10000x144xf32, #tpu.memory_space<hbm>>) target(%arg12 : memref<80x144xf32, #tpu.memory_space<vmem>>) offsets(%dma_start3A_55 : memref<80xi32, #tpu.memory_space<vmem>>) semaphore(%arg20 : memref<!tpu.dma_semaphore, #tpu.memory_space<semaphore_mem>>)
    %dma_start3A_59 = arith.constant 1 : i32
    %dma_start3A_60 = arith.constant 0 : i32
    %dma_start3A_61 = tpu.memref_slice %arg8[%dma_start3A_59, %dma_start3A_60] : memref<3x96xi32, #tpu.memory_space<vmem>> -> memref<1x80xi32, #tpu.memory_space<vmem>>
    %dma_start3A_62 = tpu.memref_squeeze %dma_start3A_61 : memref<1x80xi32, #tpu.memory_space<vmem>> -> memref<80xi32, #tpu.memory_space<vmem>>
    %dma_start3A_63 = arith.constant 0 : i32
    %dma_start3A_64 = arith.constant 0 : i32
    %dma_start3A_65 = tpu.memref_slice %arg3[%dma_start3A_63, %dma_start3A_64] : memref<10000x16xf32, #tpu.memory_space<hbm>> -> memref<10000x16xf32, #tpu.memory_space<hbm>>
    tpu.enqueue_indirect_dma source(%dma_start3A_65 : memref<10000x16xf32, #tpu.memory_space<hbm>>) target(%arg10 : memref<80x16xf32, #tpu.memory_space<vmem>>) offsets(%dma_start3A_62 : memref<80xi32, #tpu.memory_space<vmem>>) semaphore(%arg20 : memref<!tpu.dma_semaphore, #tpu.memory_space<semaphore_mem>>)
    %barrier3A = arith.constant 0 : index
    tpu.barrier barrier_id(%barrier3A)
    %get3A = arith.constant 0 : index
    %get3A_66 = tpu.vector_load %arg15[%get3A] {strides = array<i32>} : memref<16xf32, #tpu.memory_space<vmem>>, vector<16xf32>,
    %slice3A = vector.extract_strided_slice %get3A_66 {offsets = [15], sizes = [1], strides = [1]} : vector<16xf32> to vector<1xf32>
    %squeeze3A = vector.extract %slice3A[0] : f32 from vector<1xf32>
    %iota3A = tpu.iota {dimensions = array<i32: 0>} : vector<16xi32>
    %lt3A = arith.constant 8 : i32
    %lt3A_67 = vector.broadcast %lt3A : i32 to vector<16xi32>
    %lt3A_68 = arith.cmpi slt, %iota3A, %lt3A_67 : vector<16xi32>
    %scan3A_69 = arith.constant 0 : i32
    %scan3A_70 = arith.constant 0 : i32
    %scan3A_71 = arith.constant 62 : i32
    %scan3A_72 = arith.addi %scan3A_70, %scan3A_71 : i32
    %scan3A_73 = arith.constant 1 : i32
    scf.for %scan3A_103 = %scan3A_70 to %scan3A_72 step %scan3A_73  : i32 {
      %mul3A_104 = arith.constant 2 : i32
      %mul3A_105 = arith.muli %mul3A_104, %scan3A_103 : i32
      %dma_wait3A_106 = arith.constant 0 : i32
      %dma_wait3A_107 = arith.constant 0 : i32
      %dma_wait3A_108 = tpu.memref_slice %arg4[%dma_wait3A_106, %dma_wait3A_107] : memref<10000x144xf32, #tpu.memory_space<hbm>> -> memref<80x144xf32, #tpu.memory_space<hbm>>
      %dma_wait3A_109 = arith.constant 0 : i32
      %dma_wait3A_110 = arith.constant 0 : i32
      %dma_wait3A_111 = tpu.memref_slice %arg4[%dma_wait3A_109, %dma_wait3A_110] : memref<10000x144xf32, #tpu.memory_space<hbm>> -> memref<80x144xf32, #tpu.memory_space<hbm>>
      tpu.wait_dma2 semaphore(%arg20 : memref<!tpu.dma_semaphore, #tpu.memory_space<semaphore_mem>>) src(%dma_wait3A_111 : memref<80x144xf32, #tpu.memory_space<hbm>>) dst(%arg12 : memref<80x144xf32, #tpu.memory_space<vmem>>)
      %dma_wait3A_112 = arith.constant 0 : i32
      %dma_wait3A_113 = arith.constant 0 : i32
      %dma_wait3A_114 = tpu.memref_slice %arg3[%dma_wait3A_112, %dma_wait3A_113] : memref<10000x16xf32, #tpu.memory_space<hbm>> -> memref<80x16xf32, #tpu.memory_space<hbm>>
      %dma_wait3A_115 = arith.constant 0 : i32
      %dma_wait3A_116 = arith.constant 0 : i32
      %dma_wait3A_117 = tpu.memref_slice %arg3[%dma_wait3A_115, %dma_wait3A_116] : memref<10000x16xf32, #tpu.memory_space<hbm>> -> memref<80x16xf32, #tpu.memory_space<hbm>>
      tpu.wait_dma2 semaphore(%arg20 : memref<!tpu.dma_semaphore, #tpu.memory_space<semaphore_mem>>) src(%dma_wait3A_117 : memref<80x16xf32, #tpu.memory_space<hbm>>) dst(%arg10 : memref<80x16xf32, #tpu.memory_space<vmem>>)
      %dma_wait3A_118 = arith.constant 0 : i32
      %dma_wait3A_119 = arith.constant 0 : i32
      %dma_wait3A_120 = tpu.memref_slice %arg9[%dma_wait3A_118, %dma_wait3A_119] : memref<3x96xi32, #tpu.memory_space<vmem>> -> memref<3x80xi32, #tpu.memory_space<vmem>>
      %dma_wait3A_121 = arith.constant 0 : i32
      %dma_wait3A_122 = arith.constant 0 : i32
      %dma_wait3A_123 = tpu.memref_slice %arg2[%dma_wait3A_121, %dma_wait3A_122] : memref<3x320000xi32, #tpu.memory_space<hbm>> -> memref<3x80xi32, #tpu.memory_space<hbm>>
      %dma_wait3A_124 = arith.constant 0 : i32
      %dma_wait3A_125 = arith.constant 0 : i32
      %dma_wait3A_126 = tpu.memref_slice %arg9[%dma_wait3A_124, %dma_wait3A_125] : memref<3x96xi32, #tpu.memory_space<vmem>> -> memref<3x80xi32, #tpu.memory_space<vmem>>
      %dma_wait3A_127 = arith.constant 0 : i32
      %dma_wait3A_128 = arith.constant 0 : i32
      %dma_wait3A_129 = tpu.memref_slice %arg2[%dma_wait3A_127, %dma_wait3A_128] : memref<3x320000xi32, #tpu.memory_space<hbm>> -> memref<3x80xi32, #tpu.memory_space<hbm>>
      tpu.wait_dma2 semaphore(%arg19 : memref<!tpu.dma_semaphore, #tpu.memory_space<semaphore_mem>>) src(%dma_wait3A_129 : memref<3x80xi32, #tpu.memory_space<hbm>>) dst(%dma_wait3A_126 : memref<3x80xi32, #tpu.memory_space<vmem>>)
      %dma_start3A_130 = arith.constant 0 : i32
      %dma_start3A_131 = arith.constant 0 : i32
      %dma_start3A_132 = tpu.memref_slice %arg9[%dma_start3A_130, %dma_start3A_131] : memref<3x96xi32, #tpu.memory_space<vmem>> -> memref<1x80xi32, #tpu.memory_space<vmem>>
      %dma_start3A_133 = tpu.memref_squeeze %dma_start3A_132 : memref<1x80xi32, #tpu.memory_space<vmem>> -> memref<80xi32, #tpu.memory_space<vmem>>
      %dma_start3A_134 = arith.constant 0 : i32
      %dma_start3A_135 = arith.constant 0 : i32
      %dma_start3A_136 = tpu.memref_slice %arg4[%dma_start3A_134, %dma_start3A_135] : memref<10000x144xf32, #tpu.memory_space<hbm>> -> memref<10000x144xf32, #tpu.memory_space<hbm>>
      tpu.enqueue_indirect_dma source(%dma_start3A_136 : memref<10000x144xf32, #tpu.memory_space<hbm>>) target(%arg13 : memref<80x144xf32, #tpu.memory_space<vmem>>) offsets(%dma_start3A_133 : memref<80xi32, #tpu.memory_space<vmem>>) semaphore(%arg21 : memref<!tpu.dma_semaphore, #tpu.memory_space<semaphore_mem>>)
      %dma_start3A_137 = arith.constant 1 : i32
      %dma_start3A_138 = arith.constant 0 : i32
      %dma_start3A_139 = tpu.memref_slice %arg9[%dma_start3A_137, %dma_start3A_138] : memref<3x96xi32, #tpu.memory_space<vmem>> -> memref<1x80xi32, #tpu.memory_space<vmem>>
      %dma_start3A_140 = tpu.memref_squeeze %dma_start3A_139 : memref<1x80xi32, #tpu.memory_space<vmem>> -> memref<80xi32, #tpu.memory_space<vmem>>
      %dma_start3A_141 = arith.constant 0 : i32
      %dma_start3A_142 = arith.constant 0 : i32
      %dma_start3A_143 = tpu.memref_slice %arg3[%dma_start3A_141, %dma_start3A_142] : memref<10000x16xf32, #tpu.memory_space<hbm>> -> memref<10000x16xf32, #tpu.memory_space<hbm>>
      tpu.enqueue_indirect_dma source(%dma_start3A_143 : memref<10000x16xf32, #tpu.memory_space<hbm>>) target(%arg11 : memref<80x16xf32, #tpu.memory_space<vmem>>) offsets(%dma_start3A_140 : memref<80xi32, #tpu.memory_space<vmem>>) semaphore(%arg21 : memref<!tpu.dma_semaphore, #tpu.memory_space<semaphore_mem>>)
      %parallel_loop3A_144 = arith.constant 0 : i32
      %parallel_loop3A_145 = arith.constant 80 : i32
      %parallel_loop3A_146 = arith.constant 1 : i32
      scf.for %parallel_loop3A_212 = %parallel_loop3A_144 to %parallel_loop3A_145 step %parallel_loop3A_146  : i32 {
        %parallel_loop3A_213 = arith.constant 2 : i32
        %parallel_loop3A_214 = arith.index_cast %parallel_loop3A_213 : i32 to index
        %parallel_loop3A_215 = arith.index_cast %parallel_loop3A_212 : i32 to index
        %parallel_loop3A_216 = tpu.vector_load %arg8[%parallel_loop3A_214, %parallel_loop3A_215] {strides = array<i32>} : memref<3x96xi32, #tpu.memory_space<vmem>>, vector<16xi32>,
        %parallel_loop3A_217 = vector.bitcast %parallel_loop3A_216 : vector<16xi32> to vector<16xf32>
        %parallel_loop3A_218 = arith.index_cast %parallel_loop3A_212 : i32 to index
        %parallel_loop3A_219 = arith.constant 128 : index
        %parallel_loop3A_220 = tpu.vector_load %arg12[%parallel_loop3A_218, %parallel_loop3A_219] {strides = array<i32>} : memref<80x144xf32, #tpu.memory_space<vmem>>, vector<16xf32>,
        %parallel_loop3A_221 = arith.index_cast %parallel_loop3A_212 : i32 to index
        %parallel_loop3A_222 = arith.constant 0 : index
        %parallel_loop3A_223 = tpu.vector_load %arg10[%parallel_loop3A_221, %parallel_loop3A_222] {strides = array<i32>} : memref<80x16xf32, #tpu.memory_space<vmem>>, vector<16xf32>,
        %parallel_loop3A_224 = arith.addf %parallel_loop3A_220, %parallel_loop3A_223 : vector<16xf32>
        %parallel_loop3A_225 = vector.extract_strided_slice %parallel_loop3A_217 {offsets = [0], sizes = [1], strides = [1]} : vector<16xf32> to vector<1xf32>
        %parallel_loop3A_226 = vector.extract %parallel_loop3A_225[0] : f32 from vector<1xf32>
        %parallel_loop3A_227 = vector.broadcast %parallel_loop3A_226 : f32 to vector<16xf32>
        %parallel_loop3A_228 = arith.mulf %parallel_loop3A_227, %get3A_66 : vector<16xf32>
        %parallel_loop3A_229 = arith.addf %parallel_loop3A_224, %parallel_loop3A_228 : vector<16xf32>
        %parallel_loop3A_230 = arith.constant 0.000000e+00 : f32
        %parallel_loop3A_231 = vector.broadcast %parallel_loop3A_230 : f32 to vector<16xf32>
        %parallel_loop3A_232 = arith.cmpf ogt, %parallel_loop3A_229, %parallel_loop3A_231 : vector<16xf32>
        %parallel_loop3A_233 = arith.constant 2.000000e-01 : f32
        %parallel_loop3A_234 = vector.broadcast %parallel_loop3A_233 : f32 to vector<16xf32>
        %parallel_loop3A_235 = arith.mulf %parallel_loop3A_234, %parallel_loop3A_229 : vector<16xf32>
        %parallel_loop3A_236 = arith.select %parallel_loop3A_232, %parallel_loop3A_229, %parallel_loop3A_235 : vector<16xi1>, vector<16xf32>
        %parallel_loop3A_237 = vector.broadcast %squeeze3A : f32 to vector<16xf32>
        %parallel_loop3A_238 = arith.subf %parallel_loop3A_236, %parallel_loop3A_237 : vector<16xf32>
        %parallel_loop3A_239 = math.exp %parallel_loop3A_238 : vector<16xf32>
        %parallel_loop3A_240 = arith.constant 0.000000e+00 : f32
        %parallel_loop3A_241 = vector.broadcast %parallel_loop3A_240 : f32 to vector<16xf32>
        %parallel_loop3A_242 = arith.select %lt3A_68, %parallel_loop3A_239, %parallel_loop3A_241 : vector<16xi1>, vector<16xf32>
        %parallel_loop3A_243 = arith.index_cast %parallel_loop3A_212 : i32 to index
        %parallel_loop3A_244 = arith.constant 128 : index
        %parallel_loop3A_245 = tpu.vector_load %arg14[%parallel_loop3A_243, %parallel_loop3A_244] {strides = array<i32>} : memref<80x144xf32, #tpu.memory_space<vmem>>, vector<16xf32>,
        tpu.vector_store %arg14[%parallel_loop3A_243, %parallel_loop3A_244], %parallel_loop3A_242 {strides = array<i32>} : memref<80x144xf32, #tpu.memory_space<vmem>>, vector<16xf32>,
        %parallel_loop3A_246 = arith.index_cast %parallel_loop3A_212 : i32 to index
        %parallel_loop3A_247 = arith.constant 0 : index
        %parallel_loop3A_248 = tpu.vector_load %arg12[%parallel_loop3A_246, %parallel_loop3A_247] {strides = array<i32>} : memref<80x144xf32, #tpu.memory_space<vmem>>, vector<16xf32>,
        %parallel_loop3A_249 = vector.extract_strided_slice %parallel_loop3A_242 {offsets = [0], sizes = [1], strides = [1]} : vector<16xf32> to vector<1xf32>
        %parallel_loop3A_250 = vector.extract %parallel_loop3A_249[0] : f32 from vector<1xf32>
        %parallel_loop3A_251 = vector.broadcast %parallel_loop3A_250 : f32 to vector<16xf32>
        %parallel_loop3A_252 = arith.mulf %parallel_loop3A_248, %parallel_loop3A_251 : vector<16xf32>
        %parallel_loop3A_253 = arith.index_cast %parallel_loop3A_212 : i32 to index
        %parallel_loop3A_254 = arith.constant 0 : index
        %parallel_loop3A_255 = tpu.vector_load %arg14[%parallel_loop3A_253, %parallel_loop3A_254] {strides = array<i32>} : memref<80x144xf32, #tpu.memory_space<vmem>>, vector<16xf32>,
        tpu.vector_store %arg14[%parallel_loop3A_253, %parallel_loop3A_254], %parallel_loop3A_252 {strides = array<i32>} : memref<80x144xf32, #tpu.memory_space<vmem>>, vector<16xf32>,
        %parallel_loop3A_256 = arith.index_cast %parallel_loop3A_212 : i32 to index
        %parallel_loop3A_257 = arith.constant 16 : index
        %parallel_loop3A_258 = tpu.vector_load %arg12[%parallel_loop3A_256, %parallel_loop3A_257] {strides = array<i32>} : memref<80x144xf32, #tpu.memory_space<vmem>>, vector<16xf32>,
        %parallel_loop3A_259 = vector.extract_strided_slice %parallel_loop3A_242 {offsets = [1], sizes = [1], strides = [1]} : vector<16xf32> to vector<1xf32>
        %parallel_loop3A_260 = vector.extract %parallel_loop3A_259[0] : f32 from vector<1xf32>
        %parallel_loop3A_261 = vector.broadcast %parallel_loop3A_260 : f32 to vector<16xf32>
        %parallel_loop3A_262 = arith.mulf %parallel_loop3A_258, %parallel_loop3A_261 : vector<16xf32>
        %parallel_loop3A_263 = arith.index_cast %parallel_loop3A_212 : i32 to index
        %parallel_loop3A_264 = arith.constant 16 : index
        %parallel_loop3A_265 = tpu.vector_load %arg14[%parallel_loop3A_263, %parallel_loop3A_264] {strides = array<i32>} : memref<80x144xf32, #tpu.memory_space<vmem>>, vector<16xf32>,
        tpu.vector_store %arg14[%parallel_loop3A_263, %parallel_loop3A_264], %parallel_loop3A_262 {strides = array<i32>} : memref<80x144xf32, #tpu.memory_space<vmem>>, vector<16xf32>,
        %parallel_loop3A_266 = arith.index_cast %parallel_loop3A_212 : i32 to index
        %parallel_loop3A_267 = arith.constant 32 : index
        %parallel_loop3A_268 = tpu.vector_load %arg12[%parallel_loop3A_266, %parallel_loop3A_267] {strides = array<i32>} : memref<80x144xf32, #tpu.memory_space<vmem>>, vector<16xf32>,
        %parallel_loop3A_269 = vector.extract_strided_slice %parallel_loop3A_242 {offsets = [2], sizes = [1], strides = [1]} : vector<16xf32> to vector<1xf32>
        %parallel_loop3A_270 = vector.extract %parallel_loop3A_269[0] : f32 from vector<1xf32>
        %parallel_loop3A_271 = vector.broadcast %parallel_loop3A_270 : f32 to vector<16xf32>
        %parallel_loop3A_272 = arith.mulf %parallel_loop3A_268, %parallel_loop3A_271 : vector<16xf32>
        %parallel_loop3A_273 = arith.index_cast %parallel_loop3A_212 : i32 to index
        %parallel_loop3A_274 = arith.constant 32 : index
        %parallel_loop3A_275 = tpu.vector_load %arg14[%parallel_loop3A_273, %parallel_loop3A_274] {strides = array<i32>} : memref<80x144xf32, #tpu.memory_space<vmem>>, vector<16xf32>,
        tpu.vector_store %arg14[%parallel_loop3A_273, %parallel_loop3A_274], %parallel_loop3A_272 {strides = array<i32>} : memref<80x144xf32, #tpu.memory_space<vmem>>, vector<16xf32>,
        %parallel_loop3A_276 = arith.index_cast %parallel_loop3A_212 : i32 to index
        %parallel_loop3A_277 = arith.constant 48 : index
        %parallel_loop3A_278 = tpu.vector_load %arg12[%parallel_loop3A_276, %parallel_loop3A_277] {strides = array<i32>} : memref<80x144xf32, #tpu.memory_space<vmem>>, vector<16xf32>,
        %parallel_loop3A_279 = vector.extract_strided_slice %parallel_loop3A_242 {offsets = [3], sizes = [1], strides = [1]} : vector<16xf32> to vector<1xf32>
        %parallel_loop3A_280 = vector.extract %parallel_loop3A_279[0] : f32 from vector<1xf32>
        %parallel_loop3A_281 = vector.broadcast %parallel_loop3A_280 : f32 to vector<16xf32>
        %parallel_loop3A_282 = arith.mulf %parallel_loop3A_278, %parallel_loop3A_281 : vector<16xf32>
        %parallel_loop3A_283 = arith.index_cast %parallel_loop3A_212 : i32 to index
        %parallel_loop3A_284 = arith.constant 48 : index
        %parallel_loop3A_285 = tpu.vector_load %arg14[%parallel_loop3A_283, %parallel_loop3A_284] {strides = array<i32>} : memref<80x144xf32, #tpu.memory_space<vmem>>, vector<16xf32>,
        tpu.vector_store %arg14[%parallel_loop3A_283, %parallel_loop3A_284], %parallel_loop3A_282 {strides = array<i32>} : memref<80x144xf32, #tpu.memory_space<vmem>>, vector<16xf32>,
        %parallel_loop3A_286 = arith.index_cast %parallel_loop3A_212 : i32 to index
        %parallel_loop3A_287 = arith.constant 64 : index
        %parallel_loop3A_288 = tpu.vector_load %arg12[%parallel_loop3A_286, %parallel_loop3A_287] {strides = array<i32>} : memref<80x144xf32, #tpu.memory_space<vmem>>, vector<16xf32>,
        %parallel_loop3A_289 = vector.extract_strided_slice %parallel_loop3A_242 {offsets = [4], sizes = [1], strides = [1]} : vector<16xf32> to vector<1xf32>
        %parallel_loop3A_290 = vector.extract %parallel_loop3A_289[0] : f32 from vector<1xf32>
        %parallel_loop3A_291 = vector.broadcast %parallel_loop3A_290 : f32 to vector<16xf32>
        %parallel_loop3A_292 = arith.mulf %parallel_loop3A_288, %parallel_loop3A_291 : vector<16xf32>
        %parallel_loop3A_293 = arith.index_cast %parallel_loop3A_212 : i32 to index
        %parallel_loop3A_294 = arith.constant 64 : index
        %parallel_loop3A_295 = tpu.vector_load %arg14[%parallel_loop3A_293, %parallel_loop3A_294] {strides = array<i32>} : memref<80x144xf32, #tpu.memory_space<vmem>>, vector<16xf32>,
        tpu.vector_store %arg14[%parallel_loop3A_293, %parallel_loop3A_294], %parallel_loop3A_292 {strides = array<i32>} : memref<80x144xf32, #tpu.memory_space<vmem>>, vector<16xf32>,
        %parallel_loop3A_296 = arith.index_cast %parallel_loop3A_212 : i32 to index
        %parallel_loop3A_297 = arith.constant 80 : index
        %parallel_loop3A_298 = tpu.vector_load %arg12[%parallel_loop3A_296, %parallel_loop3A_297] {strides = array<i32>} : memref<80x144xf32, #tpu.memory_space<vmem>>, vector<16xf32>,
        %parallel_loop3A_299 = vector.extract_strided_slice %parallel_loop3A_242 {offsets = [5], sizes = [1], strides = [1]} : vector<16xf32> to vector<1xf32>
        %parallel_loop3A_300 = vector.extract %parallel_loop3A_299[0] : f32 from vector<1xf32>
        %parallel_loop3A_301 = vector.broadcast %parallel_loop3A_300 : f32 to vector<16xf32>
        %parallel_loop3A_302 = arith.mulf %parallel_loop3A_298, %parallel_loop3A_301 : vector<16xf32>
        %parallel_loop3A_303 = arith.index_cast %parallel_loop3A_212 : i32 to index
        %parallel_loop3A_304 = arith.constant 80 : index
        %parallel_loop3A_305 = tpu.vector_load %arg14[%parallel_loop3A_303, %parallel_loop3A_304] {strides = array<i32>} : memref<80x144xf32, #tpu.memory_space<vmem>>, vector<16xf32>,
        tpu.vector_store %arg14[%parallel_loop3A_303, %parallel_loop3A_304], %parallel_loop3A_302 {strides = array<i32>} : memref<80x144xf32, #tpu.memory_space<vmem>>, vector<16xf32>,
        %parallel_loop3A_306 = arith.index_cast %parallel_loop3A_212 : i32 to index
        %parallel_loop3A_307 = arith.constant 96 : index
        %parallel_loop3A_308 = tpu.vector_load %arg12[%parallel_loop3A_306, %parallel_loop3A_307] {strides = array<i32>} : memref<80x144xf32, #tpu.memory_space<vmem>>, vector<16xf32>,
        %parallel_loop3A_309 = vector.extract_strided_slice %parallel_loop3A_242 {offsets = [6], sizes = [1], strides = [1]} : vector<16xf32> to vector<1xf32>
        %parallel_loop3A_310 = vector.extract %parallel_loop3A_309[0] : f32 from vector<1xf32>
        %parallel_loop3A_311 = vector.broadcast %parallel_loop3A_310 : f32 to vector<16xf32>
        %parallel_loop3A_312 = arith.mulf %parallel_loop3A_308, %parallel_loop3A_311 : vector<16xf32>
        %parallel_loop3A_313 = arith.index_cast %parallel_loop3A_212 : i32 to index
        %parallel_loop3A_314 = arith.constant 96 : index
        %parallel_loop3A_315 = tpu.vector_load %arg14[%parallel_loop3A_313, %parallel_loop3A_314] {strides = array<i32>} : memref<80x144xf32, #tpu.memory_space<vmem>>, vector<16xf32>,
        tpu.vector_store %arg14[%parallel_loop3A_313, %parallel_loop3A_314], %parallel_loop3A_312 {strides = array<i32>} : memref<80x144xf32, #tpu.memory_space<vmem>>, vector<16xf32>,
        %parallel_loop3A_316 = arith.index_cast %parallel_loop3A_212 : i32 to index
        %parallel_loop3A_317 = arith.constant 112 : index
        %parallel_loop3A_318 = tpu.vector_load %arg12[%parallel_loop3A_316, %parallel_loop3A_317] {strides = array<i32>} : memref<80x144xf32, #tpu.memory_space<vmem>>, vector<16xf32>,
        %parallel_loop3A_319 = vector.extract_strided_slice %parallel_loop3A_242 {offsets = [7], sizes = [1], strides = [1]} : vector<16xf32> to vector<1xf32>
        %parallel_loop3A_320 = vector.extract %parallel_loop3A_319[0] : f32 from vector<1xf32>
        %parallel_loop3A_321 = vector.broadcast %parallel_loop3A_320 : f32 to vector<16xf32>
        %parallel_loop3A_322 = arith.mulf %parallel_loop3A_318, %parallel_loop3A_321 : vector<16xf32>
        %parallel_loop3A_323 = arith.index_cast %parallel_loop3A_212 : i32 to index
        %parallel_loop3A_324 = arith.constant 112 : index
        %parallel_loop3A_325 = tpu.vector_load %arg14[%parallel_loop3A_323, %parallel_loop3A_324] {strides = array<i32>} : memref<80x144xf32, #tpu.memory_space<vmem>>, vector<16xf32>,
        tpu.vector_store %arg14[%parallel_loop3A_323, %parallel_loop3A_324], %parallel_loop3A_322 {strides = array<i32>} : memref<80x144xf32, #tpu.memory_space<vmem>>, vector<16xf32>,
      } {sc.loop_unroll_factor = 8 : i64, sc.parallel_access}
      %run_scoped3A_147 = arith.constant 1 : i32
      "tpu.region"() ({
        %run_scoped3A_212 = tpu.sem_alloc : memref<!tpu.dma_semaphore, #tpu.memory_space<semaphore_mem>>
        %dma_start3A_213 = arith.constant 0 : i32
        %dma_start3A_214 = tpu.memref_slice %arg8[%run_scoped3A_147, %dma_start3A_213] : memref<3x96xi32, #tpu.memory_space<vmem>> -> memref<1x80xi32, #tpu.memory_space<vmem>>
        %dma_start3A_215 = tpu.memref_squeeze %dma_start3A_214 : memref<1x80xi32, #tpu.memory_space<vmem>> -> memref<80xi32, #tpu.memory_space<vmem>>
        %dma_start3A_216 = arith.constant 0 : i32
        %dma_start3A_217 = arith.constant 0 : i32
        %dma_start3A_218 = tpu.memref_slice %arg17[%dma_start3A_216, %dma_start3A_217] : memref<10000x144xf32, #tpu.memory_space<vmem_shared>> -> memref<10000x144xf32, #tpu.memory_space<vmem_shared>>
        tpu.enqueue_indirect_dma source(%arg14 : memref<80x144xf32, #tpu.memory_space<vmem>>) target(%dma_start3A_218 : memref<10000x144xf32, #tpu.memory_space<vmem_shared>>) offsets(%dma_start3A_215 : memref<80xi32, #tpu.memory_space<vmem>>) semaphore(%run_scoped3A_212 : memref<!tpu.dma_semaphore, #tpu.memory_space<semaphore_mem>>) {add = true}
        %dma_wait3A_219 = arith.constant 0 : i32
        %dma_wait3A_220 = tpu.memref_slice %arg8[%run_scoped3A_147, %dma_wait3A_219] : memref<3x96xi32, #tpu.memory_space<vmem>> -> memref<1x80xi32, #tpu.memory_space<vmem>>
        %dma_wait3A_221 = tpu.memref_squeeze %dma_wait3A_220 : memref<1x80xi32, #tpu.memory_space<vmem>> -> memref<80xi32, #tpu.memory_space<vmem>>
        %dma_wait3A_222 = arith.constant 0 : i32
        %dma_wait3A_223 = arith.constant 0 : i32
        %dma_wait3A_224 = tpu.memref_slice %arg17[%dma_wait3A_222, %dma_wait3A_223] : memref<10000x144xf32, #tpu.memory_space<vmem_shared>> -> memref<10000x144xf32, #tpu.memory_space<vmem_shared>>
        tpu.wait_indirect_dma semaphore(%run_scoped3A_212 : memref<!tpu.dma_semaphore, #tpu.memory_space<semaphore_mem>>) src(%arg14 : memref<80x144xf32, #tpu.memory_space<vmem>>) dst(%dma_wait3A_224 : memref<10000x144xf32, #tpu.memory_space<vmem_shared>>)
        tpu.yield
      }) : () -> ()
      %add3A_148 = arith.constant 2 : i32
      %add3A_149 = arith.addi %mul3A_105, %add3A_148 : i32
      %mul3A_150 = arith.constant 10000 : i32
      %mul3A_151 = arith.muli %add3A, %mul3A_150 : i32
      %mul3A_152 = arith.constant 80 : i32
      %mul3A_153 = arith.muli %add3A_149, %mul3A_152 : i32
      %add3A_154 = arith.addi %mul3A_151, %mul3A_153 : i32
      %dma_start3A_155 = arith.constant 0 : i32
      %dma_start3A_156 = arith.constant 0 : i32
      %dma_start3A_157 = tpu.memref_slice %arg8[%dma_start3A_155, %dma_start3A_156] : memref<3x96xi32, #tpu.memory_space<vmem>> -> memref<3x80xi32, #tpu.memory_space<vmem>>
      %dma_start3A_158 = arith.constant 0 : i32
      %dma_start3A_159 = tpu.memref_slice %arg2[%dma_start3A_158, %add3A_154] : memref<3x320000xi32, #tpu.memory_space<hbm>> -> memref<3x80xi32, #tpu.memory_space<hbm>>
      %dma_start3A_160 = arith.constant 0 : i32
      %dma_start3A_161 = arith.constant 0 : i32
      %dma_start3A_162 = tpu.memref_slice %arg8[%dma_start3A_160, %dma_start3A_161] : memref<3x96xi32, #tpu.memory_space<vmem>> -> memref<3x80xi32, #tpu.memory_space<vmem>>
      %dma_start3A_163 = arith.constant 0 : i32
      %dma_start3A_164 = tpu.memref_slice %arg2[%dma_start3A_163, %add3A_154] : memref<3x320000xi32, #tpu.memory_space<hbm>> -> memref<3x80xi32, #tpu.memory_space<hbm>>
      tpu.enqueue_dma source(%dma_start3A_164 : memref<3x80xi32, #tpu.memory_space<hbm>>) target(%dma_start3A_162 : memref<3x80xi32, #tpu.memory_space<vmem>>) target_semaphore(%arg18 : memref<!tpu.dma_semaphore, #tpu.memory_space<semaphore_mem>>)
      %dma_wait3A_165 = arith.constant 0 : i32
      %dma_wait3A_166 = arith.constant 0 : i32
      %dma_wait3A_167 = tpu.memref_slice %arg4[%dma_wait3A_165, %dma_wait3A_166] : memref<10000x144xf32, #tpu.memory_space<hbm>> -> memref<80x144xf32, #tpu.memory_space<hbm>>
      %dma_wait3A_168 = arith.constant 0 : i32
      %dma_wait3A_169 = arith.constant 0 : i32
      %dma_wait3A_170 = tpu.memref_slice %arg4[%dma_wait3A_168, %dma_wait3A_169] : memref<10000x144xf32, #tpu.memory_space<hbm>> -> memref<80x144xf32, #tpu.memory_space<hbm>>
      tpu.wait_dma2 semaphore(%arg21 : memref<!tpu.dma_semaphore, #tpu.memory_space<semaphore_mem>>) src(%dma_wait3A_170 : memref<80x144xf32, #tpu.memory_space<hbm>>) dst(%arg13 : memref<80x144xf32, #tpu.memory_space<vmem>>)
      %dma_wait3A_171 = arith.constant 0 : i32
      %dma_wait3A_172 = arith.constant 0 : i32
      %dma_wait3A_173 = tpu.memref_slice %arg3[%dma_wait3A_171, %dma_wait3A_172] : memref<10000x16xf32, #tpu.memory_space<hbm>> -> memref<80x16xf32, #tpu.memory_space<hbm>>
      %dma_wait3A_174 = arith.constant 0 : i32
      %dma_wait3A_175 = arith.constant 0 : i32
      %dma_wait3A_176 = tpu.memref_slice %arg3[%dma_wait3A_174, %dma_wait3A_175] : memref<10000x16xf32, #tpu.memory_space<hbm>> -> memref<80x16xf32, #tpu.memory_space<hbm>>
      tpu.wait_dma2 semaphore(%arg21 : memref<!tpu.dma_semaphore, #tpu.memory_space<semaphore_mem>>) src(%dma_wait3A_176 : memref<80x16xf32, #tpu.memory_space<hbm>>) dst(%arg11 : memref<80x16xf32, #tpu.memory_space<vmem>>)
      %dma_wait3A_177 = arith.constant 0 : i32
      %dma_wait3A_178 = arith.constant 0 : i32
      %dma_wait3A_179 = tpu.memref_slice %arg8[%dma_wait3A_177, %dma_wait3A_178] : memref<3x96xi32, #tpu.memory_space<vmem>> -> memref<3x80xi32, #tpu.memory_space<vmem>>
      %dma_wait3A_180 = arith.constant 0 : i32
      %dma_wait3A_181 = arith.constant 0 : i32
      %dma_wait3A_182 = tpu.memref_slice %arg2[%dma_wait3A_180, %dma_wait3A_181] : memref<3x320000xi32, #tpu.memory_space<hbm>> -> memref<3x80xi32, #tpu.memory_space<hbm>>
      %dma_wait3A_183 = arith.constant 0 : i32
      %dma_wait3A_184 = arith.constant 0 : i32
      %dma_wait3A_185 = tpu.memref_slice %arg8[%dma_wait3A_183, %dma_wait3A_184] : memref<3x96xi32, #tpu.memory_space<vmem>> -> memref<3x80xi32, #tpu.memory_space<vmem>>
      %dma_wait3A_186 = arith.constant 0 : i32
      %dma_wait3A_187 = arith.constant 0 : i32
      %dma_wait3A_188 = tpu.memref_slice %arg2[%dma_wait3A_186, %dma_wait3A_187] : memref<3x320000xi32, #tpu.memory_space<hbm>> -> memref<3x80xi32, #tpu.memory_space<hbm>>
      tpu.wait_dma2 semaphore(%arg18 : memref<!tpu.dma_semaphore, #tpu.memory_space<semaphore_mem>>) src(%dma_wait3A_188 : memref<3x80xi32, #tpu.memory_space<hbm>>) dst(%dma_wait3A_185 : memref<3x80xi32, #tpu.memory_space<vmem>>)
      %dma_start3A_189 = arith.constant 0 : i32
      %dma_start3A_190 = arith.constant 0 : i32
      %dma_start3A_191 = tpu.memref_slice %arg8[%dma_start3A_189, %dma_start3A_190] : memref<3x96xi32, #tpu.memory_space<vmem>> -> memref<1x80xi32, #tpu.memory_space<vmem>>
      %dma_start3A_192 = tpu.memref_squeeze %dma_start3A_191 : memref<1x80xi32, #tpu.memory_space<vmem>> -> memref<80xi32, #tpu.memory_space<vmem>>
      %dma_start3A_193 = arith.constant 0 : i32
      %dma_start3A_194 = arith.constant 0 : i32
      %dma_start3A_195 = tpu.memref_slice %arg4[%dma_start3A_193, %dma_start3A_194] : memref<10000x144xf32, #tpu.memory_space<hbm>> -> memref<10000x144xf32, #tpu.memory_space<hbm>>
      tpu.enqueue_indirect_dma source(%dma_start3A_195 : memref<10000x144xf32, #tpu.memory_space<hbm>>) target(%arg12 : memref<80x144xf32, #tpu.memory_space<vmem>>) offsets(%dma_start3A_192 : memref<80xi32, #tpu.memory_space<vmem>>) semaphore(%arg20 : memref<!tpu.dma_semaphore, #tpu.memory_space<semaphore_mem>>)
      %dma_start3A_196 = arith.constant 1 : i32
      %dma_start3A_197 = arith.constant 0 : i32
      %dma_start3A_198 = tpu.memref_slice %arg8[%dma_start3A_196, %dma_start3A_197] : memref<3x96xi32, #tpu.memory_space<vmem>> -> memref<1x80xi32, #tpu.memory_space<vmem>>
      %dma_start3A_199 = tpu.memref_squeeze %dma_start3A_198 : memref<1x80xi32, #tpu.memory_space<vmem>> -> memref<80xi32, #tpu.memory_space<vmem>>
      %dma_start3A_200 = arith.constant 0 : i32
      %dma_start3A_201 = arith.constant 0 : i32
      %dma_start3A_202 = tpu.memref_slice %arg3[%dma_start3A_200, %dma_start3A_201] : memref<10000x16xf32, #tpu.memory_space<hbm>> -> memref<10000x16xf32, #tpu.memory_space<hbm>>
      tpu.enqueue_indirect_dma source(%dma_start3A_202 : memref<10000x16xf32, #tpu.memory_space<hbm>>) target(%arg10 : memref<80x16xf32, #tpu.memory_space<vmem>>) offsets(%dma_start3A_199 : memref<80xi32, #tpu.memory_space<vmem>>) semaphore(%arg20 : memref<!tpu.dma_semaphore, #tpu.memory_space<semaphore_mem>>)
      %parallel_loop3A_203 = arith.constant 0 : i32
      %parallel_loop3A_204 = arith.constant 80 : i32
      %parallel_loop3A_205 = arith.constant 1 : i32
      scf.for %parallel_loop3A_212 = %parallel_loop3A_203 to %parallel_loop3A_204 step %parallel_loop3A_205  : i32 {
        %parallel_loop3A_213 = arith.constant 2 : i32
        %parallel_loop3A_214 = arith.index_cast %parallel_loop3A_213 : i32 to index
        %parallel_loop3A_215 = arith.index_cast %parallel_loop3A_212 : i32 to index
        %parallel_loop3A_216 = tpu.vector_load %arg9[%parallel_loop3A_214, %parallel_loop3A_215] {strides = array<i32>} : memref<3x96xi32, #tpu.memory_space<vmem>>, vector<16xi32>,
        %parallel_loop3A_217 = vector.bitcast %parallel_loop3A_216 : vector<16xi32> to vector<16xf32>
        %parallel_loop3A_218 = arith.index_cast %parallel_loop3A_212 : i32 to index
        %parallel_loop3A_219 = arith.constant 128 : index
        %parallel_loop3A_220 = tpu.vector_load %arg13[%parallel_loop3A_218, %parallel_loop3A_219] {strides = array<i32>} : memref<80x144xf32, #tpu.memory_space<vmem>>, vector<16xf32>,
        %parallel_loop3A_221 = arith.index_cast %parallel_loop3A_212 : i32 to index
        %parallel_loop3A_222 = arith.constant 0 : index
        %parallel_loop3A_223 = tpu.vector_load %arg11[%parallel_loop3A_221, %parallel_loop3A_222] {strides = array<i32>} : memref<80x16xf32, #tpu.memory_space<vmem>>, vector<16xf32>,
        %parallel_loop3A_224 = arith.addf %parallel_loop3A_220, %parallel_loop3A_223 : vector<16xf32>
        %parallel_loop3A_225 = vector.extract_strided_slice %parallel_loop3A_217 {offsets = [0], sizes = [1], strides = [1]} : vector<16xf32> to vector<1xf32>
        %parallel_loop3A_226 = vector.extract %parallel_loop3A_225[0] : f32 from vector<1xf32>
        %parallel_loop3A_227 = vector.broadcast %parallel_loop3A_226 : f32 to vector<16xf32>
        %parallel_loop3A_228 = arith.mulf %parallel_loop3A_227, %get3A_66 : vector<16xf32>
        %parallel_loop3A_229 = arith.addf %parallel_loop3A_224, %parallel_loop3A_228 : vector<16xf32>
        %parallel_loop3A_230 = arith.constant 0.000000e+00 : f32
        %parallel_loop3A_231 = vector.broadcast %parallel_loop3A_230 : f32 to vector<16xf32>
        %parallel_loop3A_232 = arith.cmpf ogt, %parallel_loop3A_229, %parallel_loop3A_231 : vector<16xf32>
        %parallel_loop3A_233 = arith.constant 2.000000e-01 : f32
        %parallel_loop3A_234 = vector.broadcast %parallel_loop3A_233 : f32 to vector<16xf32>
        %parallel_loop3A_235 = arith.mulf %parallel_loop3A_234, %parallel_loop3A_229 : vector<16xf32>
        %parallel_loop3A_236 = arith.select %parallel_loop3A_232, %parallel_loop3A_229, %parallel_loop3A_235 : vector<16xi1>, vector<16xf32>
        %parallel_loop3A_237 = vector.broadcast %squeeze3A : f32 to vector<16xf32>
        %parallel_loop3A_238 = arith.subf %parallel_loop3A_236, %parallel_loop3A_237 : vector<16xf32>
        %parallel_loop3A_239 = math.exp %parallel_loop3A_238 : vector<16xf32>
        %parallel_loop3A_240 = arith.constant 0.000000e+00 : f32
        %parallel_loop3A_241 = vector.broadcast %parallel_loop3A_240 : f32 to vector<16xf32>
        %parallel_loop3A_242 = arith.select %lt3A_68, %parallel_loop3A_239, %parallel_loop3A_241 : vector<16xi1>, vector<16xf32>
        %parallel_loop3A_243 = arith.index_cast %parallel_loop3A_212 : i32 to index
        %parallel_loop3A_244 = arith.constant 128 : index
        %parallel_loop3A_245 = tpu.vector_load %arg14[%parallel_loop3A_243, %parallel_loop3A_244] {strides = array<i32>} : memref<80x144xf32, #tpu.memory_space<vmem>>, vector<16xf32>,
        tpu.vector_store %arg14[%parallel_loop3A_243, %parallel_loop3A_244], %parallel_loop3A_242 {strides = array<i32>} : memref<80x144xf32, #tpu.memory_space<vmem>>, vector<16xf32>,
        %parallel_loop3A_246 = arith.index_cast %parallel_loop3A_212 : i32 to index
        %parallel_loop3A_247 = arith.constant 0 : index
        %parallel_loop3A_248 = tpu.vector_load %arg13[%parallel_loop3A_246, %parallel_loop3A_247] {strides = array<i32>} : memref<80x144xf32, #tpu.memory_space<vmem>>, vector<16xf32>,
        %parallel_loop3A_249 = vector.extract_strided_slice %parallel_loop3A_242 {offsets = [0], sizes = [1], strides = [1]} : vector<16xf32> to vector<1xf32>
        %parallel_loop3A_250 = vector.extract %parallel_loop3A_249[0] : f32 from vector<1xf32>
        %parallel_loop3A_251 = vector.broadcast %parallel_loop3A_250 : f32 to vector<16xf32>
        %parallel_loop3A_252 = arith.mulf %parallel_loop3A_248, %parallel_loop3A_251 : vector<16xf32>
        %parallel_loop3A_253 = arith.index_cast %parallel_loop3A_212 : i32 to index
        %parallel_loop3A_254 = arith.constant 0 : index
        %parallel_loop3A_255 = tpu.vector_load %arg14[%parallel_loop3A_253, %parallel_loop3A_254] {strides = array<i32>} : memref<80x144xf32, #tpu.memory_space<vmem>>, vector<16xf32>,
        tpu.vector_store %arg14[%parallel_loop3A_253, %parallel_loop3A_254], %parallel_loop3A_252 {strides = array<i32>} : memref<80x144xf32, #tpu.memory_space<vmem>>, vector<16xf32>,
        %parallel_loop3A_256 = arith.index_cast %parallel_loop3A_212 : i32 to index
        %parallel_loop3A_257 = arith.constant 16 : index
        %parallel_loop3A_258 = tpu.vector_load %arg13[%parallel_loop3A_256, %parallel_loop3A_257] {strides = array<i32>} : memref<80x144xf32, #tpu.memory_space<vmem>>, vector<16xf32>,
        %parallel_loop3A_259 = vector.extract_strided_slice %parallel_loop3A_242 {offsets = [1], sizes = [1], strides = [1]} : vector<16xf32> to vector<1xf32>
        %parallel_loop3A_260 = vector.extract %parallel_loop3A_259[0] : f32 from vector<1xf32>
        %parallel_loop3A_261 = vector.broadcast %parallel_loop3A_260 : f32 to vector<16xf32>
        %parallel_loop3A_262 = arith.mulf %parallel_loop3A_258, %parallel_loop3A_261 : vector<16xf32>
        %parallel_loop3A_263 = arith.index_cast %parallel_loop3A_212 : i32 to index
        %parallel_loop3A_264 = arith.constant 16 : index
        %parallel_loop3A_265 = tpu.vector_load %arg14[%parallel_loop3A_263, %parallel_loop3A_264] {strides = array<i32>} : memref<80x144xf32, #tpu.memory_space<vmem>>, vector<16xf32>,
        tpu.vector_store %arg14[%parallel_loop3A_263, %parallel_loop3A_264], %parallel_loop3A_262 {strides = array<i32>} : memref<80x144xf32, #tpu.memory_space<vmem>>, vector<16xf32>,
        %parallel_loop3A_266 = arith.index_cast %parallel_loop3A_212 : i32 to index
        %parallel_loop3A_267 = arith.constant 32 : index
        %parallel_loop3A_268 = tpu.vector_load %arg13[%parallel_loop3A_266, %parallel_loop3A_267] {strides = array<i32>} : memref<80x144xf32, #tpu.memory_space<vmem>>, vector<16xf32>,
        %parallel_loop3A_269 = vector.extract_strided_slice %parallel_loop3A_242 {offsets = [2], sizes = [1], strides = [1]} : vector<16xf32> to vector<1xf32>
        %parallel_loop3A_270 = vector.extract %parallel_loop3A_269[0] : f32 from vector<1xf32>
        %parallel_loop3A_271 = vector.broadcast %parallel_loop3A_270 : f32 to vector<16xf32>
        %parallel_loop3A_272 = arith.mulf %parallel_loop3A_268, %parallel_loop3A_271 : vector<16xf32>
        %parallel_loop3A_273 = arith.index_cast %parallel_loop3A_212 : i32 to index
        %parallel_loop3A_274 = arith.constant 32 : index
        %parallel_loop3A_275 = tpu.vector_load %arg14[%parallel_loop3A_273, %parallel_loop3A_274] {strides = array<i32>} : memref<80x144xf32, #tpu.memory_space<vmem>>, vector<16xf32>,
        tpu.vector_store %arg14[%parallel_loop3A_273, %parallel_loop3A_274], %parallel_loop3A_272 {strides = array<i32>} : memref<80x144xf32, #tpu.memory_space<vmem>>, vector<16xf32>,
        %parallel_loop3A_276 = arith.index_cast %parallel_loop3A_212 : i32 to index
        %parallel_loop3A_277 = arith.constant 48 : index
        %parallel_loop3A_278 = tpu.vector_load %arg13[%parallel_loop3A_276, %parallel_loop3A_277] {strides = array<i32>} : memref<80x144xf32, #tpu.memory_space<vmem>>, vector<16xf32>,
        %parallel_loop3A_279 = vector.extract_strided_slice %parallel_loop3A_242 {offsets = [3], sizes = [1], strides = [1]} : vector<16xf32> to vector<1xf32>
        %parallel_loop3A_280 = vector.extract %parallel_loop3A_279[0] : f32 from vector<1xf32>
        %parallel_loop3A_281 = vector.broadcast %parallel_loop3A_280 : f32 to vector<16xf32>
        %parallel_loop3A_282 = arith.mulf %parallel_loop3A_278, %parallel_loop3A_281 : vector<16xf32>
        %parallel_loop3A_283 = arith.index_cast %parallel_loop3A_212 : i32 to index
        %parallel_loop3A_284 = arith.constant 48 : index
        %parallel_loop3A_285 = tpu.vector_load %arg14[%parallel_loop3A_283, %parallel_loop3A_284] {strides = array<i32>} : memref<80x144xf32, #tpu.memory_space<vmem>>, vector<16xf32>,
        tpu.vector_store %arg14[%parallel_loop3A_283, %parallel_loop3A_284], %parallel_loop3A_282 {strides = array<i32>} : memref<80x144xf32, #tpu.memory_space<vmem>>, vector<16xf32>,
        %parallel_loop3A_286 = arith.index_cast %parallel_loop3A_212 : i32 to index
        %parallel_loop3A_287 = arith.constant 64 : index
        %parallel_loop3A_288 = tpu.vector_load %arg13[%parallel_loop3A_286, %parallel_loop3A_287] {strides = array<i32>} : memref<80x144xf32, #tpu.memory_space<vmem>>, vector<16xf32>,
        %parallel_loop3A_289 = vector.extract_strided_slice %parallel_loop3A_242 {offsets = [4], sizes = [1], strides = [1]} : vector<16xf32> to vector<1xf32>
        %parallel_loop3A_290 = vector.extract %parallel_loop3A_289[0] : f32 from vector<1xf32>
        %parallel_loop3A_291 = vector.broadcast %parallel_loop3A_290 : f32 to vector<16xf32>
        %parallel_loop3A_292 = arith.mulf %parallel_loop3A_288, %parallel_loop3A_291 : vector<16xf32>
        %parallel_loop3A_293 = arith.index_cast %parallel_loop3A_212 : i32 to index
        %parallel_loop3A_294 = arith.constant 64 : index
        %parallel_loop3A_295 = tpu.vector_load %arg14[%parallel_loop3A_293, %parallel_loop3A_294] {strides = array<i32>} : memref<80x144xf32, #tpu.memory_space<vmem>>, vector<16xf32>,
        tpu.vector_store %arg14[%parallel_loop3A_293, %parallel_loop3A_294], %parallel_loop3A_292 {strides = array<i32>} : memref<80x144xf32, #tpu.memory_space<vmem>>, vector<16xf32>,
        %parallel_loop3A_296 = arith.index_cast %parallel_loop3A_212 : i32 to index
        %parallel_loop3A_297 = arith.constant 80 : index
        %parallel_loop3A_298 = tpu.vector_load %arg13[%parallel_loop3A_296, %parallel_loop3A_297] {strides = array<i32>} : memref<80x144xf32, #tpu.memory_space<vmem>>, vector<16xf32>,
        %parallel_loop3A_299 = vector.extract_strided_slice %parallel_loop3A_242 {offsets = [5], sizes = [1], strides = [1]} : vector<16xf32> to vector<1xf32>
        %parallel_loop3A_300 = vector.extract %parallel_loop3A_299[0] : f32 from vector<1xf32>
        %parallel_loop3A_301 = vector.broadcast %parallel_loop3A_300 : f32 to vector<16xf32>
        %parallel_loop3A_302 = arith.mulf %parallel_loop3A_298, %parallel_loop3A_301 : vector<16xf32>
        %parallel_loop3A_303 = arith.index_cast %parallel_loop3A_212 : i32 to index
        %parallel_loop3A_304 = arith.constant 80 : index
        %parallel_loop3A_305 = tpu.vector_load %arg14[%parallel_loop3A_303, %parallel_loop3A_304] {strides = array<i32>} : memref<80x144xf32, #tpu.memory_space<vmem>>, vector<16xf32>,
        tpu.vector_store %arg14[%parallel_loop3A_303, %parallel_loop3A_304], %parallel_loop3A_302 {strides = array<i32>} : memref<80x144xf32, #tpu.memory_space<vmem>>, vector<16xf32>,
        %parallel_loop3A_306 = arith.index_cast %parallel_loop3A_212 : i32 to index
        %parallel_loop3A_307 = arith.constant 96 : index
        %parallel_loop3A_308 = tpu.vector_load %arg13[%parallel_loop3A_306, %parallel_loop3A_307] {strides = array<i32>} : memref<80x144xf32, #tpu.memory_space<vmem>>, vector<16xf32>,
        %parallel_loop3A_309 = vector.extract_strided_slice %parallel_loop3A_242 {offsets = [6], sizes = [1], strides = [1]} : vector<16xf32> to vector<1xf32>
        %parallel_loop3A_310 = vector.extract %parallel_loop3A_309[0] : f32 from vector<1xf32>
        %parallel_loop3A_311 = vector.broadcast %parallel_loop3A_310 : f32 to vector<16xf32>
        %parallel_loop3A_312 = arith.mulf %parallel_loop3A_308, %parallel_loop3A_311 : vector<16xf32>
        %parallel_loop3A_313 = arith.index_cast %parallel_loop3A_212 : i32 to index
        %parallel_loop3A_314 = arith.constant 96 : index
        %parallel_loop3A_315 = tpu.vector_load %arg14[%parallel_loop3A_313, %parallel_loop3A_314] {strides = array<i32>} : memref<80x144xf32, #tpu.memory_space<vmem>>, vector<16xf32>,
        tpu.vector_store %arg14[%parallel_loop3A_313, %parallel_loop3A_314], %parallel_loop3A_312 {strides = array<i32>} : memref<80x144xf32, #tpu.memory_space<vmem>>, vector<16xf32>,
        %parallel_loop3A_316 = arith.index_cast %parallel_loop3A_212 : i32 to index
        %parallel_loop3A_317 = arith.constant 112 : index
        %parallel_loop3A_318 = tpu.vector_load %arg13[%parallel_loop3A_316, %parallel_loop3A_317] {strides = array<i32>} : memref<80x144xf32, #tpu.memory_space<vmem>>, vector<16xf32>,
        %parallel_loop3A_319 = vector.extract_strided_slice %parallel_loop3A_242 {offsets = [7], sizes = [1], strides = [1]} : vector<16xf32> to vector<1xf32>
        %parallel_loop3A_320 = vector.extract %parallel_loop3A_319[0] : f32 from vector<1xf32>
        %parallel_loop3A_321 = vector.broadcast %parallel_loop3A_320 : f32 to vector<16xf32>
        %parallel_loop3A_322 = arith.mulf %parallel_loop3A_318, %parallel_loop3A_321 : vector<16xf32>
        %parallel_loop3A_323 = arith.index_cast %parallel_loop3A_212 : i32 to index
        %parallel_loop3A_324 = arith.constant 112 : index
        %parallel_loop3A_325 = tpu.vector_load %arg14[%parallel_loop3A_323, %parallel_loop3A_324] {strides = array<i32>} : memref<80x144xf32, #tpu.memory_space<vmem>>, vector<16xf32>,
        tpu.vector_store %arg14[%parallel_loop3A_323, %parallel_loop3A_324], %parallel_loop3A_322 {strides = array<i32>} : memref<80x144xf32, #tpu.memory_space<vmem>>, vector<16xf32>,
      } {sc.loop_unroll_factor = 8 : i64, sc.parallel_access}
      %run_scoped3A_206 = arith.constant 1 : i32
      "tpu.region"() ({
        %run_scoped3A_212 = tpu.sem_alloc : memref<!tpu.dma_semaphore, #tpu.memory_space<semaphore_mem>>
        %dma_start3A_213 = arith.constant 0 : i32
        %dma_start3A_214 = tpu.memref_slice %arg9[%run_scoped3A_206, %dma_start3A_213] : memref<3x96xi32, #tpu.memory_space<vmem>> -> memref<1x80xi32, #tpu.memory_space<vmem>>
        %dma_start3A_215 = tpu.memref_squeeze %dma_start3A_214 : memref<1x80xi32, #tpu.memory_space<vmem>> -> memref<80xi32, #tpu.memory_space<vmem>>
        %dma_start3A_216 = arith.constant 0 : i32
        %dma_start3A_217 = arith.constant 0 : i32
        %dma_start3A_218 = tpu.memref_slice %arg17[%dma_start3A_216, %dma_start3A_217] : memref<10000x144xf32, #tpu.memory_space<vmem_shared>> -> memref<10000x144xf32, #tpu.memory_space<vmem_shared>>
        tpu.enqueue_indirect_dma source(%arg14 : memref<80x144xf32, #tpu.memory_space<vmem>>) target(%dma_start3A_218 : memref<10000x144xf32, #tpu.memory_space<vmem_shared>>) offsets(%dma_start3A_215 : memref<80xi32, #tpu.memory_space<vmem>>) semaphore(%run_scoped3A_212 : memref<!tpu.dma_semaphore, #tpu.memory_space<semaphore_mem>>) {add = true}
        %dma_wait3A_219 = arith.constant 0 : i32
        %dma_wait3A_220 = tpu.memref_slice %arg9[%run_scoped3A_206, %dma_wait3A_219] : memref<3x96xi32, #tpu.memory_space<vmem>> -> memref<1x80xi32, #tpu.memory_space<vmem>>
        %dma_wait3A_221 = tpu.memref_squeeze %dma_wait3A_220 : memref<1x80xi32, #tpu.memory_space<vmem>> -> memref<80xi32, #tpu.memory_space<vmem>>
        %dma_wait3A_222 = arith.constant 0 : i32
        %dma_wait3A_223 = arith.constant 0 : i32
        %dma_wait3A_224 = tpu.memref_slice %arg17[%dma_wait3A_222, %dma_wait3A_223] : memref<10000x144xf32, #tpu.memory_space<vmem_shared>> -> memref<10000x144xf32, #tpu.memory_space<vmem_shared>>
        tpu.wait_indirect_dma semaphore(%run_scoped3A_212 : memref<!tpu.dma_semaphore, #tpu.memory_space<semaphore_mem>>) src(%arg14 : memref<80x144xf32, #tpu.memory_space<vmem>>) dst(%dma_wait3A_224 : memref<10000x144xf32, #tpu.memory_space<vmem_shared>>)
        tpu.yield
      }) : () -> ()
      %lt3A_207 = arith.constant 61 : i32
      %lt3A_208 = arith.cmpi slt, %scan3A_103, %lt3A_207 : i32
      %convert_element_type3A_209 = arith.extui %lt3A_208 : i1 to i32
      %cond3A_210 = arith.constant 0 : i32
      %cond3A_211 = arith.cmpi ne, %convert_element_type3A_209, %cond3A_210 : i32
      scf.if %cond3A_211 {
        %add3A_212 = arith.constant 3 : i32
        %add3A_213 = arith.addi %mul3A_105, %add3A_212 : i32
        %mul3A_214 = arith.constant 10000 : i32
        %mul3A_215 = arith.muli %add3A, %mul3A_214 : i32
        %mul3A_216 = arith.constant 80 : i32
        %mul3A_217 = arith.muli %add3A_213, %mul3A_216 : i32
        %add3A_218 = arith.addi %mul3A_215, %mul3A_217 : i32
        %dma_start3A_219 = arith.constant 0 : i32
        %dma_start3A_220 = arith.constant 0 : i32
        %dma_start3A_221 = tpu.memref_slice %arg9[%dma_start3A_219, %dma_start3A_220] : memref<3x96xi32, #tpu.memory_space<vmem>> -> memref<3x80xi32, #tpu.memory_space<vmem>>
        %dma_start3A_222 = arith.constant 0 : i32
        %dma_start3A_223 = tpu.memref_slice %arg2[%dma_start3A_222, %add3A_218] : memref<3x320000xi32, #tpu.memory_space<hbm>> -> memref<3x80xi32, #tpu.memory_space<hbm>>
        %dma_start3A_224 = arith.constant 0 : i32
        %dma_start3A_225 = arith.constant 0 : i32
        %dma_start3A_226 = tpu.memref_slice %arg9[%dma_start3A_224, %dma_start3A_225] : memref<3x96xi32, #tpu.memory_space<vmem>> -> memref<3x80xi32, #tpu.memory_space<vmem>>
        %dma_start3A_227 = arith.constant 0 : i32
        %dma_start3A_228 = tpu.memref_slice %arg2[%dma_start3A_227, %add3A_218] : memref<3x320000xi32, #tpu.memory_space<hbm>> -> memref<3x80xi32, #tpu.memory_space<hbm>>
        tpu.enqueue_dma source(%dma_start3A_228 : memref<3x80xi32, #tpu.memory_space<hbm>>) target(%dma_start3A_226 : memref<3x80xi32, #tpu.memory_space<vmem>>) target_semaphore(%arg19 : memref<!tpu.dma_semaphore, #tpu.memory_space<semaphore_mem>>)
      } else {
      }
    }
    %scan3A_74 = arith.constant 62 : i32
    %dma_wait3A_75 = arith.constant 0 : i32
    %dma_wait3A_76 = arith.constant 0 : i32
    %dma_wait3A_77 = tpu.memref_slice %arg4[%dma_wait3A_75, %dma_wait3A_76] : memref<10000x144xf32, #tpu.memory_space<hbm>> -> memref<80x144xf32, #tpu.memory_space<hbm>>
    %dma_wait3A_78 = arith.constant 0 : i32
    %dma_wait3A_79 = arith.constant 0 : i32
    %dma_wait3A_80 = tpu.memref_slice %arg4[%dma_wait3A_78, %dma_wait3A_79] : memref<10000x144xf32, #tpu.memory_space<hbm>> -> memref<80x144xf32, #tpu.memory_space<hbm>>
    tpu.wait_dma2 semaphore(%arg20 : memref<!tpu.dma_semaphore, #tpu.memory_space<semaphore_mem>>) src(%dma_wait3A_80 : memref<80x144xf32, #tpu.memory_space<hbm>>) dst(%arg12 : memref<80x144xf32, #tpu.memory_space<vmem>>)
    %dma_wait3A_81 = arith.constant 0 : i32
    %dma_wait3A_82 = arith.constant 0 : i32
    %dma_wait3A_83 = tpu.memref_slice %arg3[%dma_wait3A_81, %dma_wait3A_82] : memref<10000x16xf32, #tpu.memory_space<hbm>> -> memref<80x16xf32, #tpu.memory_space<hbm>>
    %dma_wait3A_84 = arith.constant 0 : i32
    %dma_wait3A_85 = arith.constant 0 : i32
    %dma_wait3A_86 = tpu.memref_slice %arg3[%dma_wait3A_84, %dma_wait3A_85] : memref<10000x16xf32, #tpu.memory_space<hbm>> -> memref<80x16xf32, #tpu.memory_space<hbm>>
    tpu.wait_dma2 semaphore(%arg20 : memref<!tpu.dma_semaphore, #tpu.memory_space<semaphore_mem>>) src(%dma_wait3A_86 : memref<80x16xf32, #tpu.memory_space<hbm>>) dst(%arg10 : memref<80x16xf32, #tpu.memory_space<vmem>>)
    %parallel_loop3A = arith.constant 0 : i32
    %parallel_loop3A_87 = arith.constant 80 : i32
    %parallel_loop3A_88 = arith.constant 1 : i32
    scf.for %parallel_loop3A_103 = %parallel_loop3A to %parallel_loop3A_87 step %parallel_loop3A_88  : i32 {
      %parallel_loop3A_104 = arith.constant 2 : i32
      %parallel_loop3A_105 = arith.index_cast %parallel_loop3A_104 : i32 to index
      %parallel_loop3A_106 = arith.index_cast %parallel_loop3A_103 : i32 to index
      %parallel_loop3A_107 = tpu.vector_load %arg8[%parallel_loop3A_105, %parallel_loop3A_106] {strides = array<i32>} : memref<3x96xi32, #tpu.memory_space<vmem>>, vector<16xi32>,
      %parallel_loop3A_108 = vector.bitcast %parallel_loop3A_107 : vector<16xi32> to vector<16xf32>
      %parallel_loop3A_109 = arith.index_cast %parallel_loop3A_103 : i32 to index
      %parallel_loop3A_110 = arith.constant 128 : index
      %parallel_loop3A_111 = tpu.vector_load %arg12[%parallel_loop3A_109, %parallel_loop3A_110] {strides = array<i32>} : memref<80x144xf32, #tpu.memory_space<vmem>>, vector<16xf32>,
      %parallel_loop3A_112 = arith.index_cast %parallel_loop3A_103 : i32 to index
      %parallel_loop3A_113 = arith.constant 0 : index
      %parallel_loop3A_114 = tpu.vector_load %arg10[%parallel_loop3A_112, %parallel_loop3A_113] {strides = array<i32>} : memref<80x16xf32, #tpu.memory_space<vmem>>, vector<16xf32>,
      %parallel_loop3A_115 = arith.addf %parallel_loop3A_111, %parallel_loop3A_114 : vector<16xf32>
      %parallel_loop3A_116 = vector.extract_strided_slice %parallel_loop3A_108 {offsets = [0], sizes = [1], strides = [1]} : vector<16xf32> to vector<1xf32>
      %parallel_loop3A_117 = vector.extract %parallel_loop3A_116[0] : f32 from vector<1xf32>
      %parallel_loop3A_118 = vector.broadcast %parallel_loop3A_117 : f32 to vector<16xf32>
      %parallel_loop3A_119 = arith.mulf %parallel_loop3A_118, %get3A_66 : vector<16xf32>
      %parallel_loop3A_120 = arith.addf %parallel_loop3A_115, %parallel_loop3A_119 : vector<16xf32>
      %parallel_loop3A_121 = arith.constant 0.000000e+00 : f32
      %parallel_loop3A_122 = vector.broadcast %parallel_loop3A_121 : f32 to vector<16xf32>
      %parallel_loop3A_123 = arith.cmpf ogt, %parallel_loop3A_120, %parallel_loop3A_122 : vector<16xf32>
      %parallel_loop3A_124 = arith.constant 2.000000e-01 : f32
      %parallel_loop3A_125 = vector.broadcast %parallel_loop3A_124 : f32 to vector<16xf32>
      %parallel_loop3A_126 = arith.mulf %parallel_loop3A_125, %parallel_loop3A_120 : vector<16xf32>
      %parallel_loop3A_127 = arith.select %parallel_loop3A_123, %parallel_loop3A_120, %parallel_loop3A_126 : vector<16xi1>, vector<16xf32>
      %parallel_loop3A_128 = vector.broadcast %squeeze3A : f32 to vector<16xf32>
      %parallel_loop3A_129 = arith.subf %parallel_loop3A_127, %parallel_loop3A_128 : vector<16xf32>
      %parallel_loop3A_130 = math.exp %parallel_loop3A_129 : vector<16xf32>
      %parallel_loop3A_131 = arith.constant 0.000000e+00 : f32
      %parallel_loop3A_132 = vector.broadcast %parallel_loop3A_131 : f32 to vector<16xf32>
      %parallel_loop3A_133 = arith.select %lt3A_68, %parallel_loop3A_130, %parallel_loop3A_132 : vector<16xi1>, vector<16xf32>
      %parallel_loop3A_134 = arith.index_cast %parallel_loop3A_103 : i32 to index
      %parallel_loop3A_135 = arith.constant 128 : index
      %parallel_loop3A_136 = tpu.vector_load %arg14[%parallel_loop3A_134, %parallel_loop3A_135] {strides = array<i32>} : memref<80x144xf32, #tpu.memory_space<vmem>>, vector<16xf32>,
      tpu.vector_store %arg14[%parallel_loop3A_134, %parallel_loop3A_135], %parallel_loop3A_133 {strides = array<i32>} : memref<80x144xf32, #tpu.memory_space<vmem>>, vector<16xf32>,
      %parallel_loop3A_137 = arith.index_cast %parallel_loop3A_103 : i32 to index
      %parallel_loop3A_138 = arith.constant 0 : index
      %parallel_loop3A_139 = tpu.vector_load %arg12[%parallel_loop3A_137, %parallel_loop3A_138] {strides = array<i32>} : memref<80x144xf32, #tpu.memory_space<vmem>>, vector<16xf32>,
      %parallel_loop3A_140 = vector.extract_strided_slice %parallel_loop3A_133 {offsets = [0], sizes = [1], strides = [1]} : vector<16xf32> to vector<1xf32>
      %parallel_loop3A_141 = vector.extract %parallel_loop3A_140[0] : f32 from vector<1xf32>
      %parallel_loop3A_142 = vector.broadcast %parallel_loop3A_141 : f32 to vector<16xf32>
      %parallel_loop3A_143 = arith.mulf %parallel_loop3A_139, %parallel_loop3A_142 : vector<16xf32>
      %parallel_loop3A_144 = arith.index_cast %parallel_loop3A_103 : i32 to index
      %parallel_loop3A_145 = arith.constant 0 : index
      %parallel_loop3A_146 = tpu.vector_load %arg14[%parallel_loop3A_144, %parallel_loop3A_145] {strides = array<i32>} : memref<80x144xf32, #tpu.memory_space<vmem>>, vector<16xf32>,
      tpu.vector_store %arg14[%parallel_loop3A_144, %parallel_loop3A_145], %parallel_loop3A_143 {strides = array<i32>} : memref<80x144xf32, #tpu.memory_space<vmem>>, vector<16xf32>,
      %parallel_loop3A_147 = arith.index_cast %parallel_loop3A_103 : i32 to index
      %parallel_loop3A_148 = arith.constant 16 : index
      %parallel_loop3A_149 = tpu.vector_load %arg12[%parallel_loop3A_147, %parallel_loop3A_148] {strides = array<i32>} : memref<80x144xf32, #tpu.memory_space<vmem>>, vector<16xf32>,
      %parallel_loop3A_150 = vector.extract_strided_slice %parallel_loop3A_133 {offsets = [1], sizes = [1], strides = [1]} : vector<16xf32> to vector<1xf32>
      %parallel_loop3A_151 = vector.extract %parallel_loop3A_150[0] : f32 from vector<1xf32>
      %parallel_loop3A_152 = vector.broadcast %parallel_loop3A_151 : f32 to vector<16xf32>
      %parallel_loop3A_153 = arith.mulf %parallel_loop3A_149, %parallel_loop3A_152 : vector<16xf32>
      %parallel_loop3A_154 = arith.index_cast %parallel_loop3A_103 : i32 to index
      %parallel_loop3A_155 = arith.constant 16 : index
      %parallel_loop3A_156 = tpu.vector_load %arg14[%parallel_loop3A_154, %parallel_loop3A_155] {strides = array<i32>} : memref<80x144xf32, #tpu.memory_space<vmem>>, vector<16xf32>,
      tpu.vector_store %arg14[%parallel_loop3A_154, %parallel_loop3A_155], %parallel_loop3A_153 {strides = array<i32>} : memref<80x144xf32, #tpu.memory_space<vmem>>, vector<16xf32>,
      %parallel_loop3A_157 = arith.index_cast %parallel_loop3A_103 : i32 to index
      %parallel_loop3A_158 = arith.constant 32 : index
      %parallel_loop3A_159 = tpu.vector_load %arg12[%parallel_loop3A_157, %parallel_loop3A_158] {strides = array<i32>} : memref<80x144xf32, #tpu.memory_space<vmem>>, vector<16xf32>,
      %parallel_loop3A_160 = vector.extract_strided_slice %parallel_loop3A_133 {offsets = [2], sizes = [1], strides = [1]} : vector<16xf32> to vector<1xf32>
      %parallel_loop3A_161 = vector.extract %parallel_loop3A_160[0] : f32 from vector<1xf32>
      %parallel_loop3A_162 = vector.broadcast %parallel_loop3A_161 : f32 to vector<16xf32>
      %parallel_loop3A_163 = arith.mulf %parallel_loop3A_159, %parallel_loop3A_162 : vector<16xf32>
      %parallel_loop3A_164 = arith.index_cast %parallel_loop3A_103 : i32 to index
      %parallel_loop3A_165 = arith.constant 32 : index
      %parallel_loop3A_166 = tpu.vector_load %arg14[%parallel_loop3A_164, %parallel_loop3A_165] {strides = array<i32>} : memref<80x144xf32, #tpu.memory_space<vmem>>, vector<16xf32>,
      tpu.vector_store %arg14[%parallel_loop3A_164, %parallel_loop3A_165], %parallel_loop3A_163 {strides = array<i32>} : memref<80x144xf32, #tpu.memory_space<vmem>>, vector<16xf32>,
      %parallel_loop3A_167 = arith.index_cast %parallel_loop3A_103 : i32 to index
      %parallel_loop3A_168 = arith.constant 48 : index
      %parallel_loop3A_169 = tpu.vector_load %arg12[%parallel_loop3A_167, %parallel_loop3A_168] {strides = array<i32>} : memref<80x144xf32, #tpu.memory_space<vmem>>, vector<16xf32>,
      %parallel_loop3A_170 = vector.extract_strided_slice %parallel_loop3A_133 {offsets = [3], sizes = [1], strides = [1]} : vector<16xf32> to vector<1xf32>
      %parallel_loop3A_171 = vector.extract %parallel_loop3A_170[0] : f32 from vector<1xf32>
      %parallel_loop3A_172 = vector.broadcast %parallel_loop3A_171 : f32 to vector<16xf32>
      %parallel_loop3A_173 = arith.mulf %parallel_loop3A_169, %parallel_loop3A_172 : vector<16xf32>
      %parallel_loop3A_174 = arith.index_cast %parallel_loop3A_103 : i32 to index
      %parallel_loop3A_175 = arith.constant 48 : index
      %parallel_loop3A_176 = tpu.vector_load %arg14[%parallel_loop3A_174, %parallel_loop3A_175] {strides = array<i32>} : memref<80x144xf32, #tpu.memory_space<vmem>>, vector<16xf32>,
      tpu.vector_store %arg14[%parallel_loop3A_174, %parallel_loop3A_175], %parallel_loop3A_173 {strides = array<i32>} : memref<80x144xf32, #tpu.memory_space<vmem>>, vector<16xf32>,
      %parallel_loop3A_177 = arith.index_cast %parallel_loop3A_103 : i32 to index
      %parallel_loop3A_178 = arith.constant 64 : index
      %parallel_loop3A_179 = tpu.vector_load %arg12[%parallel_loop3A_177, %parallel_loop3A_178] {strides = array<i32>} : memref<80x144xf32, #tpu.memory_space<vmem>>, vector<16xf32>,
      %parallel_loop3A_180 = vector.extract_strided_slice %parallel_loop3A_133 {offsets = [4], sizes = [1], strides = [1]} : vector<16xf32> to vector<1xf32>
      %parallel_loop3A_181 = vector.extract %parallel_loop3A_180[0] : f32 from vector<1xf32>
      %parallel_loop3A_182 = vector.broadcast %parallel_loop3A_181 : f32 to vector<16xf32>
      %parallel_loop3A_183 = arith.mulf %parallel_loop3A_179, %parallel_loop3A_182 : vector<16xf32>
      %parallel_loop3A_184 = arith.index_cast %parallel_loop3A_103 : i32 to index
      %parallel_loop3A_185 = arith.constant 64 : index
      %parallel_loop3A_186 = tpu.vector_load %arg14[%parallel_loop3A_184, %parallel_loop3A_185] {strides = array<i32>} : memref<80x144xf32, #tpu.memory_space<vmem>>, vector<16xf32>,
      tpu.vector_store %arg14[%parallel_loop3A_184, %parallel_loop3A_185], %parallel_loop3A_183 {strides = array<i32>} : memref<80x144xf32, #tpu.memory_space<vmem>>, vector<16xf32>,
      %parallel_loop3A_187 = arith.index_cast %parallel_loop3A_103 : i32 to index
      %parallel_loop3A_188 = arith.constant 80 : index
      %parallel_loop3A_189 = tpu.vector_load %arg12[%parallel_loop3A_187, %parallel_loop3A_188] {strides = array<i32>} : memref<80x144xf32, #tpu.memory_space<vmem>>, vector<16xf32>,
      %parallel_loop3A_190 = vector.extract_strided_slice %parallel_loop3A_133 {offsets = [5], sizes = [1], strides = [1]} : vector<16xf32> to vector<1xf32>
      %parallel_loop3A_191 = vector.extract %parallel_loop3A_190[0] : f32 from vector<1xf32>
      %parallel_loop3A_192 = vector.broadcast %parallel_loop3A_191 : f32 to vector<16xf32>
      %parallel_loop3A_193 = arith.mulf %parallel_loop3A_189, %parallel_loop3A_192 : vector<16xf32>
      %parallel_loop3A_194 = arith.index_cast %parallel_loop3A_103 : i32 to index
      %parallel_loop3A_195 = arith.constant 80 : index
      %parallel_loop3A_196 = tpu.vector_load %arg14[%parallel_loop3A_194, %parallel_loop3A_195] {strides = array<i32>} : memref<80x144xf32, #tpu.memory_space<vmem>>, vector<16xf32>,
      tpu.vector_store %arg14[%parallel_loop3A_194, %parallel_loop3A_195], %parallel_loop3A_193 {strides = array<i32>} : memref<80x144xf32, #tpu.memory_space<vmem>>, vector<16xf32>,
      %parallel_loop3A_197 = arith.index_cast %parallel_loop3A_103 : i32 to index
      %parallel_loop3A_198 = arith.constant 96 : index
      %parallel_loop3A_199 = tpu.vector_load %arg12[%parallel_loop3A_197, %parallel_loop3A_198] {strides = array<i32>} : memref<80x144xf32, #tpu.memory_space<vmem>>, vector<16xf32>,
      %parallel_loop3A_200 = vector.extract_strided_slice %parallel_loop3A_133 {offsets = [6], sizes = [1], strides = [1]} : vector<16xf32> to vector<1xf32>
      %parallel_loop3A_201 = vector.extract %parallel_loop3A_200[0] : f32 from vector<1xf32>
      %parallel_loop3A_202 = vector.broadcast %parallel_loop3A_201 : f32 to vector<16xf32>
      %parallel_loop3A_203 = arith.mulf %parallel_loop3A_199, %parallel_loop3A_202 : vector<16xf32>
      %parallel_loop3A_204 = arith.index_cast %parallel_loop3A_103 : i32 to index
      %parallel_loop3A_205 = arith.constant 96 : index
      %parallel_loop3A_206 = tpu.vector_load %arg14[%parallel_loop3A_204, %parallel_loop3A_205] {strides = array<i32>} : memref<80x144xf32, #tpu.memory_space<vmem>>, vector<16xf32>,
      tpu.vector_store %arg14[%parallel_loop3A_204, %parallel_loop3A_205], %parallel_loop3A_203 {strides = array<i32>} : memref<80x144xf32, #tpu.memory_space<vmem>>, vector<16xf32>,
      %parallel_loop3A_207 = arith.index_cast %parallel_loop3A_103 : i32 to index
      %parallel_loop3A_208 = arith.constant 112 : index
      %parallel_loop3A_209 = tpu.vector_load %arg12[%parallel_loop3A_207, %parallel_loop3A_208] {strides = array<i32>} : memref<80x144xf32, #tpu.memory_space<vmem>>, vector<16xf32>,
      %parallel_loop3A_210 = vector.extract_strided_slice %parallel_loop3A_133 {offsets = [7], sizes = [1], strides = [1]} : vector<16xf32> to vector<1xf32>
      %parallel_loop3A_211 = vector.extract %parallel_loop3A_210[0] : f32 from vector<1xf32>
      %parallel_loop3A_212 = vector.broadcast %parallel_loop3A_211 : f32 to vector<16xf32>
      %parallel_loop3A_213 = arith.mulf %parallel_loop3A_209, %parallel_loop3A_212 : vector<16xf32>
      %parallel_loop3A_214 = arith.index_cast %parallel_loop3A_103 : i32 to index
      %parallel_loop3A_215 = arith.constant 112 : index
      %parallel_loop3A_216 = tpu.vector_load %arg14[%parallel_loop3A_214, %parallel_loop3A_215] {strides = array<i32>} : memref<80x144xf32, #tpu.memory_space<vmem>>, vector<16xf32>,
      tpu.vector_store %arg14[%parallel_loop3A_214, %parallel_loop3A_215], %parallel_loop3A_213 {strides = array<i32>} : memref<80x144xf32, #tpu.memory_space<vmem>>, vector<16xf32>,
    } {sc.loop_unroll_factor = 8 : i64, sc.parallel_access}
    %run_scoped3A = arith.constant 1 : i32
    "tpu.region"() ({
      %run_scoped3A_103 = tpu.sem_alloc : memref<!tpu.dma_semaphore, #tpu.memory_space<semaphore_mem>>
      %dma_start3A_104 = arith.constant 0 : i32
      %dma_start3A_105 = tpu.memref_slice %arg8[%run_scoped3A, %dma_start3A_104] : memref<3x96xi32, #tpu.memory_space<vmem>> -> memref<1x80xi32, #tpu.memory_space<vmem>>
      %dma_start3A_106 = tpu.memref_squeeze %dma_start3A_105 : memref<1x80xi32, #tpu.memory_space<vmem>> -> memref<80xi32, #tpu.memory_space<vmem>>
      %dma_start3A_107 = arith.constant 0 : i32
      %dma_start3A_108 = arith.constant 0 : i32
      %dma_start3A_109 = tpu.memref_slice %arg17[%dma_start3A_107, %dma_start3A_108] : memref<10000x144xf32, #tpu.memory_space<vmem_shared>> -> memref<10000x144xf32, #tpu.memory_space<vmem_shared>>
      tpu.enqueue_indirect_dma source(%arg14 : memref<80x144xf32, #tpu.memory_space<vmem>>) target(%dma_start3A_109 : memref<10000x144xf32, #tpu.memory_space<vmem_shared>>) offsets(%dma_start3A_106 : memref<80xi32, #tpu.memory_space<vmem>>) semaphore(%run_scoped3A_103 : memref<!tpu.dma_semaphore, #tpu.memory_space<semaphore_mem>>) {add = true}
      %dma_wait3A_110 = arith.constant 0 : i32
      %dma_wait3A_111 = tpu.memref_slice %arg8[%run_scoped3A, %dma_wait3A_110] : memref<3x96xi32, #tpu.memory_space<vmem>> -> memref<1x80xi32, #tpu.memory_space<vmem>>
      %dma_wait3A_112 = tpu.memref_squeeze %dma_wait3A_111 : memref<1x80xi32, #tpu.memory_space<vmem>> -> memref<80xi32, #tpu.memory_space<vmem>>
      %dma_wait3A_113 = arith.constant 0 : i32
      %dma_wait3A_114 = arith.constant 0 : i32
      %dma_wait3A_115 = tpu.memref_slice %arg17[%dma_wait3A_113, %dma_wait3A_114] : memref<10000x144xf32, #tpu.memory_space<vmem_shared>> -> memref<10000x144xf32, #tpu.memory_space<vmem_shared>>
      tpu.wait_indirect_dma semaphore(%run_scoped3A_103 : memref<!tpu.dma_semaphore, #tpu.memory_space<semaphore_mem>>) src(%arg14 : memref<80x144xf32, #tpu.memory_space<vmem>>) dst(%dma_wait3A_115 : memref<10000x144xf32, #tpu.memory_space<vmem_shared>>)
      tpu.yield
    }) : () -> ()
    %barrier3A_89 = arith.constant 0 : index
    tpu.barrier barrier_id(%barrier3A_89)
    %mul3A_90 = arith.constant 624 : i32
    %mul3A_91 = arith.muli %arg1, %mul3A_90 : i32
    %mul3A_92 = arith.constant 624 : i32
    %mul3A_93 = arith.muli %arg1, %mul3A_92 : i32
    "tpu.region"() ({
      %run_scoped3A_103 = tpu.sem_alloc : memref<!tpu.dma_semaphore, #tpu.memory_space<semaphore_mem>>
      %dma_start3A_104 = arith.constant 0 : i32
      %dma_start3A_105 = tpu.memref_slice %arg6[%arg0, %mul3A_93, %dma_start3A_104] : memref<2x10000x128xf32, #tpu.memory_space<hbm>> -> memref<1x624x128xf32, #tpu.memory_space<hbm>>
      %dma_start3A_106 = tpu.memref_squeeze %dma_start3A_105 : memref<1x624x128xf32, #tpu.memory_space<hbm>> -> memref<624x128xf32, #tpu.memory_space<hbm>>
      %dma_start3A_107 = arith.constant 0 : i32
      %dma_start3A_108 = tpu.memref_slice %arg17[%mul3A_91, %dma_start3A_107] : memref<10000x144xf32, #tpu.memory_space<vmem_shared>> -> memref<624x128xf32, #tpu.memory_space<vmem_shared>>
      tpu.enqueue_dma source(%dma_start3A_108 : memref<624x128xf32, #tpu.memory_space<vmem_shared>>) target(%dma_start3A_106 : memref<624x128xf32, #tpu.memory_space<hbm>>) target_semaphore(%run_scoped3A_103 : memref<!tpu.dma_semaphore, #tpu.memory_space<semaphore_mem>>)
      %dma_wait3A_109 = arith.constant 0 : i32
      %dma_wait3A_110 = tpu.memref_slice %arg6[%arg0, %mul3A_93, %dma_wait3A_109] : memref<2x10000x128xf32, #tpu.memory_space<hbm>> -> memref<1x624x128xf32, #tpu.memory_space<hbm>>
      %dma_wait3A_111 = tpu.memref_squeeze %dma_wait3A_110 : memref<1x624x128xf32, #tpu.memory_space<hbm>> -> memref<624x128xf32, #tpu.memory_space<hbm>>
      %dma_wait3A_112 = arith.constant 0 : i32
      %dma_wait3A_113 = tpu.memref_slice %arg17[%mul3A_91, %dma_wait3A_112] : memref<10000x144xf32, #tpu.memory_space<vmem_shared>> -> memref<624x128xf32, #tpu.memory_space<vmem_shared>>
      tpu.wait_dma2 semaphore(%run_scoped3A_103 : memref<!tpu.dma_semaphore, #tpu.memory_space<semaphore_mem>>) src(%dma_wait3A_113 : memref<624x128xf32, #tpu.memory_space<vmem_shared>>) dst(%dma_wait3A_111 : memref<624x128xf32, #tpu.memory_space<hbm>>)
      tpu.yield
    }) : () -> ()
    %mul3A_94 = arith.constant 624 : i32
    %mul3A_95 = arith.muli %arg1, %mul3A_94 : i32
    %mul3A_96 = arith.constant 624 : i32
    %mul3A_97 = arith.muli %arg1, %mul3A_96 : i32
    "tpu.region"() ({
      %run_scoped3A_103 = tpu.sem_alloc : memref<!tpu.dma_semaphore, #tpu.memory_space<semaphore_mem>>
      %dma_start3A_104 = arith.constant 0 : i32
      %dma_start3A_105 = tpu.memref_slice %arg7[%arg0, %mul3A_97, %dma_start3A_104] : memref<2x10000x16xf32, #tpu.memory_space<hbm>> -> memref<1x624x16xf32, #tpu.memory_space<hbm>>
      %dma_start3A_106 = tpu.memref_squeeze %dma_start3A_105 : memref<1x624x16xf32, #tpu.memory_space<hbm>> -> memref<624x16xf32, #tpu.memory_space<hbm>>
      %dma_start3A_107 = arith.constant 128 : i32
      %dma_start3A_108 = tpu.memref_slice %arg17[%mul3A_95, %dma_start3A_107] : memref<10000x144xf32, #tpu.memory_space<vmem_shared>> -> memref<624x16xf32, #tpu.memory_space<vmem_shared>>
      tpu.enqueue_dma source(%dma_start3A_108 : memref<624x16xf32, #tpu.memory_space<vmem_shared>>) target(%dma_start3A_106 : memref<624x16xf32, #tpu.memory_space<hbm>>) target_semaphore(%run_scoped3A_103 : memref<!tpu.dma_semaphore, #tpu.memory_space<semaphore_mem>>)
      %dma_wait3A_109 = arith.constant 0 : i32
      %dma_wait3A_110 = tpu.memref_slice %arg7[%arg0, %mul3A_97, %dma_wait3A_109] : memref<2x10000x16xf32, #tpu.memory_space<hbm>> -> memref<1x624x16xf32, #tpu.memory_space<hbm>>
      %dma_wait3A_111 = tpu.memref_squeeze %dma_wait3A_110 : memref<1x624x16xf32, #tpu.memory_space<hbm>> -> memref<624x16xf32, #tpu.memory_space<hbm>>
      %dma_wait3A_112 = arith.constant 128 : i32
      %dma_wait3A_113 = tpu.memref_slice %arg17[%mul3A_95, %dma_wait3A_112] : memref<10000x144xf32, #tpu.memory_space<vmem_shared>> -> memref<624x16xf32, #tpu.memory_space<vmem_shared>>
      tpu.wait_dma2 semaphore(%run_scoped3A_103 : memref<!tpu.dma_semaphore, #tpu.memory_space<semaphore_mem>>) src(%dma_wait3A_113 : memref<624x16xf32, #tpu.memory_space<vmem_shared>>) dst(%dma_wait3A_111 : memref<624x16xf32, #tpu.memory_space<hbm>>)
      tpu.yield
    }) : () -> ()
    %eq3A_98 = arith.constant 15 : i32
    %eq3A_99 = arith.cmpi eq, %arg1, %eq3A_98 : i32
    %convert_element_type3A_100 = arith.extui %eq3A_99 : i1 to i32
    %cond3A_101 = arith.constant 0 : i32
    %cond3A_102 = arith.cmpi ne, %convert_element_type3A_100, %cond3A_101 : i32
    scf.if %cond3A_102 {
      "tpu.region"() ({
        %run_scoped3A_103 = tpu.sem_alloc : memref<!tpu.dma_semaphore, #tpu.memory_space<semaphore_mem>>
        %dma_start3A_104 = arith.constant 9984 : i32
        %dma_start3A_105 = arith.constant 0 : i32
        %dma_start3A_106 = tpu.memref_slice %arg6[%arg0, %dma_start3A_104, %dma_start3A_105] : memref<2x10000x128xf32, #tpu.memory_space<hbm>> -> memref<1x16x128xf32, #tpu.memory_space<hbm>>
        %dma_start3A_107 = tpu.memref_squeeze %dma_start3A_106 : memref<1x16x128xf32, #tpu.memory_space<hbm>> -> memref<16x128xf32, #tpu.memory_space<hbm>>
        %dma_start3A_108 = arith.constant 9984 : i32
        %dma_start3A_109 = arith.constant 0 : i32
        %dma_start3A_110 = tpu.memref_slice %arg17[%dma_start3A_108, %dma_start3A_109] : memref<10000x144xf32, #tpu.memory_space<vmem_shared>> -> memref<16x128xf32, #tpu.memory_space<vmem_shared>>
        tpu.enqueue_dma source(%dma_start3A_110 : memref<16x128xf32, #tpu.memory_space<vmem_shared>>) target(%dma_start3A_107 : memref<16x128xf32, #tpu.memory_space<hbm>>) target_semaphore(%run_scoped3A_103 : memref<!tpu.dma_semaphore, #tpu.memory_space<semaphore_mem>>)
        %dma_wait3A_111 = arith.constant 9984 : i32
        %dma_wait3A_112 = arith.constant 0 : i32
        %dma_wait3A_113 = tpu.memref_slice %arg6[%arg0, %dma_wait3A_111, %dma_wait3A_112] : memref<2x10000x128xf32, #tpu.memory_space<hbm>> -> memref<1x16x128xf32, #tpu.memory_space<hbm>>
        %dma_wait3A_114 = tpu.memref_squeeze %dma_wait3A_113 : memref<1x16x128xf32, #tpu.memory_space<hbm>> -> memref<16x128xf32, #tpu.memory_space<hbm>>
        %dma_wait3A_115 = arith.constant 9984 : i32
        %dma_wait3A_116 = arith.constant 0 : i32
        %dma_wait3A_117 = tpu.memref_slice %arg17[%dma_wait3A_115, %dma_wait3A_116] : memref<10000x144xf32, #tpu.memory_space<vmem_shared>> -> memref<16x128xf32, #tpu.memory_space<vmem_shared>>
        tpu.wait_dma2 semaphore(%run_scoped3A_103 : memref<!tpu.dma_semaphore, #tpu.memory_space<semaphore_mem>>) src(%dma_wait3A_117 : memref<16x128xf32, #tpu.memory_space<vmem_shared>>) dst(%dma_wait3A_114 : memref<16x128xf32, #tpu.memory_space<hbm>>)
        tpu.yield
      }) : () -> ()
      "tpu.region"() ({
        %run_scoped3A_103 = tpu.sem_alloc : memref<!tpu.dma_semaphore, #tpu.memory_space<semaphore_mem>>
        %dma_start3A_104 = arith.constant 9984 : i32
        %dma_start3A_105 = arith.constant 0 : i32
        %dma_start3A_106 = tpu.memref_slice %arg7[%arg0, %dma_start3A_104, %dma_start3A_105] : memref<2x10000x16xf32, #tpu.memory_space<hbm>> -> memref<1x16x16xf32, #tpu.memory_space<hbm>>
        %dma_start3A_107 = tpu.memref_squeeze %dma_start3A_106 : memref<1x16x16xf32, #tpu.memory_space<hbm>> -> memref<16x16xf32, #tpu.memory_space<hbm>>
        %dma_start3A_108 = arith.constant 9984 : i32
        %dma_start3A_109 = arith.constant 128 : i32
        %dma_start3A_110 = tpu.memref_slice %arg17[%dma_start3A_108, %dma_start3A_109] : memref<10000x144xf32, #tpu.memory_space<vmem_shared>> -> memref<16x16xf32, #tpu.memory_space<vmem_shared>>
        tpu.enqueue_dma source(%dma_start3A_110 : memref<16x16xf32, #tpu.memory_space<vmem_shared>>) target(%dma_start3A_107 : memref<16x16xf32, #tpu.memory_space<hbm>>) target_semaphore(%run_scoped3A_103 : memref<!tpu.dma_semaphore, #tpu.memory_space<semaphore_mem>>)
        %dma_wait3A_111 = arith.constant 9984 : i32
        %dma_wait3A_112 = arith.constant 0 : i32
        %dma_wait3A_113 = tpu.memref_slice %arg7[%arg0, %dma_wait3A_111, %dma_wait3A_112] : memref<2x10000x16xf32, #tpu.memory_space<hbm>> -> memref<1x16x16xf32, #tpu.memory_space<hbm>>
        %dma_wait3A_114 = tpu.memref_squeeze %dma_wait3A_113 : memref<1x16x16xf32, #tpu.memory_space<hbm>> -> memref<16x16xf32, #tpu.memory_space<hbm>>
        %dma_wait3A_115 = arith.constant 9984 : i32
        %dma_wait3A_116 = arith.constant 128 : i32
        %dma_wait3A_117 = tpu.memref_slice %arg17[%dma_wait3A_115, %dma_wait3A_116] : memref<10000x144xf32, #tpu.memory_space<vmem_shared>> -> memref<16x16xf32, #tpu.memory_space<vmem_shared>>
        tpu.wait_dma2 semaphore(%run_scoped3A_103 : memref<!tpu.dma_semaphore, #tpu.memory_space<semaphore_mem>>) src(%dma_wait3A_117 : memref<16x16xf32, #tpu.memory_space<vmem_shared>>) dst(%dma_wait3A_114 : memref<16x16xf32, #tpu.memory_space<hbm>>)
        tpu.yield
      }) : () -> ()
    } else {
    }
    return
  }
}

module attributes {stable_mosaic.version = 14 : i64} {
  func.func @_tc1_body(%arg0: i32, %arg1: memref<400x128xf32, #tpu.memory_space<vmem>>, %arg2: memref<128x128xf32, #tpu.memory_space<vmem>>, %arg3: memref<1x128xf32, #tpu.memory_space<vmem>>, %arg4: memref<1x128xf32, #tpu.memory_space<vmem>>, %arg5: memref<1x128xf32, #tpu.memory_space<vmem>>, %arg6: memref<1x128xf32, #tpu.memory_space<vmem>>, %arg7: memref<128x16xf32, #tpu.memory_space<vmem>>, %arg8: memref<2500x128xf32, #tpu.memory_space<vmem>>, %arg9: memref<400x144xf32, #tpu.memory_space<vmem>>, %arg10: memref<400x16xf32, #tpu.memory_space<vmem>>, %arg11: memref<1x16xf32, #tpu.memory_space<vmem>>, %arg12: memref<8x16xf32, #tpu.memory_space<vmem>>) attributes {dimension_semantics = [#tpu.dimension_semantics<arbitrary>], iteration_bounds = array<i64: 25>, scalar_prefetch = 0 : i64, scratch_operands = 1 : i64, tpu.core_type = #tpu.core_type<tc>, window_params = [{transform_indices = @transform_0, window_bounds = array<i64: 400, 128>}, {pipeline_mode = #tpu.pipeline_mode<synchronous>, transform_indices = @transform_1, window_bounds = array<i64: 128, 128>}, {pipeline_mode = #tpu.pipeline_mode<synchronous>, transform_indices = @transform_2, window_bounds = array<i64: 1, 128>}, {pipeline_mode = #tpu.pipeline_mode<synchronous>, transform_indices = @transform_3, window_bounds = array<i64: 1, 128>}, {pipeline_mode = #tpu.pipeline_mode<synchronous>, transform_indices = @transform_4, window_bounds = array<i64: 1, 128>}, {pipeline_mode = #tpu.pipeline_mode<synchronous>, transform_indices = @transform_5, window_bounds = array<i64: 1, 128>}, {pipeline_mode = #tpu.pipeline_mode<synchronous>, transform_indices = @transform_6, window_bounds = array<i64: 128, 16>}, {pipeline_mode = #tpu.pipeline_mode<synchronous>, transform_indices = @transform_7, window_bounds = array<i64: 2500, 128>}, {transform_indices = @transform_8, window_bounds = array<i64: 400, 144>}, {transform_indices = @transform_9, window_bounds = array<i64: 400, 16>}, {pipeline_mode = #tpu.pipeline_mode<synchronous>, transform_indices = @transform_10, window_bounds = array<i64: 1, 16>}]} {
    %eq3A = arith.constant 0 : i32
    %eq3A_0 = arith.cmpi eq, %arg0, %eq3A : i32
    %convert_element_type3A = arith.extui %eq3A_0 : i1 to i32
    %cond3A = arith.constant 0 : i32
    %cond3A_1 = arith.cmpi ne, %convert_element_type3A, %cond3A : i32
    scf.if %cond3A_1 {
      %broadcast_in_dim3A_57 = arith.constant 0xFF800000 : f32
      %broadcast_in_dim3A_58 = vector.broadcast %broadcast_in_dim3A_57 : f32 to vector<8x16xf32>
      %swap3A_59 = arith.constant 0 : index
      %swap3A_60 = arith.constant 0 : index
      %swap3A_61 = vector.load %arg12[%swap3A_59, %swap3A_60] : memref<8x16xf32, #tpu.memory_space<vmem>>, vector<8x16xf32>
      tpu.vector_store %arg12[%swap3A_59, %swap3A_60], %broadcast_in_dim3A_58 {strides = array<i32>} : memref<8x16xf32, #tpu.memory_space<vmem>>, vector<8x16xf32>,
      %get3A_62 = arith.constant 0 : index
      %get3A_63 = arith.constant 0 : index
      %get3A_64 = vector.load %arg8[%get3A_62, %get3A_63] : memref<2500x128xf32, #tpu.memory_space<vmem>>, vector<2500x128xf32>
      %reduce_max3A_65 = vector.shape_cast %get3A_64 : vector<2500x128xf32> to vector<1x2500x128xf32>
      %reduce_max3A_66 = arith.constant dense<0xFF800000> : vector<1xf32>
      %reduce_max3A_67 = vector.multi_reduction <maximumf>, %reduce_max3A_65, %reduce_max3A_66 [1, 2] : vector<1x2500x128xf32> to vector<1xf32>
      %reduce_max3A_68 = vector.shape_cast %reduce_max3A_67 : vector<1xf32> to vector<1x1x1xf32>
      %reduce_max3A_69 = vector.extract %reduce_max3A_68[0, 0, 0] : f32 from vector<1x1x1xf32>
      %broadcast_in_dim3A_70 = vector.broadcast %reduce_max3A_69 : f32 to vector<1x16xf32>
      %swap3A_71 = arith.constant 2 : index
      %swap3A_72 = arith.constant 0 : index
      %swap3A_73 = vector.load %arg12[%swap3A_71, %swap3A_72] : memref<8x16xf32, #tpu.memory_space<vmem>>, vector<1x16xf32>
      tpu.vector_store %arg12[%swap3A_71, %swap3A_72], %broadcast_in_dim3A_70 {strides = array<i32>} : memref<8x16xf32, #tpu.memory_space<vmem>>, vector<1x16xf32>,
    } else {
    }
    %get3A = arith.constant 0 : index
    %get3A_2 = arith.constant 0 : index
    %get3A_3 = vector.load %arg1[%get3A, %get3A_2] : memref<400x128xf32, #tpu.memory_space<vmem>>, vector<400x128xf32>
    %get3A_4 = arith.constant 0 : index
    %get3A_5 = arith.constant 0 : index
    %get3A_6 = vector.load %arg2[%get3A_4, %get3A_5] : memref<128x128xf32, #tpu.memory_space<vmem>>, vector<128x128xf32>
    %dot_general3A = arith.constant dense<0.000000e+00> : vector<400x128xf32>
    %dot_general3A_7 = tpu.matmul %get3A_3, %get3A_6, %dot_general3A {dimension_numbers = #tpu.dot_dimension_numbers<[1], [0], [0], [1], [0, 0, 1, 1], [], []>, transpose_lhs_hint = false} : vector<400x128xf32>, vector<128x128xf32>, vector<400x128xf32> -> vector<400x128xf32>
    %get3A_8 = arith.constant 0 : index
    %get3A_9 = arith.constant 0 : index
    %get3A_10 = vector.load %arg3[%get3A_8, %get3A_9] : memref<1x128xf32, #tpu.memory_space<vmem>>, vector<1x128xf32>
    %mul3A = vector.broadcast %get3A_10 : vector<1x128xf32> to vector<400x128xf32>
    %mul3A_11 = arith.mulf %dot_general3A_7, %mul3A : vector<400x128xf32>
    %get3A_12 = arith.constant 0 : index
    %get3A_13 = arith.constant 0 : index
    %get3A_14 = vector.load %arg7[%get3A_12, %get3A_13] : memref<128x16xf32, #tpu.memory_space<vmem>>, vector<128x16xf32>
    %dot_general3A_15 = arith.constant dense<0.000000e+00> : vector<400x16xf32>
    %dot_general3A_16 = tpu.matmul %mul3A_11, %get3A_14, %dot_general3A_15 {dimension_numbers = #tpu.dot_dimension_numbers<[1], [0], [0], [1], [0, 0, 1, 1], [], []>, transpose_lhs_hint = false} : vector<400x128xf32>, vector<128x16xf32>, vector<400x16xf32> -> vector<400x16xf32>
    %get3A_17 = arith.constant 0 : index
    %get3A_18 = arith.constant 0 : index
    %get3A_19 = vector.load %arg4[%get3A_17, %get3A_18] : memref<1x128xf32, #tpu.memory_space<vmem>>, vector<1x128xf32>
    %mul3A_20 = vector.broadcast %get3A_19 : vector<1x128xf32> to vector<400x128xf32>
    %mul3A_21 = arith.mulf %dot_general3A_7, %mul3A_20 : vector<400x128xf32>
    %get3A_22 = arith.constant 0 : index
    %get3A_23 = arith.constant 0 : index
    %get3A_24 = vector.load %arg7[%get3A_22, %get3A_23] : memref<128x16xf32, #tpu.memory_space<vmem>>, vector<128x16xf32>
    %dot_general3A_25 = arith.constant dense<0.000000e+00> : vector<400x16xf32>
    %dot_general3A_26 = tpu.matmul %mul3A_21, %get3A_24, %dot_general3A_25 {dimension_numbers = #tpu.dot_dimension_numbers<[1], [0], [0], [1], [0, 0, 1, 1], [], []>, transpose_lhs_hint = false} : vector<400x128xf32>, vector<128x16xf32>, vector<400x16xf32> -> vector<400x16xf32>
    %swap3A = arith.constant 0 : index
    %swap3A_27 = arith.constant 0 : index
    %swap3A_28 = vector.load %arg9[%swap3A, %swap3A_27] : memref<400x144xf32, #tpu.memory_space<vmem>>, vector<400x128xf32>
    tpu.vector_store %arg9[%swap3A, %swap3A_27], %dot_general3A_7 {strides = array<i32>} : memref<400x144xf32, #tpu.memory_space<vmem>>, vector<400x128xf32>,
    %swap3A_29 = arith.constant 0 : index
    %swap3A_30 = arith.constant 128 : index
    %swap3A_31 = vector.load %arg9[%swap3A_29, %swap3A_30] : memref<400x144xf32, #tpu.memory_space<vmem>>, vector<400x16xf32>
    tpu.vector_store %arg9[%swap3A_29, %swap3A_30], %dot_general3A_16 {strides = array<i32>} : memref<400x144xf32, #tpu.memory_space<vmem>>, vector<400x16xf32>,
    %swap3A_32 = arith.constant 0 : index
    %swap3A_33 = arith.constant 0 : index
    %swap3A_34 = vector.load %arg10[%swap3A_32, %swap3A_33] : memref<400x16xf32, #tpu.memory_space<vmem>>, vector<400x16xf32>
    tpu.vector_store %arg10[%swap3A_32, %swap3A_33], %dot_general3A_26 {strides = array<i32>} : memref<400x16xf32, #tpu.memory_space<vmem>>, vector<400x16xf32>,
    %get3A_35 = arith.constant 0 : index
    %get3A_36 = arith.constant 0 : index
    %get3A_37 = vector.load %arg12[%get3A_35, %get3A_36] : memref<8x16xf32, #tpu.memory_space<vmem>>, vector<1x16xf32>
    %reduce_max3A = arith.constant dense<0xFF800000> : vector<16xf32>
    %reduce_max3A_38 = vector.multi_reduction <maximumf>, %dot_general3A_16, %reduce_max3A [0] : vector<400x16xf32> to vector<16xf32>
    %broadcast_in_dim3A = vector.shape_cast %reduce_max3A_38 : vector<16xf32> to vector<1x16xf32>
    %max3A = arith.maximumf %get3A_37, %broadcast_in_dim3A : vector<1x16xf32>
    %swap3A_39 = arith.constant 0 : index
    %swap3A_40 = arith.constant 0 : index
    %swap3A_41 = vector.load %arg12[%swap3A_39, %swap3A_40] : memref<8x16xf32, #tpu.memory_space<vmem>>, vector<1x16xf32>
    tpu.vector_store %arg12[%swap3A_39, %swap3A_40], %max3A {strides = array<i32>} : memref<8x16xf32, #tpu.memory_space<vmem>>, vector<1x16xf32>,
    %get3A_42 = arith.constant 1 : index
    %get3A_43 = arith.constant 0 : index
    %get3A_44 = vector.load %arg12[%get3A_42, %get3A_43] : memref<8x16xf32, #tpu.memory_space<vmem>>, vector<1x16xf32>
    %reduce_max3A_45 = arith.constant dense<0xFF800000> : vector<16xf32>
    %reduce_max3A_46 = vector.multi_reduction <maximumf>, %dot_general3A_26, %reduce_max3A_45 [0] : vector<400x16xf32> to vector<16xf32>
    %broadcast_in_dim3A_47 = vector.shape_cast %reduce_max3A_46 : vector<16xf32> to vector<1x16xf32>
    %max3A_48 = arith.maximumf %get3A_44, %broadcast_in_dim3A_47 : vector<1x16xf32>
    %swap3A_49 = arith.constant 1 : index
    %swap3A_50 = arith.constant 0 : index
    %swap3A_51 = vector.load %arg12[%swap3A_49, %swap3A_50] : memref<8x16xf32, #tpu.memory_space<vmem>>, vector<1x16xf32>
    tpu.vector_store %arg12[%swap3A_49, %swap3A_50], %max3A_48 {strides = array<i32>} : memref<8x16xf32, #tpu.memory_space<vmem>>, vector<1x16xf32>,
    %eq3A_52 = arith.constant 24 : i32
    %eq3A_53 = arith.cmpi eq, %arg0, %eq3A_52 : i32
    %convert_element_type3A_54 = arith.extui %eq3A_53 : i1 to i32
    %cond3A_55 = arith.constant 0 : i32
    %cond3A_56 = arith.cmpi ne, %convert_element_type3A_54, %cond3A_55 : i32
    scf.if %cond3A_56 {
      %get3A_57 = arith.constant 0 : index
      %get3A_58 = arith.constant 0 : index
      %get3A_59 = vector.load %arg5[%get3A_57, %get3A_58] : memref<1x128xf32, #tpu.memory_space<vmem>>, vector<1x128xf32>
      %get3A_60 = arith.constant 0 : index
      %get3A_61 = arith.constant 0 : index
      %get3A_62 = vector.load %arg6[%get3A_60, %get3A_61] : memref<1x128xf32, #tpu.memory_space<vmem>>, vector<1x128xf32>
      %mul3A_63 = arith.mulf %get3A_59, %get3A_62 : vector<1x128xf32>
      %get3A_64 = arith.constant 0 : index
      %get3A_65 = arith.constant 0 : index
      %get3A_66 = vector.load %arg7[%get3A_64, %get3A_65] : memref<128x16xf32, #tpu.memory_space<vmem>>, vector<128x16xf32>
      %dot_general3A_67 = arith.constant dense<0.000000e+00> : vector<1x16xf32>
      %dot_general3A_68 = tpu.matmul %mul3A_63, %get3A_66, %dot_general3A_67 {dimension_numbers = #tpu.dot_dimension_numbers<[1], [0], [0], [1], [0, 0, 1, 1], [], []>, transpose_lhs_hint = false} : vector<1x128xf32>, vector<128x16xf32>, vector<1x16xf32> -> vector<1x16xf32>
      %get3A_69 = arith.constant 2 : index
      %get3A_70 = arith.constant 0 : index
      %get3A_71 = vector.load %arg12[%get3A_69, %get3A_70] : memref<8x16xf32, #tpu.memory_space<vmem>>, vector<1x16xf32>
      %mul3A_72 = arith.mulf %dot_general3A_68, %get3A_71 : vector<1x16xf32>
      %max3A_73 = arith.constant 0.000000e+00 : f32
      %max3A_74 = vector.broadcast %max3A_73 : f32 to vector<1x16xf32>
      %max3A_75 = arith.maximumf %mul3A_72, %max3A_74 : vector<1x16xf32>
      %get3A_76 = arith.constant 0 : index
      %get3A_77 = arith.constant 0 : index
      %get3A_78 = vector.load %arg12[%get3A_76, %get3A_77] : memref<8x16xf32, #tpu.memory_space<vmem>>, vector<1x16xf32>
      %get3A_79 = arith.constant 1 : index
      %get3A_80 = arith.constant 0 : index
      %get3A_81 = vector.load %arg12[%get3A_79, %get3A_80] : memref<8x16xf32, #tpu.memory_space<vmem>>, vector<1x16xf32>
      %add3A = arith.addf %get3A_78, %get3A_81 : vector<1x16xf32>
      %add3A_82 = arith.addf %add3A, %max3A_75 : vector<1x16xf32>
      %gt3A = arith.constant 0.000000e+00 : f32
      %gt3A_83 = vector.broadcast %gt3A : f32 to vector<1x16xf32>
      %gt3A_84 = arith.cmpf ogt, %add3A_82, %gt3A_83 : vector<1x16xf32>
      %mul3A_85 = arith.constant 2.000000e-01 : f32
      %mul3A_86 = vector.broadcast %mul3A_85 : f32 to vector<1x16xf32>
      %mul3A_87 = arith.mulf %mul3A_86, %add3A_82 : vector<1x16xf32>
      %select_n3A = arith.select %gt3A_84, %add3A_82, %mul3A_87 : vector<1x16xi1>, vector<1x16xf32>
      %reduce_max3A_88 = vector.shape_cast %select_n3A : vector<1x16xf32> to vector<1x1x16xf32>
      %reduce_max3A_89 = arith.constant dense<0xFF800000> : vector<1xf32>
      %reduce_max3A_90 = vector.multi_reduction <maximumf>, %reduce_max3A_88, %reduce_max3A_89 [1, 2] : vector<1x1x16xf32> to vector<1xf32>
      %reduce_max3A_91 = vector.shape_cast %reduce_max3A_90 : vector<1xf32> to vector<1x1x1xf32>
      %reduce_max3A_92 = vector.extract %reduce_max3A_91[0, 0, 0] : f32 from vector<1x1x1xf32>
      %iota3A = tpu.iota {dimensions = array<i32: 1>} : vector<1x16xi32>
      %eq3A_93 = arith.constant 15 : i32
      %eq3A_94 = vector.broadcast %eq3A_93 : i32 to vector<1x16xi32>
      %eq3A_95 = arith.cmpi eq, %iota3A, %eq3A_94 : vector<1x16xi32>
      %broadcast_in_dim3A_96 = vector.broadcast %reduce_max3A_92 : f32 to vector<1x16xf32>
      %select_n3A_97 = arith.select %eq3A_95, %broadcast_in_dim3A_96, %dot_general3A_68 : vector<1x16xi1>, vector<1x16xf32>
      %swap3A_98 = arith.constant 0 : index
      %swap3A_99 = arith.constant 0 : index
      %swap3A_100 = vector.load %arg11[%swap3A_98, %swap3A_99] : memref<1x16xf32, #tpu.memory_space<vmem>>, vector<1x16xf32>
      tpu.vector_store %arg11[%swap3A_98, %swap3A_99], %select_n3A_97 {strides = array<i32>} : memref<1x16xf32, #tpu.memory_space<vmem>>, vector<1x16xf32>,
    } else {
    }
    return
  }
  func.func @transform_0(%arg0: i32) -> (i32, i32) {
    %c0_i32 = arith.constant 0 : i32
    %c0_i32_0 = arith.constant 0 : i32
    return %arg0, %c0_i32 : i32, i32
  }
  func.func @transform_1(%arg0: i32) -> (i32, i32) {
    %c0_i32 = arith.constant 0 : i32
    %c0_i32_0 = arith.constant 0 : i32
    %c0_i32_1 = arith.constant 0 : i32
    return %c0_i32, %c0_i32_0 : i32, i32
  }
  func.func @transform_2(%arg0: i32) -> (i32, i32) {
    %c0_i32 = arith.constant 0 : i32
    %c0_i32_0 = arith.constant 0 : i32
    %c0_i32_1 = arith.constant 0 : i32
    return %c0_i32, %c0_i32_0 : i32, i32
  }
  func.func @transform_3(%arg0: i32) -> (i32, i32) {
    %c0_i32 = arith.constant 0 : i32
    %c0_i32_0 = arith.constant 0 : i32
    %c0_i32_1 = arith.constant 0 : i32
    return %c0_i32, %c0_i32_0 : i32, i32
  }
  func.func @transform_4(%arg0: i32) -> (i32, i32) {
    %c0_i32 = arith.constant 0 : i32
    %c0_i32_0 = arith.constant 0 : i32
    %c0_i32_1 = arith.constant 0 : i32
    return %c0_i32, %c0_i32_0 : i32, i32
  }
  func.func @transform_5(%arg0: i32) -> (i32, i32) {
    %c0_i32 = arith.constant 0 : i32
    %c0_i32_0 = arith.constant 0 : i32
    %c0_i32_1 = arith.constant 0 : i32
    return %c0_i32, %c0_i32_0 : i32, i32
  }
  func.func @transform_6(%arg0: i32) -> (i32, i32) {
    %c0_i32 = arith.constant 0 : i32
    %c0_i32_0 = arith.constant 0 : i32
    %c0_i32_1 = arith.constant 0 : i32
    return %c0_i32, %c0_i32_0 : i32, i32
  }
  func.func @transform_7(%arg0: i32) -> (i32, i32) {
    %c0_i32 = arith.constant 0 : i32
    %c0_i32_0 = arith.constant 0 : i32
    %c0_i32_1 = arith.constant 0 : i32
    return %c0_i32, %c0_i32_0 : i32, i32
  }
  func.func @transform_8(%arg0: i32) -> (i32, i32) {
    %c0_i32 = arith.constant 0 : i32
    %c0_i32_0 = arith.constant 0 : i32
    return %arg0, %c0_i32 : i32, i32
  }
  func.func @transform_9(%arg0: i32) -> (i32, i32) {
    %c0_i32 = arith.constant 0 : i32
    %c0_i32_0 = arith.constant 0 : i32
    return %arg0, %c0_i32 : i32, i32
  }
  func.func @transform_10(%arg0: i32) -> (i32, i32) {
    %c0_i32 = arith.constant 0 : i32
    %c0_i32_0 = arith.constant 0 : i32
    %c0_i32_1 = arith.constant 0 : i32
    return %c0_i32, %c0_i32_0 : i32, i32
  }
}

module attributes {stable_mosaic.version = 14 : i64} {
  func.func @_tc2_body(%arg0: i32, %arg1: memref<2x400x128xf32, #tpu.memory_space<vmem>>, %arg2: memref<2x400x16xf32, #tpu.memory_space<vmem>>, %arg3: memref<400x128xf32, #tpu.memory_space<vmem>>, %arg4: memref<128x128xf32, #tpu.memory_space<vmem>>, %arg5: memref<1x128xf32, #tpu.memory_space<vmem>>, %arg6: memref<16x128xf32, #tpu.memory_space<vmem>>, %arg7: memref<400x128xf32, #tpu.memory_space<vmem>>) attributes {dimension_semantics = [#tpu.dimension_semantics<arbitrary>], iteration_bounds = array<i64: 25>, scalar_prefetch = 0 : i64, scratch_operands = 0 : i64, tpu.core_type = #tpu.core_type<tc>, window_params = [{transform_indices = @transform_0, window_bounds = array<i64: 2, 400, 128>}, {transform_indices = @transform_1, window_bounds = array<i64: 2, 400, 16>}, {transform_indices = @transform_2, window_bounds = array<i64: 400, 128>}, {pipeline_mode = #tpu.pipeline_mode<synchronous>, transform_indices = @transform_3, window_bounds = array<i64: 128, 128>}, {pipeline_mode = #tpu.pipeline_mode<synchronous>, transform_indices = @transform_4, window_bounds = array<i64: 1, 128>}, {pipeline_mode = #tpu.pipeline_mode<synchronous>, transform_indices = @transform_5, window_bounds = array<i64: 16, 128>}, {transform_indices = @transform_6, window_bounds = array<i64: 400, 128>}]} {
    %get3A = arith.constant 0 : index
    %get3A_0 = arith.constant 0 : index
    %get3A_1 = arith.constant 0 : index
    %get3A_2 = vector.load %arg1[%get3A, %get3A_0, %get3A_1] : memref<2x400x128xf32, #tpu.memory_space<vmem>>, vector<1x400x128xf32>
    %get3A_3 = vector.shape_cast %get3A_2 : vector<1x400x128xf32> to vector<400x128xf32>
    %get3A_4 = arith.constant 1 : index
    %get3A_5 = arith.constant 0 : index
    %get3A_6 = arith.constant 0 : index
    %get3A_7 = vector.load %arg1[%get3A_4, %get3A_5, %get3A_6] : memref<2x400x128xf32, #tpu.memory_space<vmem>>, vector<1x400x128xf32>
    %get3A_8 = vector.shape_cast %get3A_7 : vector<1x400x128xf32> to vector<400x128xf32>
    %add3A = arith.addf %get3A_3, %get3A_8 : vector<400x128xf32>
    %get3A_9 = arith.constant 0 : index
    %get3A_10 = arith.constant 0 : index
    %get3A_11 = arith.constant 0 : index
    %get3A_12 = vector.load %arg2[%get3A_9, %get3A_10, %get3A_11] : memref<2x400x16xf32, #tpu.memory_space<vmem>>, vector<1x400x16xf32>
    %get3A_13 = vector.shape_cast %get3A_12 : vector<1x400x16xf32> to vector<400x16xf32>
    %get3A_14 = arith.constant 1 : index
    %get3A_15 = arith.constant 0 : index
    %get3A_16 = arith.constant 0 : index
    %get3A_17 = vector.load %arg2[%get3A_14, %get3A_15, %get3A_16] : memref<2x400x16xf32, #tpu.memory_space<vmem>>, vector<1x400x16xf32>
    %get3A_18 = vector.shape_cast %get3A_17 : vector<1x400x16xf32> to vector<400x16xf32>
    %add3A_19 = arith.addf %get3A_13, %get3A_18 : vector<400x16xf32>
    %get3A_20 = arith.constant 0 : index
    %get3A_21 = arith.constant 0 : index
    %get3A_22 = vector.load %arg6[%get3A_20, %get3A_21] : memref<16x128xf32, #tpu.memory_space<vmem>>, vector<16x128xf32>
    %dot_general3A = arith.constant dense<0.000000e+00> : vector<400x128xf32>
    %dot_general3A_23 = tpu.matmul %add3A_19, %get3A_22, %dot_general3A {dimension_numbers = #tpu.dot_dimension_numbers<[1], [0], [0], [1], [0, 0, 1, 1], [], []>, transpose_lhs_hint = false} : vector<400x16xf32>, vector<16x128xf32>, vector<400x128xf32> -> vector<400x128xf32>
    %get3A_24 = arith.constant 0 : index
    %get3A_25 = arith.constant 0 : index
    %get3A_26 = vector.load %arg3[%get3A_24, %get3A_25] : memref<400x128xf32, #tpu.memory_space<vmem>>, vector<400x128xf32>
    %get3A_27 = arith.constant 0 : index
    %get3A_28 = arith.constant 0 : index
    %get3A_29 = vector.load %arg4[%get3A_27, %get3A_28] : memref<128x128xf32, #tpu.memory_space<vmem>>, vector<128x128xf32>
    %dot_general3A_30 = arith.constant dense<0.000000e+00> : vector<400x128xf32>
    %dot_general3A_31 = tpu.matmul %get3A_26, %get3A_29, %dot_general3A_30 {dimension_numbers = #tpu.dot_dimension_numbers<[1], [0], [0], [1], [0, 0, 1, 1], [], []>, transpose_lhs_hint = false} : vector<400x128xf32>, vector<128x128xf32>, vector<400x128xf32> -> vector<400x128xf32>
    %add3A_32 = arith.constant 1.000000e-16 : f32
    %add3A_33 = vector.broadcast %add3A_32 : f32 to vector<400x128xf32>
    %add3A_34 = arith.addf %dot_general3A_23, %add3A_33 : vector<400x128xf32>
    %div3A = arith.divf %add3A, %add3A_34 : vector<400x128xf32>
    %add3A_35 = arith.addf %div3A, %dot_general3A_31 : vector<400x128xf32>
    %get3A_36 = arith.constant 0 : index
    %get3A_37 = arith.constant 0 : index
    %get3A_38 = vector.load %arg5[%get3A_36, %get3A_37] : memref<1x128xf32, #tpu.memory_space<vmem>>, vector<1x128xf32>
    %add3A_39 = vector.broadcast %get3A_38 : vector<1x128xf32> to vector<400x128xf32>
    %add3A_40 = arith.addf %add3A_35, %add3A_39 : vector<400x128xf32>
    %gt3A = arith.constant 0.000000e+00 : f32
    %gt3A_41 = vector.broadcast %gt3A : f32 to vector<400x128xf32>
    %gt3A_42 = arith.cmpf ogt, %add3A_40, %gt3A_41 : vector<400x128xf32>
    %exp3A = math.exp %add3A_40 : vector<400x128xf32>
    %sub3A = arith.constant 1.000000e+00 : f32
    %sub3A_43 = vector.broadcast %sub3A : f32 to vector<400x128xf32>
    %sub3A_44 = arith.subf %exp3A, %sub3A_43 : vector<400x128xf32>
    %select_n3A = arith.select %gt3A_42, %add3A_40, %sub3A_44 : vector<400x128xi1>, vector<400x128xf32>
    %swap3A = arith.constant 0 : index
    %swap3A_45 = arith.constant 0 : index
    %swap3A_46 = vector.load %arg7[%swap3A, %swap3A_45] : memref<400x128xf32, #tpu.memory_space<vmem>>, vector<400x128xf32>
    tpu.vector_store %arg7[%swap3A, %swap3A_45], %select_n3A {strides = array<i32>} : memref<400x128xf32, #tpu.memory_space<vmem>>, vector<400x128xf32>,
    return
  }
  func.func @transform_0(%arg0: i32) -> (i32, i32, i32) {
    %c0_i32 = arith.constant 0 : i32
    %c0_i32_0 = arith.constant 0 : i32
    %c0_i32_1 = arith.constant 0 : i32
    return %c0_i32, %arg0, %c0_i32_0 : i32, i32, i32
  }
  func.func @transform_1(%arg0: i32) -> (i32, i32, i32) {
    %c0_i32 = arith.constant 0 : i32
    %c0_i32_0 = arith.constant 0 : i32
    %c0_i32_1 = arith.constant 0 : i32
    return %c0_i32, %arg0, %c0_i32_0 : i32, i32, i32
  }
  func.func @transform_2(%arg0: i32) -> (i32, i32) {
    %c0_i32 = arith.constant 0 : i32
    %c0_i32_0 = arith.constant 0 : i32
    return %arg0, %c0_i32 : i32, i32
  }
  func.func @transform_3(%arg0: i32) -> (i32, i32) {
    %c0_i32 = arith.constant 0 : i32
    %c0_i32_0 = arith.constant 0 : i32
    %c0_i32_1 = arith.constant 0 : i32
    return %c0_i32, %c0_i32_0 : i32, i32
  }
  func.func @transform_4(%arg0: i32) -> (i32, i32) {
    %c0_i32 = arith.constant 0 : i32
    %c0_i32_0 = arith.constant 0 : i32
    %c0_i32_1 = arith.constant 0 : i32
    return %c0_i32, %c0_i32_0 : i32, i32
  }
  func.func @transform_5(%arg0: i32) -> (i32, i32) {
    %c0_i32 = arith.constant 0 : i32
    %c0_i32_0 = arith.constant 0 : i32
    %c0_i32_1 = arith.constant 0 : i32
    return %c0_i32, %c0_i32_0 : i32, i32
  }
  func.func @transform_6(%arg0: i32) -> (i32, i32) {
    %c0_i32 = arith.constant 0 : i32
    %c0_i32_0 = arith.constant 0 : i32
    return %arg0, %c0_i32 : i32, i32
  }
}

</mosaic_0001>

<sc_bundles>
// kernel: kernel.5.cloned.1.call-start
scs
__scs_entry_jumppad:
0x0: {  	(pc) =	sbr.rel $0x88, $3  }
0x1: {  	(tag) =	ssettag $0x0;
	lr =	simm.s32 $0x1  }
0x2: {  	[smem:$0x3F97] =	sst lr;
	_ =	strace $0xD0000000  }
0x3: {  	_ = 	snop  }
0x4: {  	_ = 	snop  }
0x5: {  	_ = 	snop  }
0x6: {  	_ = 	snop  }
0x7: {  	_ = 	snop  }
__scs_overlays_trampoline_lowered:
0x8: {  	[smem:$0x3FA6] =	sst s0  }
0x9: {  	[smem:$0x3FA7] =	sst s1  }
0xa: {  	[smem:$0x3FA8] =	sst s2  }
0xb: {  	[smem:$0x3FA9] =	sst s3  }
0xc: {  	[smem:$0x3FAA] =	sst s4  }
0xd: {  	[smem:$0x3FAB] =	sst s5  }
0xe: {  	[smem:$0x3FAC] =	sst s6  }
0xf: {  	[smem:$0x3FAD] =	sst s7  }
0x10: {  	[smem:$0x3FAE] =	sst s8  }
0x11: {  	[smem:$0x3FAF] =	sst s9;
	s0 =	simm.s32 @!p0 $0x0  }
0x12: {  	s1 =	sld [smem:$0x3F95];
	s0 =	simm.s32 @p0 $0x1  }
0x13: {  	[smem:$0x3FB0] =	sst s0;
	s0 =	simm.s32 @!p1 $0x0  }
0x14: {  	s2 =	sld [smem:$0x3F94];
	s0 =	simm.s32 @p1 $0x1  }
0x15: {  	[smem:$0x3FB1] =	sst s0;
	s0 =	simm.s32 @!p2 $0x0  }
0x16: {  	s3 =	sld [smem:$0x3FDB];
	s0 =	simm.s32 @p2 $0x1  }
0x17: {  	s4 =	simm.s32 $0x1BF5;
	[smem:$0x3FB3] =	sst s0  }
0x18: {  	s0 =	sld [smem:$0x3F96];
	_ =	swait.ge [sflag:s4], $0x0  }
0x19: {  	s7 =	sld [smem:$0x3F97]  }
0x1a: {  	s8 =	sadd.s32 $0xFFFFE003, lr  }
0x1b: {  	s9 =	sadd.s32 $0xFFFFFEF7, lr;
	s5 =	simm.s32 $0xFFFFFFFF;
	p2 =	slt.u32 s8, $0xFFFFF086  }
0x1c: {  	p1 =	slt.u32 s9, $0xF7A;
	s5 =	simm.s32 @!p2 $0x0  }
0x1d: {  	s5 =	simm.s32 @p1 $0x1;
	p0 =	seq.s32 s7, s2  }
0x1e: {  	s7 =	smul.u32 @!p0 $0xF7A, s2;
	p2 =	seq.s32 @!p0 s5, $0x0  }
0x1f: {  	s9 =	smul.u32 $0xF7A, s1;
	s8 =	simm.s32 @!p0 $0x1BF5;
	p2 =	por !p2, p0  }
0x20: {  	[sflag:s8] =	ssyncset.s32 @!p0 $0xFFFFF086;
	s6 =	sadd.s32 @!p0 s3, s7;
	s7 =	simm.s32 @!p0 $0x108  }
0x21: {  	s3 =	sadd.s32 s3, s9;
	s6 =	sadd.s32 @!p0 $0x88, s6;
	s7 =	simm.s32 @p2 $0x1082  }
0x22: {  	[simem:s7], [sflag:s8] =	dma.local @!p0 [hbm:s6], $0xF7A  }
0x23: {  	s9 =	sor.u32 $0xD0000000, s2;
	s6 =	simm.s32 $0x108;
	_ =	swait.ge @!p0 [sflag:s8], $0x0  }
0x24: {  	s3 =	sadd.s32 $0x88, s3;
	s6 =	simm.s32 @!p1 $0x1082;
	[sflag:s4] =	ssyncset.s32 $0xFFFFF086  }
0x25: {  	[simem:s6], [sflag:s4] =	dma.local [hbm:s3], $0xF7A  }
0x26: {  	[smem:$0x3F97] =	sst s1;
	(tag) =	ssettag s2;
	_ =	strace s9  }
0x27: {  	s1 =	sld [smem:$0x3FA7]  }
0x28: {  	s2 =	sld [smem:$0x3FA8]  }
0x29: {  	s4 =	sld [smem:$0x3FAA]  }
0x2a: {  	p0 =	seq.s32 s5, $0x0;
	s5 =	sld [smem:$0x3FAB]  }
0x2b: {  	s6 =	sld [smem:$0x3FAC]  }
0x2c: {  	s7 =	sld [smem:$0x3FAD]  }
0x2d: {  	s3 =	simm.s32 $0x108;
	s8 =	sld [smem:$0x3FAE]  }
0x2e: {  	s3 =	simm.s32 @!p0 $0x1082;
	s9 =	sld [smem:$0x3FAF]  }
0x2f: {  	lr =	sadd.s32 s0, s3;
	s0 =	sld [smem:$0x3FA6]  }
0x30: {  	s3 =	sld [smem:$0x3FA9]  }
0x31: {  	[smem:$0x3FB2] =	sst s10  }
0x32: {  	s10 =	sld [smem:$0x3FB0];
	_ =	sdelay $0x3  }
0x33: {  	p0 =	seq.s32 s10, $0x1;
	s10 =	sld [smem:$0x3FB2];
	_ =	sdelay $0x3  }
0x34: {  	[smem:$0x3FB2] =	sst s10  }
0x35: {  	s10 =	sld [smem:$0x3FB1];
	_ =	sdelay $0x3  }
0x36: {  	p1 =	seq.s32 s10, $0x1;
	s10 =	sld [smem:$0x3FB2];
	_ =	sdelay $0x3  }
0x37: {  	[smem:$0x3FB2] =	sst s10  }
0x38: {  	s10 =	sld [smem:$0x3FB3]  }
0x39: {  	_ = 	snop;
	(pc) =	sbr.ind lr, $3  }
0x3a: {  	_ = 	snop  }
0x3b: {  	_ = 	snop  }
0x3c: {  	p2 =	seq.s32 s10, $0x1;
	s10 =	sld [smem:$0x3FB2]  }
0x3d: {  	_ =	shalt  }
0x3e: {  	_ =	shalt  }
0x3f: {  	_ =	shalt  }
0x40: {  	_ =	shalt  }
0x41: {  	_ =	shalt  }
0x42: {  	_ =	shalt  }
0x43: {  	_ =	shalt  }
0x44: {  	_ =	shalt  }
0x45: {  	_ =	shalt  }
0x46: {  	_ =	shalt  }
0x47: {  	_ =	shalt  }
0x48: {  	_ =	shalt  }
0x49: {  	_ =	shalt  }
0x4a: {  	_ =	shalt  }
0x4b: {  	_ =	shalt  }
0x4c: {  	_ =	shalt  }
0x4d: {  	_ =	shalt  }
0x4e: {  	_ =	shalt  }
0x4f: {  	_ =	shalt  }
0x50: {  	_ =	shalt  }
0x51: {  	_ =	shalt  }
0x52: {  	_ =	shalt  }
0x53: {  	_ =	shalt  }
0x54: {  	_ =	shalt  }
0x55: {  	_ =	shalt  }
0x56: {  	_ =	shalt  }
0x57: {  	_ =	shalt  }
0x58: {  	_ =	shalt  }
0x59: {  	_ =	shalt  }
0x5a: {  	_ =	shalt  }
0x5b: {  	_ =	shalt  }
0x5c: {  	_ =	shalt  }
0x5d: {  	_ =	shalt  }
0x5e: {  	_ =	shalt  }
0x5f: {  	_ =	shalt  }
0x60: {  	_ =	shalt  }
0x61: {  	_ =	shalt  }
0x62: {  	_ =	shalt  }
0x63: {  	_ =	shalt  }
0x64: {  	_ =	shalt  }
0x65: {  	_ =	shalt  }
0x66: {  	_ =	shalt  }
0x67: {  	_ =	shalt  }
0x68: {  	_ =	shalt  }
0x69: {  	_ =	shalt  }
0x6a: {  	_ =	shalt  }
0x6b: {  	_ =	shalt  }
0x6c: {  	_ =	shalt  }
0x6d: {  	_ =	shalt  }
0x6e: {  	_ =	shalt  }
0x6f: {  	_ =	shalt  }
0x70: {  	_ =	shalt  }
0x71: {  	_ =	shalt  }
0x72: {  	_ =	shalt  }
0x73: {  	_ =	shalt  }
0x74: {  	_ =	shalt  }
0x75: {  	_ =	shalt  }
0x76: {  	_ =	shalt  }
0x77: {  	_ =	shalt  }
0x78: {  	_ =	shalt  }
0x79: {  	_ =	shalt  }
0x7a: {  	_ =	shalt  }
0x7b: {  	_ =	shalt  }
0x7c: {  	_ =	shalt  }
0x7d: {  	_ =	shalt  }
0x7e: {  	_ =	shalt  }
0x7f: {  	_ =	shalt  }
0x80: {  	_ =	shalt  }
0x81: {  	_ =	shalt  }
0x82: {  	_ =	shalt  }
0x83: {  	_ =	shalt  }
0x84: {  	_ =	shalt  }
0x85: {  	_ =	shalt  }
0x86: {  	_ =	shalt  }
0x87: {  	_ =	shalt  }
.Lfunc_end0:
.L_simem_size_0:
called_computation_lowered:
.L_overlay_start_0:
0x88: {  	s2 =	sld [smem:$0x3FD9]  }
0x89: {  	s3 =	sld [smem:$0x3FFE];
	_ =	sdelay $0x1  }
0x8a: {  	s1 =	srdreg.scid  }
0x8b: {  	s0 =	sand.u32 $0x1, s1  }
0x8c: {  	s14 =	sshll.u32 s0, $0xA;
	s2 =	sadd.s32 s3, s2  }
0x8d: {  	s2 =	sadd.s32 s2, s14  }
0x8e: {  	[smem:$0x3FBE] =	sst s2  }
0x8f: {  	_ = 	snop  }
0x90: {  	s2 =	sld [smem:$0x3FD0];
	_ =	sdelay $0x2  }
0x91: {  	s15 =	simm.s32 $0xA;
	s4 =	simm.s32 $0x10  }
0x92: {  	[smem:s4], [sflag:s15] =	dma.local [hbm:s2], $0x1  }
0x93: {  	_ =	swait.eq [sflag:s15], $0x1  }
0x94: {  	s16 =	sld [smem:$0x10];
	[sflag:s15] =	ssyncset.done $0x0  }
0x95: {  	s17 =	sld [smem:$0x11];
	[sflag:s15] =	ssyncadd.s32 $0xFFFFFFFF  }
0x96: {  	s18 =	sld [smem:$0x12];
	(tm) =	ssettm $0x1  }
0x97: {  	s5 =	sld [smem:$0x3FFB];
	_ =	sdelay $0x3  }
0x98: {  	_ =	strace s5  }
0x99: {  	s5 =	sld [smem:$0x3FFC];
	_ =	sdelay $0x3  }
0x9a: {  	_ =	strace s5  }
0x9b: {  	s5 =	sld [smem:$0x3FFD];
	_ =	sdelay $0x3  }
0x9c: {  	_ =	strace s5  }
0x9d: {  	_ =	strace $0x8FFFFFFF  }
0x9e: {  	s19 =	sld [smem:$0x3FDB];
	_ =	sdelay $0x1  }
0x9f: {  	s6 =	simm.s32 $_scs_section_size  }
0xa0: {  	s7 =	simm.s32 $_size__tile_overlayer_lowered;
	s8 =	simm.s32 $_tile_overlayer_lowered  }
0xa1: {  	s22 =	simm.s32 $0x1BFF;
	s21 =	sshll.u32 s8, $0x1;
	s5 =	sadd.s32 s6, s19  }
0xa2: {  	s9 =	simm.s32 $0x0;
	s20 =	sshll.u32 s7, $0x1;
	s7 =	sadd.s32 s21, s5  }
0xa3: {  	[timem:s9], [sflag:s22] =	dma.local [hbm:s7], s20  }
0xa4: {  	_ =	swait.ge [sflag:s22], s20  }
0xa5: {  	s6 =	ssub.s32 $0x0, s20;
	[sflag:s22] =	ssyncset.done $0x0  }
0xa6: {  	[sflag:s22] =	ssyncadd.s32 s6;
	_ =	sdelay $0x1  }
0xa7: {  	s23 =	simm.s32 $0x1B8B  }
0xa8: {  	_ =	swait.ge [sflag:s23], $0x1  }
0xa9: {  	[sflag:s23] =	ssyncset.done $0x0  }
0xaa: {  	s25 =	simm.s32 $0x1B8E;
	s24 =	sld [smem:$0x3FFE];
	[sflag:s23] =	ssyncadd.s32 $0xFFFFFFFF  }
0xab: {  	s26 =	simm.s32 $execute0_lowered;
	[smem:$0x3FD2] =	sst s25  }
0xac: {  	s7 =	sshll.u32 s26, $0x1;
	_ =	strace $0x80000046;
	[dreg:$0x1] =	wrdreg $0xFFFFFFFF  }
0xad: {  	s28 =	simm.s32 $_size_execute0_lowered;
	s5 =	sadd.s32 s5, s7;
	[dreg:$0x0] =	wrdreg $0x0  }
0xae: {  	s7 =	sshll.u32 s28, $0x1;
	[dreg:$0x2] =	wrdreg s5  }
0xaf: {  	[dreg:$0x3] =	wrdreg s7  }
0xb0: {  	[dreg:$0x4] =	wrdreg $0xC0  }
0xb1: {  	_ =	task [dreg:s9], $0x5FFFF  }
0xb2: {  	[dreg:$0x1] =	wrdreg $0xFFFFFFFF  }
0xb3: {  	[dreg:$0x0] =	wrdreg $0x60  }
0xb4: {  	[dreg:$0x2] =	wrdreg s16  }
0xb5: {  	[dreg:$0x3] =	wrdreg s18  }
0xb6: {  	[dreg:$0x4] =	wrdreg s24  }
0xb7: {  	[dreg:$0x5] =	wrdreg s17  }
0xb8: {  	[dreg:$0x6] =	wrdreg $0x97D00  }
0xb9: {  	[dreg:$0x7] =	wrdreg $0x9  }
0xba: {  	_ =	task.clear_ibuf [dreg:s9], $0x8FFFF;
	_ =	strace $0x90000046  }
0xbb: {  	s29 =	simm.s32 $0x9;
	_ =	strace $0x80000048  }
0xbc: {  	_ =	swait.ge [sflag:s29], $0x1  }
0xbd: {  	[sflag:s29] =	ssyncadd.s32 $0xFFFFFFFF  }
0xbe: {  	_ =	strace $0x90000048  }
0xbf: {  	_ =	sfence  }
0xc0: {  	s30 =	sld [smem:$0x0];
	_ =	sdelay $0x2  }
0xc1: {  	s31 =	sshll.u32 s1, $0xD;
	s1 =	sshrl.u32 s1, $0x2  }
0xc2: {  	s3 =	sand.u32 $0x4000, s31;
	s1 =	sadd.s32 s1, s30  }
0xc3: {  	s0 =	sor.u32 s3, s0;
	s1 =	sshll.u32 s1, $0x11  }
0xc4: {  	s0 =	sor.u32 s1, s0  }
0xc5: {  	s0 =	sadd.s32 $0x8F2B, s0  }
0xc6: {  	[sflag:s0] =	ssyncadd.remote.s32 $0x1  }
0xc7: {  	_ =	sfence.sel $0xFFFF  }
0xc8: {  	[dreg:$0x0] =	wrdreg $0xFFFFFFFF;
	(pc) =	sbr.abs _section_cstart, $3  }
0xc9: {  	[dreg:$0x1] =	wrdreg $0xFFFFFFFF  }
0xca: {  	_ =	task.clear_ibuf [dreg:s9], $0x2FFFF;
	_ =	strace $0x9FFFFFFF  }
0xcb: {  	(tm) =	ssettm $0x7FFFFFFF  }
tec
execute0_lowered:
.L_overlay_start_1:
0x0: {  	(tag) =	ssettag $0x1  }
0x1: {  	s1 =	rddreg [dreg:$0x0]  }
0x2: {  	s2 =	rddreg [dreg:$0x1]  }
0x3: {  	s0 =	rddreg [dreg:$0x2]  }
0x4: {  	s3 =	rddreg [dreg:$0x3]  }
0x5: {  	s4 =	rddreg [dreg:$0x4];
	s5 =	simm.s32 $0x0  }
0x6: {  	s6 =	srdreg.scid;
	s16 =	stileid.u32;
	s28 =	simm.s32 $0x120  }
0x7: {  	s29 =	simm.s32 $0x180;
	s31 =	simm.s32 $0x9350;
	[smem:$0x7FF] =	sst s5  }
0x8: {  	s7 =	sand.u32 $0x1, s6;
	s26 =	sshll.u32 s16, $0x1;
	s13 =	smul.u32 $0x13800, s16  }
0x9: {  	s6 =	sadd.s32 $0x2000, s0;
	s9 =	sadd.s32 $0x1E00, s0;
	s14 =	smul.u32 $0x57C00, s16  }
0xa: {  	s0 =	sadd.s32 $0x2E000, s0;
	s22 =	sadd.s32 $0x15F000, s4;
	s15 =	smul.u32 $0x2700, s16  }
0xb: {  	p0 =	sne.s32 s16, $0xF;
	s16 =	simm.s32 $0x2;
	_ =	strace $0x80000047  }
0xc: {  	s8 =	sor.u32 s7, s26;
	[dreg:$0x6] =	wrdreg s9;
	s10 =	smul.u32 $0x138800, s7  }
0xd: {  	s30 =	ssub.s32 $0x2, s7;
	s7 =	smul.u32 $0x27100, s7;
	[dreg:$0x9] =	wrdreg s22  }
0xe: {  	s8 =	smul.u32 $0x2710, s8;
	s11 =	sshrl.u32 s30, $0x1;
	s14 =	sshrl.u32 s14, $0x2  }
0xf: {  	s9 =	ssub.s32 s30, s11;
	s13 =	sadd.s32 s13, s10;
	s14 =	sadd.s32 s14, s4  }
0x10: {  	s18 =	sadd.s32 s15, s7;
	s10 =	sshrl.u32 s10, $0x3;
	s7 =	sshrl.u32 s7, $0x3  }
0x11: {  	s15 =	simm.s32 $0x3;
	s12 =	sshrl.u32 s8, $0x3;
	s21 =	smax.u32 s9, $0x1  }
0x12: {  	s19 =	sadd.s32 $0x80, s14;
	s17 =	sadd.s32 s1, s12;
	[dreg:$0xe] =	wrdreg s21  }
0x13: {  	s11 =	sadd.s32 $0xA0, s8;
	s30 =	sshrl.u32 s19, $0x3;
	[dreg:$0x7] =	wrdreg s17  }
0x14: {  	s13 =	sshrl.u32 s13, $0x3;
	s12 =	sadd.s32 $0xA, s17;
	[dreg:$0x13] =	wrdreg s30  }
0x15: {  	s9 =	simm.s32 $0xC40;
	s23 =	sadd.s32 $0x9C40, s17;
	[dreg:$0x8] =	wrdreg s12  }
0x16: {  	s19 =	simm.s32 $0x6640;
	s24 =	sadd.s32 $0x13880, s17;
	[dreg:$0xf] =	wrdreg s23  }
0x17: {  	s25 =	sadd.s32 $0x9C4A, s17;
	s26 =	sadd.s32 $0x1388A, s17;
	[dreg:$0x10] =	wrdreg s24  }
0x18: {  	s17 =	simm.s32 $0x0;
	s12 =	sadd.s32 $0xF0, s8;
	[dreg:$0x11] =	wrdreg s25  }
0x19: {  	s8 =	sadd.s32 s0, s13;
	s0 =	sadd.s32 s0, s10;
	[dreg:$0x12] =	wrdreg s26  }
0x1a: {  	s23 =	simm.s32 $0x60;
	[dreg:$0xa] =	wrdreg s8;
	s8 =	sshrl.u32 s18, $0x3  }
0x1b: {  	s13 =	simm.s32 $0x240;
	s0 =	sadd.s32 $0x27000, s0;
	s8 =	sadd.s32 s3, s8  }
0x1c: {  	s3 =	sadd.s32 s3, s7;
	[dreg:$0xc] =	wrdreg s0;
	s0 =	sadd.s32 $0x15F080, s4  }
0x1d: {  	s7 =	simm.s32 $0x50;
	[dreg:$0xb] =	wrdreg s8;
	s20 =	sadd.s32 $0x4E00, s3  }
0x1e: {  	s0 =	sshrl.u32 @!p0 s0, $0x3;
	s3 =	simm.s32 $0x1;
	[dreg:$0xd] =	wrdreg s20  }
0x1f: {  	v0 =	vimm.f32 $0.0e+00;
	vm0 =	vmmov $0xff;
	[dreg:$0x14] =	wrdreg s0;
	s0 =	simm.s32 $0x5;
	s20 =	simm.s32 $0x4  }
.LBB2_1:
0x20: {  	s8 =	rddreg [dreg:$0x7]  }
0x21: {  	[tilespmem:s5], [sflag:$0x1] =	stream.linear.gather [hbm4b:s8+s5], $0x50, $0x38;
	[tilespmem:$0x1F760] =	vst v63  }
0x22: {  	s10 =	rddreg [dreg:$0xf]  }
0x23: {  	[tilespmem:s23], [sflag:$0x1] =	stream.linear.gather [hbm4b:s10+s5], $0x50, $0x38;
	[tilespmem:$0x1F760] =	vst v63  }
0x24: {  	s18 =	rddreg [dreg:$0x10];
	s10 =	simm.s32 $0xC0  }
0x25: {  	[tilespmem:s10], [sflag:$0x1] =	stream.linear.gather [hbm4b:s18+s5], $0x50, $0x38;
	[tilespmem:$0x1F760] =	vst v63  }
0x26: {  	s21 =	rddreg [dreg:$0x8]  }
0x27: {  	[tilespmem:s28], [sflag:$0x2] =	stream.linear.gather [hbm4b:s21+s5], $0x50, $0x38;
	[tilespmem:$0x1F760] =	vst v63  }
0x28: {  	s24 =	rddreg [dreg:$0x11]  }
0x29: {  	[tilespmem:s29], [sflag:$0x2] =	stream.linear.gather [hbm4b:s24+s5], $0x50, $0x38;
	[tilespmem:$0x1F760] =	vst v63  }
0x2a: {  	s25 =	rddreg [dreg:$0x12];
	s26 =	simm.s32 $0x1E0  }
0x2b: {  	[tilespmem:s26], [sflag:$0x2] =	stream.linear.gather [hbm4b:s25+s5], $0x50, $0x38;
	[tilespmem:$0x1F760] =	vst v63  }
0x2c: {  	[tilespmem:$0x9350] =	vst v0  }
0x2d: {  	[tilespmem:$0x9360] =	vst v0  }
0x2e: {  	[tilespmem:$0x9370] =	vst v0  }
0x2f: {  	[tilespmem:$0x9380] =	vst v0  }
0x30: {  	[tilespmem:$0x9390] =	vst v0  }
0x31: {  	[tilespmem:$0x93A0] =	vst v0  }
0x32: {  	[tilespmem:$0x93B0] =	vst v0  }
0x33: {  	[tilespmem:$0x93C0] =	vst v0  }
0x34: {  	[tilespmem:$0x93D0] =	vst v0  }
0x35: {  	[tilespmem:$0x93E0] =	vst v0  }
0x36: {  	[tilespmem:$0x93F0] =	vst v0  }
0x37: {  	[tilespmem:$0x9400] =	vst v0  }
0x38: {  	[tilespmem:$0x9410] =	vst v0  }
0x39: {  	[tilespmem:$0x9420] =	vst v0  }
0x3a: {  	[tilespmem:$0x9430] =	vst v0  }
0x3b: {  	[tilespmem:$0x9440] =	vst v0  }
0x3c: {  	[tilespmem:$0x9450] =	vst v0  }
0x3d: {  	[tilespmem:$0x9460] =	vst v0  }
0x3e: {  	[tilespmem:$0x9470] =	vst v0  }
0x3f: {  	[tilespmem:$0x9480] =	vst v0  }
0x40: {  	[tilespmem:$0x9490] =	vst v0  }
0x41: {  	[tilespmem:$0x94A0] =	vst v0  }
0x42: {  	[tilespmem:$0x94B0] =	vst v0  }
0x43: {  	[tilespmem:$0x94C0] =	vst v0  }
0x44: {  	[tilespmem:$0x94D0] =	vst v0  }
0x45: {  	[tilespmem:$0x94E0] =	vst v0  }
0x46: {  	[tilespmem:$0x94F0] =	vst v0  }
0x47: {  	[tilespmem:$0x9500] =	vst v0  }
0x48: {  	[tilespmem:$0x9510] =	vst v0  }
0x49: {  	[tilespmem:$0x9520] =	vst v0  }
0x4a: {  	[tilespmem:$0x9530] =	vst v0  }
0x4b: {  	[tilespmem:$0x9540] =	vst v0  }
0x4c: {  	[tilespmem:$0x9550] =	vst v0  }
0x4d: {  	[tilespmem:$0x9560] =	vst v0  }
0x4e: {  	[tilespmem:$0x9570] =	vst v0  }
0x4f: {  	[tilespmem:$0x9580] =	vst v0  }
0x50: {  	[tilespmem:$0x9590] =	vst v0  }
0x51: {  	[tilespmem:$0x95A0] =	vst v0  }
0x52: {  	[tilespmem:$0x95B0] =	vst v0  }
0x53: {  	[tilespmem:$0x95C0] =	vst v0  }
0x54: {  	[tilespmem:$0x95D0] =	vst v0  }
0x55: {  	[tilespmem:$0x95E0] =	vst v0  }
0x56: {  	[tilespmem:$0x95F0] =	vst v0  }
0x57: {  	[tilespmem:$0x9600] =	vst v0  }
0x58: {  	[tilespmem:$0x9610] =	vst v0  }
0x59: {  	[tilespmem:$0x9620] =	vst v0  }
0x5a: {  	[tilespmem:$0x9630] =	vst v0  }
0x5b: {  	[tilespmem:$0x9640] =	vst v0  }
0x5c: {  	[tilespmem:$0x9650] =	vst v0  }
0x5d: {  	[tilespmem:$0x9660] =	vst v0  }
0x5e: {  	[tilespmem:$0x9670] =	vst v0  }
0x5f: {  	[tilespmem:$0x9680] =	vst v0  }
0x60: {  	[tilespmem:$0x9690] =	vst v0  }
0x61: {  	[tilespmem:$0x96A0] =	vst v0  }
0x62: {  	[tilespmem:$0x96B0] =	vst v0  }
0x63: {  	[tilespmem:$0x96C0] =	vst v0  }
0x64: {  	[tilespmem:$0x96D0] =	vst v0  }
0x65: {  	[tilespmem:$0x96E0] =	vst v0  }
0x66: {  	[tilespmem:$0x96F0] =	vst v0  }
0x67: {  	[tilespmem:$0x9700] =	vst v0  }
0x68: {  	[tilespmem:$0x9710] =	vst v0  }
0x69: {  	[tilespmem:$0x9720] =	vst v0  }
0x6a: {  	[tilespmem:$0x9730] =	vst v0  }
0x6b: {  	[tilespmem:$0x9740] =	vst v0  }
0x6c: {  	[tilespmem:$0x9750] =	vst v0  }
0x6d: {  	[tilespmem:$0x9760] =	vst v0  }
0x6e: {  	[tilespmem:$0x9770] =	vst v0  }
0x6f: {  	[tilespmem:$0x9780] =	vst v0  }
0x70: {  	[tilespmem:$0x9790] =	vst v0  }
0x71: {  	[tilespmem:$0x97A0] =	vst v0  }
0x72: {  	[tilespmem:$0x97B0] =	vst v0  }
0x73: {  	s30 =	sadd.s32 $0x0, s14;
	[tilespmem:$0x97C0] =	vst v0  }
0x74: {  	[spmem:s30] =	stream.linear.scatter [tilespmem:s31], [sflag:$0x5], $0x480, $0x38;
	[tilespmem:$0x1F760] =	vst v63  }
0x75: {  	s8 =	simm.s32 $0x1200;
	_ =	swait.ge [sflag:s0], $0x480  }
.LBB2_2:
0x76: {  	s10 =	sshra.s32 s8, $0x2;
	[sflag:s0] =	ssyncset.done $0x0;
	p1 =	sne.s32 s8, $0x56A00  }
.Ltmp0:
0x77: {  	s10 =	sadd.s32 s10, s14;
	[sflag:s0] =	ssyncadd.s32 $0xFFFFFB80;
	(pc) =	sbr.rel @p1 .LBB2_2-.Ltmp0, $3  }
0x78: {  	[spmem:s10] =	stream.linear.scatter [tilespmem:s31], [sflag:$0x5], $0x480, $0x38;
	[tilespmem:$0x1F760] =	vst v63  }
0x79: {  	s8 =	sadd.s32 $0x1200, s8;
	_ =	sdelay $0x1  }
0x7a: {  	_ =	swait.ge [sflag:s0], $0x480  }
0x7b: {  	[sflag:s0] =	ssyncset.done $0x0  }
0x7c: {  	s8 =	simm.s32 @!p0 $0x9350;
	[sflag:s0] =	ssyncadd.s32 $0xFFFFFB80  }
0x7d: {  	[spmem:s22] =	stream.linear.scatter @!p0 [tilespmem:s8], [sflag:$0x5], $0x900, $0x38;
	[tilespmem:$0x1F760] =	vst v63  }
0x7e: {  	[dreg:$0x15] =	wrdreg s17;
	s8 =	simm.s32 @!p0 $0x5  }
0x7f: {  	_ =	swait.ge @!p0 [sflag:s8], $0x900  }
0x80: {  	s10 =	simm.s32 $0x9340;
	[sflag:s8] =	ssyncset.done @!p0 $0x0  }
0x81: {  	s22 =	simm.s32 $0x0;
	s30 =	rddreg [dreg:$0x6];
	[sflag:s8] =	ssyncadd.s32 @!p0 $0xFFFFF700  }
0x82: {  	[tilespmem:s10], [sflag:$0x5] =	stream.linear.gather [hbm4b:s30+s22], $0x10, $0x38;
	[tilespmem:$0x1F760] =	vst v63  }
0x83: {  	_ =	swait.ge [sflag:s0], $0x10  }
0x84: {  	[sflag:s0] =	ssyncset.done $0x0  }
0x85: {  	[sflag:s0] =	ssyncadd.s32 $0xFFFFFFF0  }
0x86: {  	_ =	swait.ge [sflag:s3], $0xF0  }
0x87: {  	[sflag:s3] =	ssyncset.done $0x0  }
0x88: {  	[sflag:s3] =	ssyncadd.s32 $0xFFFFFF10  }
0x89: {  	[tilespmem:s9], [sflag:$0x3] =	stream.indirect.gather [hbm4b:s6+s7], $0x90, s22, s7, $0xb8;
	[tilespmem:$0x1F760] =	vst v63  }
0x8a: {  	_ = 	snop  }
0x8b: {  	[tilespmem:s13], [sflag:$0x3] =	stream.indirect.gather [hbm4b:s2+s7], $0x10, s23, s7, $0xb8;
	[tilespmem:$0x1F760] =	vst v63  }
0x8c: {  	[bflag:$0x0] =	sbarrier.arrive $0xFFFF  }
0x8d: {  	v2 =	vld [tilespmem:$0x9340];
	_ =	sdelay $0x4  }
0x8e: {  	v1 =	vbroadcast v2, $0xF  }
.LBB2_4:
0x8f: {  	_ =	swait.ge [sflag:s15], $0x2D00  }
0x90: {  	[sflag:s15] =	ssyncset.done $0x0  }
0x91: {  	[sflag:s15] =	ssyncadd.s32 $0xFFFFD300  }
0x92: {  	_ =	swait.ge [sflag:s15], $0x500  }
0x93: {  	[sflag:s15] =	ssyncset.done $0x0  }
0x94: {  	[sflag:s15] =	ssyncadd.s32 $0xFFFFFB00  }
0x95: {  	_ =	swait.ge [sflag:s16], $0xF0  }
0x96: {  	[sflag:s16] =	ssyncset.done $0x0  }
0x97: {  	s8 =	simm.s32 $0x3940;
	[sflag:s16] =	ssyncadd.s32 $0xFFFFFF10  }
0x98: {  	[tilespmem:s8], [sflag:$0x4] =	stream.indirect.gather [hbm4b:s6+s7], $0x90, s28, s7, $0xb8;
	[tilespmem:$0x1F760] =	vst v63  }
0x99: {  	s25 =	simm.s32 $0x740;
	s10 =	simm.s32 $0x280  }
0x9a: {  	[tilespmem:s25], [sflag:$0x4] =	stream.indirect.gather [hbm4b:s2+s7], $0x10, s29, s7, $0xb8;
	[tilespmem:$0x1F760] =	vst v63  }
0x9b: {  	s24 =	simm.s32 $0xE80;
	v3 =	vld [tilespmem:s10+$0x30]  }
0x9c: {  	s26 =	simm.s32 $0xC7;
	v4 =	vld [tilespmem:s24+$0x230]  }
0x9d: {  	v5 =	vld.msk [tilespmem:s26+$0x0 ss:$0x0], $0xffff  }
0x9e: {  	v6 =	vld [tilespmem:s24+$0x80]  }
0x9f: {  	v7 =	vld [tilespmem:s10+$0x0]  }
0xa0: {  	v8 =	vld.msk [tilespmem:s26+$0xFFFFFFFD ss:$0x0], $0xffff;
	_ =	sdelay $0x3  }
0xa1: {  	v3 =	vadd.f32 v3, v4;
	v4 =	vmul.f32 v5, v2  }
0xa2: {  	v5 =	vadd.f32 v7, v6;
	v6 =	vmul.f32 v8, v2  }
0xa3: {  	v3 =	vadd.f32 v3, v4  }
0xa4: {  	v4 =	vadd.f32 v5, v6  }
0xa5: {  	v5 =	vmul.f32 $2.000000030e-01, v3  }
0xa6: {  	vm1 =	vgt.f32 v3, $0.0e+00;
	v6 =	vmul.f32 $2.000000030e-01, v4  }
0xa7: {  	v3 =	vsel vm1, v3, v5;
	vm1 =	vgt.f32 v4, $0.0e+00  }
0xa8: {  	v3 =	vsub.f32 v3, v1;
	v4 =	vsel vm1, v4, v6  }
0xa9: {  	v4 =	vsub.f32 v4, v1  }
0xaa: {  	v3 =	vmul.f32 $1.442695020e+00, v3  }
0xab: {  	v4 =	vmul.f32 $1.442695020e+00, v4  }
0xac: {  	(erf) = vpow2.f32 v3  }
0xad: {  	(erf) = vpow2.f32 v4;
	_ =	sdelay $0x2  }
0xae: {  	v9 =	vld.msk [tilespmem:s26+$0xFFFFFFFB ss:$0x0], $0xffff  }
0xaf: {  	v10 =	vld [tilespmem:s10+$0xFFFFFFC0]  }
0xb0: {  	v11 =	vld.msk [tilespmem:s26+$0xFFFFFFFF ss:$0x0], $0xffff  }
0xb1: {  	v13 =	vld [tilespmem:s10+$0x20]  }
0xb2: {  	v14 =	vld [tilespmem:s24+$0x1A0]  }
0xb3: {  	v15 =	vld [tilespmem:s24+$0x110];
	v4 =	vpop (erf)  }
0xb4: {  	v16 =	vld.msk [tilespmem:s26+$0xFFFFFFFC ss:$0x0], $0xffff;
	v3 =	vpop (erf)  }
0xb5: {  	s25 =	simm.s32 $0x6880;
	v18 =	vld [tilespmem:s10+$0x10];
	v12 =	vnsel vm0, $0x0, v3  }
0xb6: {  	v19 =	vld [tilespmem:s10+$0xFFFFFFF0];
	[tilespmem:s25+$0x80] =	vst v12  }
0xb7: {  	v12 =	vld [tilespmem:s24+$0x0]  }
0xb8: {  	v21 =	vld.msk [tilespmem:s26+$0xFFFFFFFE ss:$0x0], $0xffff  }
0xb9: {  	v23 =	vld [tilespmem:s24+$0xFFFFFE40]  }
0xba: {  	v7 =	vld [tilespmem:s10+$0xFFFFFFE0];
	v17 =	vbroadcast v3, $0x0  }
0xbb: {  	v8 =	vld [tilespmem:s24+$0xFFFFFF60]  }
0xbc: {  	v12 =	vmul.f32 v17, v12;
	v17 =	vld [tilespmem:s24+$0xFFFFFFF0]  }
0xbd: {  	v5 =	vld [tilespmem:s10+$0xFFFFFFD0]  }
0xbe: {  	v6 =	vld [tilespmem:s24+$0xFFFFFED0];
	[tilespmem:s25+$0x0] =	vst v12  }
0xbf: {  	v9 =	vmul.f32 v9, v2;
	v15 =	vadd.f32 v18, v15;
	v12 =	vld [tilespmem:s24+$0x10]  }
0xc0: {  	v13 =	vadd.f32 v13, v14;
	v11 =	vmul.f32 v11, v2;
	v20 =	vnsel vm0, $0x0, v4  }
0xc1: {  	v24 =	vld.msk [tilespmem:s26+$0xFFFFFFF9 ss:$0x0], $0xffff;
	v14 =	vmul.f32 v16, v2;
	v16 =	vadd.f32 v10, v23;
	[tilespmem:s25+$0x230] =	vst v20;
	v17 =	vadd.f32 v19, v17  }
0xc2: {  	v13 =	vadd.f32 v13, v11;
	v7 =	vadd.f32 v7, v8;
	v18 =	vbroadcast v3, $0x1;
	v20 =	vld [tilespmem:s24+$0x1B0]  }
0xc3: {  	v5 =	vadd.f32 v5, v6;
	v6 =	vld.msk [tilespmem:s26+$0xFFFFFFFA ss:$0x0], $0xffff;
	v14 =	vadd.f32 v17, v14  }
0xc4: {  	s21 =	simm.s32 $0x300;
	v7 =	vadd.f32 v7, v9;
	v9 =	vmul.f32 v21, v2;
	v12 =	vmul.f32 v18, v12  }
0xc5: {  	v29 =	vld [tilespmem:s21+$0x10];
	vm1 =	vgt.f32 v13, $0.0e+00;
	v22 =	vbroadcast v4, $0x0;
	v17 =	vmul.f32 $2.000000030e-01, v14  }
0xc6: {  	v32 =	vld [tilespmem:s21+$0xFFFFFFF0];
	v9 =	vadd.f32 v15, v9;
	v15 =	vmul.f32 v24, v2;
	vm2 =	vgt.f32 v14, $0.0e+00;
	[tilespmem:s25+$0x10] =	vst v12  }
0xc7: {  	v19 =	vmul.f32 v22, v20;
	v20 =	vmul.f32 $2.000000030e-01, v13;
	v12 =	vld [tilespmem:s24+$0x20];
	v14 =	vsel vm2, v14, v17  }
0xc8: {  	s30 =	simm.s32 $0xCF;
	v53 =	vld [tilespmem:s21+$0x0];
	v15 =	vadd.f32 v16, v15;
	v6 =	vmul.f32 v6, v2;
	v14 =	vsub.f32 v14, v1  }
0xc9: {  	v44 =	vld.msk [tilespmem:s30+$0xFFFFFFFD ss:$0x0], $0xffff;
	v22 =	vmul.f32 $2.000000030e-01, v7;
	v13 =	vsel vm1, v13, v20;
	v20 =	vmul.f32 $2.000000030e-01, v9  }
0xca: {  	s8 =	simm.s32 $0x1300;
	v10 =	vld [tilespmem:s21+$0xFFFFFFD0];
	vm1 =	vgt.f32 v9, $0.0e+00;
	v18 =	vbroadcast v3, $0x2;
	v14 =	vmul.f32 $1.442695020e+00, v14  }
0xcb: {  	v11 =	vld [tilespmem:s8+$0xFFFFFED0];
	[tilespmem:s25+$0x1B0] =	vst v19;
	v21 =	vsub.f32 v13, v1;
	v9 =	vsel vm1, v9, v20;
	vm2 =	vgt.f32 v7, $0.0e+00  }
0xcc: {  	v20 =	vld [tilespmem:s24+$0x1C0];
	v7 =	vsel vm2, v7, v22;
	v12 =	vmul.f32 v18, v12;
	(erf) = vpow2.f32 v14  }
0xcd: {  	v16 =	vld [tilespmem:s21+$0xFFFFFFE0];
	v8 =	vbroadcast v4, $0x1;
	v9 =	vsub.f32 v9, v1;
	v7 =	vsub.f32 v7, v1  }
0xce: {  	v5 =	vadd.f32 v5, v6;
	v6 =	vld.msk [tilespmem:s30+$0xFFFFFFFB ss:$0x0], $0xffff;
	v19 =	vmul.f32 $2.000000030e-01, v15;
	v14 =	vmul.f32 $1.442695020e+00, v21;
	[tilespmem:s25+$0x20] =	vst v12  }
0xcf: {  	vm1 =	vgt.f32 v15, $0.0e+00;
	v9 =	vmul.f32 $1.442695020e+00, v9;
	v7 =	vmul.f32 $1.442695020e+00, v7;
	v23 =	vld [tilespmem:s24+$0x30]  }
0xd0: {  	v13 =	vld [tilespmem:s21+$0xFFFFFFC0];
	v19 =	vsel vm1, v15, v19;
	v12 =	vmul.f32 $2.000000030e-01, v5;
	(erf) = vpow2.f32 v14  }
0xd1: {  	v15 =	vld.msk [tilespmem:s30+$0xFFFFFFFF ss:$0x0], $0xffff;
	vm1 =	vgt.f32 v5, $0.0e+00;
	v8 =	vmul.f32 v8, v20;
	(erf) = vpow2.f32 v9  }
0xd2: {  	v17 =	vld [tilespmem:s8+$0xFFFFFF60];
	v5 =	vsel vm1, v5, v12;
	v12 =	vbroadcast v3, $0x3;
	(erf) = vpow2.f32 v7  }
0xd3: {  	v22 =	vld [tilespmem:s8+$0x110];
	v14 =	vsub.f32 v19, v1  }
0xd4: {  	v18 =	vld [tilespmem:s21+$0x20];
	[tilespmem:s25+$0x1C0] =	vst v8;
	v12 =	vmul.f32 v12, v23  }
0xd5: {  	v9 =	vld [tilespmem:s24+$0x1D0];
	v8 =	vmul.f32 $1.442695020e+00, v14;
	v25 =	vpop (erf)  }
0xd6: {  	v21 =	vld [tilespmem:s8+$0x1A0];
	[tilespmem:s25+$0x30] =	vst v12;
	v12 =	vnsel vm0, $0x0, v25  }
0xd7: {  	v5 =	vsub.f32 v5, v1;
	(erf) = vpow2.f32 v8;
	v14 =	vld [tilespmem:s24+$0x40];
	[tilespmem:s25+$0xFFFFFFF0] =	vst v12  }
0xd8: {  	v28 =	vbroadcast v3, $0x4;
	v20 =	vbroadcast v4, $0x2;
	v12 =	vld [tilespmem:s24+$0xFFFFFF70]  }
0xd9: {  	v37 =	vbroadcast v3, $0x5;
	v7 =	vld [tilespmem:s21+$0x30];
	v5 =	vmul.f32 $1.442695020e+00, v5;
	v27 =	vpop (erf)  }
0xda: {  	v24 =	vmul.f32 v6, v2;
	v8 =	vld [tilespmem:s8+$0x230];
	v9 =	vmul.f32 v20, v9;
	v26 =	vnsel vm0, $0x0, v27;
	v31 =	vpop (erf)  }
0xdb: {  	(erf) = vpow2.f32 v5;
	v5 =	vld.msk [tilespmem:s30+$0x0 ss:$0x0], $0xffff;
	v20 =	vbroadcast v25, $0x0;
	[tilespmem:s25+$0x1A0] =	vst v26;
	v26 =	vnsel vm0, $0x0, v31;
	v6 =	vpop (erf)  }
0xdc: {  	v23 =	vld.msk [tilespmem:s30+$0xFFFFFFFE ss:$0x0], $0xffff;
	v51 =	vbroadcast v25, $0x1;
	[tilespmem:s25+$0x110] =	vst v26;
	v28 =	vmul.f32 v14, v28;
	v14 =	vnsel vm0, $0x0, v6  }
0xdd: {  	v16 =	vadd.f32 v16, v17;
	v60 =	vbroadcast v25, $0x2;
	[tilespmem:s25+$0xFFFFFF60] =	vst v14;
	v12 =	vmul.f32 v20, v12;
	v20 =	vld [tilespmem:s24+$0x90]  }
0xde: {  	v29 =	vadd.f32 v29, v22;
	v22 =	vbroadcast v25, $0x7;
	v36 =	vbroadcast v27, $0x0;
	v35 =	vld [tilespmem:s24+$0xFFFFFEE0]  }
0xdf: {  	v16 =	vadd.f32 v16, v24;
	v52 =	vbroadcast v27, $0x1;
	v49 =	vbroadcast v31, $0x0;
	v33 =	vld [tilespmem:s24+$0x120];
	[tilespmem:s25+$0x40] =	vst v28  }
0xe0: {  	v8 =	vadd.f32 v7, v8;
	v55 =	vbroadcast v31, $0x1;
	v34 =	vmul.f32 v5, v2;
	v30 =	vpop (erf);
	[tilespmem:s25+$0xFFFFFF70] =	vst v12;
	v12 =	vld [tilespmem:s24+$0x50]  }
0xe1: {  	v19 =	vld.msk [tilespmem:s30+$0xFFFFFFFC ss:$0x0], $0xffff;
	[tilespmem:s25+$0x1D0] =	vst v9;
	v46 =	vbroadcast v31, $0x2;
	v9 =	vbroadcast v6, $0x0;
	v39 =	vnsel vm0, $0x0, v30  }
0xe2: {  	v50 =	vld [tilespmem:s24+$0x1E0];
	v24 =	vmul.f32 v23, v2;
	v8 =	vadd.f32 v8, v34;
	[tilespmem:s25+$0xFFFFFE40] =	vst v39;
	v20 =	vmul.f32 v49, v20  }
0xe3: {  	v5 =	vbroadcast v31, $0x7;
	v39 =	vld [tilespmem:s24+$0xFFFFFDC0];
	v9 =	vmul.f32 v9, v35  }
0xe4: {  	v40 =	vmul.f32 $2.000000030e-01, v8;
	v36 =	vmul.f32 v36, v33;
	v38 =	vld [tilespmem:s24+$0xFFFFFF80];
	[tilespmem:s25+$0x90] =	vst v20  }
0xe5: {  	v26 =	vbroadcast v4, $0x7;
	vm1 =	vgt.f32 v8, $0.0e+00;
	v14 =	vpop (erf);
	[tilespmem:s25+$0xFFFFFEE0] =	vst v9;
	v9 =	vmul.f32 v12, v37;
	v12 =	vld [tilespmem:s24+$0xA0]  }
0xe6: {  	v54 =	vbroadcast v30, $0x0;
	v42 =	vnsel vm0, $0x0, v14;
	v8 =	vsel vm1, v8, v40;
	[tilespmem:s25+$0x120] =	vst v36;
	v43 =	vld [tilespmem:s24+$0xFFFFFEF0]  }
0xe7: {  	v57 =	vbroadcast v6, $0x1;
	v34 =	vld [tilespmem:s8+$0xFFFFFFF0];
	v33 =	vbroadcast v4, $0x6;
	[tilespmem:s25+$0xFFFFFED0] =	vst v42;
	v8 =	vsub.f32 v8, v1  }
0xe8: {  	v41 =	vbroadcast v14, $0x0;
	v56 =	vmul.f32 v54, v39;
	[tilespmem:s25+$0x50] =	vst v9;
	v9 =	vld [tilespmem:s24+$0xFFFFFE50]  }
0xe9: {  	v36 =	vld [tilespmem:s24+$0x130];
	v8 =	vmul.f32 $1.442695020e+00, v8;
	v35 =	vmul.f32 v51, v38  }
0xea: {  	v28 =	vld [tilespmem:s8+$0x80];
	v20 =	vbroadcast v4, $0x3;
	[tilespmem:s25+$0xFFFFFDC0] =	vst v56;
	v12 =	vmul.f32 v55, v12  }
0xeb: {  	(erf) = vpow2.f32 v8;
	v8 =	vld [tilespmem:s24+$0xFFFFFDD0];
	[tilespmem:s25+$0xFFFFFF80] =	vst v35;
	v59 =	vmul.f32 v57, v43  }
0xec: {  	v7 =	vbroadcast v14, $0x6;
	v20 =	vmul.f32 v20, v50;
	v58 =	vld [tilespmem:s24+$0x60];
	[tilespmem:s25+$0xA0] =	vst v12  }
0xed: {  	v62 =	vbroadcast v14, $0x1;
	v9 =	vmul.f32 v41, v9;
	[tilespmem:s25+$0xFFFFFEF0] =	vst v59;
	v63 =	vld [tilespmem:s24+$0xB0]  }
0xee: {  	v47 =	vbroadcast v14, $0x5;
	v36 =	vmul.f32 v52, v36;
	[tilespmem:s25+$0x1E0] =	vst v20;
	v48 =	vld [tilespmem:s24+$0xFFFFFF00]  }
0xef: {  	v50 =	vmul.f32 v44, v2;
	v45 =	vld [tilespmem:s24+$0xFFFFFF90];
	v12 =	vbroadcast v30, $0x1;
	[tilespmem:s25+$0xFFFFFE50] =	vst v9  }
0xf0: {  	v35 =	vbroadcast v3, $0x7;
	v3 =	vbroadcast v3, $0x6;
	[tilespmem:s25+$0x130] =	vst v36;
	v20 =	vld [tilespmem:s24+$0xFFFFFE60]  }
0xf1: {  	v61 =	vld [tilespmem:s24+$0x140];
	v9 =	vbroadcast v6, $0x2;
	v8 =	vmul.f32 v12, v8  }
0xf2: {  	v28 =	vadd.f32 v53, v28;
	v51 =	vld [tilespmem:s24+$0x1F0];
	v42 =	vmul.f32 v58, v3;
	v3 =	vmul.f32 v46, v63  }
0xf3: {  	v49 =	vbroadcast v27, $0x2;
	v44 =	vld [tilespmem:s8+$0xFFFFFE40];
	[tilespmem:s25+$0xFFFFFDD0] =	vst v8;
	v8 =	vmul.f32 v9, v48  }
0xf4: {  	v37 =	vbroadcast v4, $0x4;
	v28 =	vadd.f32 v28, v50;
	v36 =	vmul.f32 v60, v45;
	v52 =	vld [tilespmem:s24+$0xFFFFFDE0];
	[tilespmem:s25+$0xB0] =	vst v3  }
0xf5: {  	v4 =	vbroadcast v4, $0x5;
	v20 =	vmul.f32 v62, v20;
	[tilespmem:s25+$0xFFFFFF00] =	vst v8;
	v54 =	vld [tilespmem:s24+$0xC0]  }
0xf6: {  	v53 =	vmul.f32 $2.000000030e-01, v28;
	[tilespmem:s25+$0xFFFFFF90] =	vst v36;
	v56 =	vmul.f32 v49, v61;
	v55 =	vld [tilespmem:s24+$0xFFFFFF10]  }
0xf7: {  	vm1 =	vgt.f32 v28, $0.0e+00;
	v57 =	vbroadcast v30, $0x2;
	v37 =	vmul.f32 v51, v37;
	[tilespmem:s25+$0xFFFFFE60] =	vst v20;
	v20 =	vld [tilespmem:s24+$0xFFFFFFA0]  }
0xf8: {  	v41 =	vbroadcast v14, $0x2;
	v28 =	vsel vm1, v28, v53;
	v59 =	vbroadcast v31, $0x3;
	[tilespmem:s25+$0x140] =	vst v56;
	v58 =	vld [tilespmem:s24+$0xFFFFFE70]  }
0xf9: {  	v28 =	vsub.f32 v28, v1;
	v61 =	vbroadcast v6, $0x3;
	[tilespmem:s25+$0x1F0] =	vst v37;
	v62 =	vld [tilespmem:s24+$0x150];
	v38 =	vmul.f32 v57, v52  }
0xfa: {  	[tilespmem:s25+$0x60] =	vst v42;
	v9 =	vbroadcast v25, $0x3;
	v48 =	vld [tilespmem:s24+$0x200];
	v63 =	vmul.f32 v59, v54  }
0xfb: {  	v28 =	vmul.f32 $1.442695020e+00, v28;
	v42 =	vld [tilespmem:s24+$0x70];
	[tilespmem:s25+$0xFFFFFDE0] =	vst v38;
	v49 =	vmul.f32 v61, v55  }
0xfc: {  	v60 =	vbroadcast v27, $0x3;
	v51 =	vld [tilespmem:s24+$0xFFFFFDF0];
	v20 =	vmul.f32 v9, v20;
	[tilespmem:s25+$0xC0] =	vst v63  }
0xfd: {  	v3 =	vpop (erf);
	(erf) = vpow2.f32 v28;
	v28 =	vmul.f32 v41, v58;
	[tilespmem:s25+$0xFFFFFF10] =	vst v49;
	v37 =	vld [tilespmem:s24+$0xD0]  }
0xfe: {  	v50 =	vbroadcast v25, $0x4;
	[tilespmem:s25+$0xFFFFFFA0] =	vst v20;
	v20 =	vmul.f32 v60, v62;
	v38 =	vld [tilespmem:s24+$0xFFFFFF20]  }
0xff: {  	v53 =	vbroadcast v30, $0x3;
	v4 =	vmul.f32 v48, v4;
	[tilespmem:s25+$0xFFFFFE70] =	vst v28;
	v28 =	vld [tilespmem:s24+$0xFFFFFFB0]  }
0x100: {  	v45 =	vbroadcast v14, $0x4;
	v56 =	vbroadcast v31, $0x4;
	v55 =	vld [tilespmem:s24+$0xFFFFFE80];
	[tilespmem:s25+$0x150] =	vst v20  }
0x101: {  	s10 =	simm.s32 $0x6D00;
	v57 =	vbroadcast v6, $0x4;
	v54 =	vnsel vm0, $0x0, v3;
	[tilespmem:s25+$0x200] =	vst v4;
	v20 =	vmul.f32 v53, v51;
	v58 =	vld [tilespmem:s24+$0x160]  }
0x102: {  	v36 =	vbroadcast v25, $0x5;
	[tilespmem:s10+$0x230] =	vst v54;
	v61 =	vld [tilespmem:s24+$0x210];
	v37 =	vmul.f32 v37, v56  }
0x103: {  	v52 =	vbroadcast v14, $0x3;
	v59 =	vld [tilespmem:s8+$0x1B0];
	[tilespmem:s25+$0xFFFFFDF0] =	vst v20;
	v4 =	vmul.f32 v38, v57  }
0x104: {  	v60 =	vbroadcast v27, $0x4;
	v62 =	vld [tilespmem:s24+$0xFFFFFE00];
	v28 =	vmul.f32 v28, v50;
	[tilespmem:s25+$0xD0] =	vst v37  }
0x105: {  	v35 =	vmul.f32 v42, v35;
	v48 =	vmul.f32 v52, v55;
	[tilespmem:s25+$0xFFFFFF20] =	vst v4;
	v49 =	vld [tilespmem:s24+$0xE0]  }
0x106: {  	v8 =	vbroadcast v3, $0x1;
	[tilespmem:s25+$0xFFFFFFB0] =	vst v28;
	v39 =	vmul.f32 v58, v60;
	v50 =	vld [tilespmem:s24+$0xFFFFFF30]  }
0x107: {  	v9 =	vbroadcast v14, $0x7;
	v51 =	vbroadcast v30, $0x4;
	[tilespmem:s25+$0xFFFFFE80] =	vst v48;
	v52 =	vld [tilespmem:s24+$0xFFFFFFC0]  }
0x108: {  	v54 =	vbroadcast v31, $0x5;
	v63 =	vbroadcast v3, $0x0;
	v4 =	vpop (erf);
	v53 =	vld [tilespmem:s24+$0xFFFFFE90];
	[tilespmem:s25+$0x160] =	vst v39  }
0x109: {  	[tilespmem:s25+$0x70] =	vst v35;
	v56 =	vbroadcast v6, $0x5;
	v37 =	vmul.f32 v62, v51;
	v55 =	vnsel vm0, $0x0, v4;
	v57 =	vld [tilespmem:s24+$0x170]  }
0x10a: {  	v12 =	vld.msk [tilespmem:s30+$0xFFFFFFF9 ss:$0x0], $0xffff;
	v38 =	vmul.f32 v61, v33;
	[tilespmem:s10+$0x80] =	vst v55;
	v58 =	vmul.f32 v49, v54  }
0x10b: {  	v28 =	vmul.f32 v63, v59;
	[tilespmem:s25+$0xFFFFFE00] =	vst v37;
	v60 =	vld [tilespmem:s8+$0x0];
	v61 =	vmul.f32 v50, v56  }
0x10c: {  	v59 =	vbroadcast v27, $0x5;
	v62 =	vld [tilespmem:s24+$0xFFFFFE10];
	v14 =	vmul.f32 v52, v36;
	[tilespmem:s25+$0xE0] =	vst v58  }
0x10d: {  	v20 =	vbroadcast v30, $0x7;
	v48 =	vmul.f32 v53, v45;
	[tilespmem:s25+$0xFFFFFF30] =	vst v61;
	v49 =	vld [tilespmem:s24+$0xF0]  }
0x10e: {  	v63 =	vbroadcast v4, $0x0;
	[tilespmem:s25+$0xFFFFFFC0] =	vst v14;
	v35 =	vmul.f32 v57, v59;
	v50 =	vld [tilespmem:s24+$0xFFFFFF40]  }
0x10f: {  	v33 =	vbroadcast v27, $0x7;
	v51 =	vbroadcast v30, $0x5;
	[tilespmem:s25+$0xFFFFFE90] =	vst v48;
	v52 =	vld [tilespmem:s24+$0xFFFFFFD0]  }
0x110: {  	v54 =	vbroadcast v31, $0x6;
	v36 =	vmul.f32 v63, v60;
	v53 =	vld [tilespmem:s24+$0xFFFFFEA0];
	[tilespmem:s25+$0x170] =	vst v35  }
0x111: {  	[tilespmem:s25+$0x210] =	vst v38;
	v55 =	vbroadcast v6, $0x6;
	v17 =	vmul.f32 v62, v51;
	v56 =	vld [tilespmem:s24+$0x180]  }
0x112: {  	v39 =	vbroadcast v25, $0x6;
	v25 =	vadd.f32 v18, v21;
	v59 =	vld [tilespmem:s24+$0x220];
	[tilespmem:s10+$0x0] =	vst v36;
	v57 =	vmul.f32 v49, v54  }
0x113: {  	v21 =	vadd.f32 v10, v11;
	v11 =	vmul.f32 v15, v2;
	[tilespmem:s25+$0xFFFFFE10] =	vst v17;
	v60 =	vld [tilespmem:s8+$0x10];
	v17 =	vmul.f32 v50, v55  }
0x114: {  	v58 =	vbroadcast v27, $0x6;
	v62 =	vld [tilespmem:s24+$0xFFFFFE20];
	v18 =	vmul.f32 v52, v39;
	[tilespmem:s25+$0xF0] =	vst v57  }
0x115: {  	v30 =	vbroadcast v30, $0x6;
	v27 =	vld.msk [tilespmem:s30+$0xFFFFFFFA ss:$0x0], $0xffff;
	v10 =	vmul.f32 v53, v47;
	[tilespmem:s25+$0xFFFFFF40] =	vst v17  }
0x116: {  	v25 =	vadd.f32 v25, v11;
	v61 =	vbroadcast v4, $0x1;
	[tilespmem:s25+$0xFFFFFFD0] =	vst v18;
	v17 =	vmul.f32 v56, v58;
	v15 =	vld [tilespmem:s24+$0xFFFFFF50]  }
0x117: {  	v31 =	vadd.f32 v32, v34;
	v14 =	vbroadcast v4, $0x3;
	v63 =	vmul.f32 v59, v26;
	[tilespmem:s25+$0xFFFFFEA0] =	vst v10;
	v10 =	vld [tilespmem:s24+$0xFFFFFFE0]  }
0x118: {  	v26 =	vmul.f32 v19, v2;
	v19 =	vadd.f32 v29, v24;
	v23 =	vmul.f32 v61, v60;
	v11 =	vld [tilespmem:s24+$0xFFFFFEB0];
	[tilespmem:s25+$0x180] =	vst v17  }
0x119: {  	s18 =	simm.s32 $0x8;
	s17 =	simm.s32 $0x1300;
	[tilespmem:s25+$0x220] =	vst v63;
	v18 =	vadd.f32 v13, v44;
	v13 =	vbroadcast v4, $0x2;
	v24 =	vmul.f32 v62, v30;
	v17 =	vld [tilespmem:s24+$0x190]  }
.LBB2_5:
0x11a: {  	s18 =	sadd.s32 $0x8, s18;
	[tilespmem:s10+$0x10] =	vst v23;
	vm2 =	vgt.f32 v25, $0.0e+00;
	v23 =	vmul.f32 $2.000000030e-01, v25;
	v6 =	vbroadcast v6, $0x7;
	v29 =	vld [tilespmem:s24+$0x100]  }
0x11b: {  	v27 =	vmul.f32 v27, v2;
	p1 =	slt.u32 s18, $0x48;
	v26 =	vadd.f32 v31, v26;
	v30 =	vld [tilespmem:s8+$0x20];
	vm1 =	vgt.f32 v19, $0.0e+00;
	[tilespmem:s25+$0xFFFFFE20] =	vst v24  }
0x11c: {  	v12 =	vmul.f32 v12, v2;
	s21 =	sadd.s32 $0x80, s21;
	v23 =	vsel vm2, v25, v23;
	v24 =	vld [tilespmem:s24+$0xFFFFFE30];
	v22 =	vmul.f32 v10, v22  }
0x11d: {  	s8 =	sadd.s32 $0x480, s8;
	v10 =	vld [tilespmem:s21+$0xFFFFFFD0];
	vm2 =	vgt.f32 v26, $0.0e+00;
	v25 =	vmul.f32 $2.000000030e-01, v26;
	v7 =	vmul.f32 v11, v7  }
0x11e: {  	v31 =	vmul.f32 $2.000000030e-01, v19;
	v23 =	vsub.f32 v23, v1;
	v11 =	vld [tilespmem:s8+$0xFFFFFED0];
	[tilespmem:s25+$0xFFFFFFE0] =	vst v22;
	v17 =	vmul.f32 v17, v33  }
0x11f: {  	v12 =	vadd.f32 v18, v12;
	v6 =	vmul.f32 v15, v6;
	v32 =	vld [tilespmem:s21+$0xFFFFFFE0];
	v18 =	vsel vm2, v26, v25;
	[tilespmem:s25+$0xFFFFFEB0] =	vst v7  }
0x120: {  	v5 =	vmul.f32 v29, v5;
	v7 =	vsub.f32 v18, v1;
	v18 =	vmul.f32 $1.442695020e+00, v23;
	[tilespmem:s10+$0x1B0] =	vst v28;
	v25 =	vld [tilespmem:s24+$0xFFFFFEC0];
	s24 =	smov.u32 s17;
	s17 =	smov.u32 s8  }
0x121: {  	v19 =	vsel vm1, v19, v31;
	v15 =	vmul.f32 $2.000000030e-01, v12;
	v26 =	vld [tilespmem:s8+$0xFFFFFF60];
	v20 =	vmul.f32 v24, v20;
	[tilespmem:s25+$0x190] =	vst v17  }
0x122: {  	s30 =	sadd.s32 $0x8, s30;
	vm1 =	vgt.f32 v12, $0.0e+00;
	v17 =	vadd.f32 v21, v27;
	v7 =	vmul.f32 $1.442695020e+00, v7;
	v21 =	vld [tilespmem:s24+$0x1C0];
	[tilespmem:s25+$0x100] =	vst v5  }
0x123: {  	v22 =	vmul.f32 $2.000000030e-01, v16;
	v19 =	vsub.f32 v19, v1;
	v23 =	vmul.f32 v13, v30;
	v5 =	vld.msk [tilespmem:s30+$0xFFFFFFFB ss:$0x0], $0xffff;
	[tilespmem:s25+$0xFFFFFE30] =	vst v20  }
0x124: {  	v12 =	vsel vm1, v12, v15;
	vm1 =	vgt.f32 v16, $0.0e+00;
	v13 =	vld [tilespmem:s21+$0xFFFFFFC0];
	(erf) = vpow2.f32 v7;
	[tilespmem:s25+$0xFFFFFF50] =	vst v6  }
0x125: {  	v19 =	vmul.f32 $1.442695020e+00, v19;
	v6 =	vmul.f32 $2.000000030e-01, v17;
	v7 =	vsel vm1, v16, v22;
	v15 =	vld.msk [tilespmem:s30+$0xFFFFFFFF ss:$0x0], $0xffff;
	[tilespmem:s10+$0x20] =	vst v23  }
0x126: {  	v12 =	vsub.f32 v12, v1;
	vm1 =	vgt.f32 v17, $0.0e+00;
	v7 =	vsub.f32 v7, v1;
	v24 =	vld [tilespmem:s24+$0x30]  }
0x127: {  	v6 =	vsel vm1, v17, v6;
	v22 =	vld [tilespmem:s21+$0x20];
	v8 =	vmul.f32 v8, v21;
	(erf) = vpow2.f32 v18  }
0x128: {  	v12 =	vmul.f32 $1.442695020e+00, v12;
	v6 =	vsub.f32 v6, v1;
	v7 =	vmul.f32 $1.442695020e+00, v7;
	v23 =	vld [tilespmem:s8+$0x1A0]  }
0x129: {  	v16 =	vadd.f32 v32, v26;
	v20 =	vld [tilespmem:s8+$0x110];
	[tilespmem:s10+$0x1C0] =	vst v8;
	(erf) = vpow2.f32 v19;
	v8 =	vmul.f32 v25, v9  }
0x12a: {  	v6 =	vmul.f32 $1.442695020e+00, v6;
	v9 =	vld [tilespmem:s24+$0x1D0];
	(erf) = vpow2.f32 v7  }
0x12b: {  	v7 =	vld [tilespmem:s21+$0x30];
	v14 =	vmul.f32 v14, v24;
	(erf) = vpow2.f32 v12;
	[tilespmem:s25+$0xFFFFFEC0] =	vst v8;
	s25 =	smov.u32 s10  }
0x12c: {  	v18 =	vmul.f32 v5, v2;
	v5 =	vld [tilespmem:s8+$0x230];
	(erf) = vpow2.f32 v6  }
0x12d: {  	v6 =	vbroadcast v3, $0x2;
	v8 =	vld.msk [tilespmem:s30+$0x0 ss:$0x0], $0xffff;
	[tilespmem:s10+$0x30] =	vst v14;
	v21 =	vpop (erf)  }
0x12e: {  	v12 =	vnsel vm0, $0x0, v21;
	v14 =	vld [tilespmem:s24+$0x40]  }
0x12f: {  	v17 =	vld.msk [tilespmem:s30+$0xFFFFFFFC ss:$0x0], $0xffff;
	[tilespmem:s10+$0xFFFFFFF0] =	vst v12;
	v6 =	vmul.f32 v6, v9  }
0x130: {  	v12 =	vld [tilespmem:s24+$0xFFFFFF70];
	v24 =	vpop (erf)  }
0x131: {  	v19 =	vld.msk [tilespmem:s30+$0xFFFFFFFE ss:$0x0], $0xffff;
	v7 =	vadd.f32 v7, v5;
	v5 =	vbroadcast v4, $0x4;
	v9 =	vnsel vm0, $0x0, v24;
	[tilespmem:s10+$0x1D0] =	vst v6  }
0x132: {  	v28 =	vld [tilespmem:s21+$0x10];
	[tilespmem:s10+$0x1A0] =	vst v9;
	v27 =	vpop (erf)  }
0x133: {  	v25 =	vbroadcast v21, $0x0;
	v29 =	vmul.f32 v14, v5;
	v5 =	vnsel vm0, $0x0, v27;
	v30 =	vld [tilespmem:s24+$0x120];
	v6 =	vpop (erf)  }
0x134: {  	v8 =	vmul.f32 v8, v2;
	v9 =	vld [tilespmem:s21+$0xFFFFFFF0];
	v33 =	vnsel vm0, $0x0, v6;
	[tilespmem:s10+$0x110] =	vst v5;
	v5 =	vbroadcast v27, $0x7;
	v26 =	vpop (erf)  }
0x135: {  	v31 =	vnsel vm0, $0x0, v26;
	[tilespmem:s10+$0xFFFFFF60] =	vst v33;
	v12 =	vmul.f32 v25, v12;
	v32 =	vld [tilespmem:s24+$0x90];
	v25 =	vbroadcast v3, $0x7;
	v14 =	vpop (erf)  }
0x136: {  	v8 =	vadd.f32 v7, v8;
	v33 =	vnsel vm0, $0x0, v14;
	v34 =	vld [tilespmem:s24+$0xFFFFFEE0];
	[tilespmem:s10+$0x40] =	vst v29;
	v29 =	vbroadcast v24, $0x0  }
0x137: {  	v7 =	vbroadcast v14, $0x6;
	v35 =	vld [tilespmem:s8+$0x80];
	[tilespmem:s10+$0xFFFFFF70] =	vst v12;
	v12 =	vbroadcast v4, $0x5  }
0x138: {  	v36 =	vbroadcast v27, $0x0;
	[tilespmem:s10+$0xFFFFFED0] =	vst v33;
	v33 =	vld [tilespmem:s24+$0x50];
	v30 =	vmul.f32 v29, v30  }
0x139: {  	v37 =	vbroadcast v6, $0x0;
	v29 =	vbroadcast v3, $0x6;
	v38 =	vld [tilespmem:s24+$0xFFFFFF80]  }
0x13a: {  	v39 =	vmul.f32 $2.000000030e-01, v8;
	v32 =	vmul.f32 v36, v32;
	[tilespmem:s10+$0x120] =	vst v30;
	v30 =	vld [tilespmem:s24+$0x1E0]  }
0x13b: {  	vm1 =	vgt.f32 v8, $0.0e+00;
	[tilespmem:s10+$0xFFFFFE40] =	vst v31;
	v31 =	vmul.f32 v37, v34;
	v34 =	vbroadcast v21, $0x1;
	v36 =	vld [tilespmem:s24+$0x130]  }
0x13c: {  	v8 =	vsel vm1, v8, v39;
	v39 =	vbroadcast v14, $0x0;
	v37 =	vld [tilespmem:s24+$0xFFFFFDC0];
	[tilespmem:s10+$0x90] =	vst v32;
	v32 =	vbroadcast v3, $0x3  }
0x13d: {  	v8 =	vsub.f32 v8, v1;
	[tilespmem:s10+$0xFFFFFEE0] =	vst v31;
	v12 =	vmul.f32 v33, v12;
	v31 =	vld [tilespmem:s24+$0xA0];
	v33 =	vbroadcast v3, $0x4  }
0x13e: {  	v40 =	vld [tilespmem:s24+$0xFFFFFEF0];
	v34 =	vmul.f32 v34, v38;
	v38 =	vbroadcast v24, $0x1  }
0x13f: {  	v42 =	vbroadcast v26, $0x0;
	v41 =	vld [tilespmem:s21+$0x0];
	[tilespmem:s10+$0x50] =	vst v12;
	v12 =	vmul.f32 v32, v30  }
0x140: {  	v32 =	vbroadcast v27, $0x1;
	v30 =	vld [tilespmem:s24+$0xFFFFFE50];
	v36 =	vmul.f32 v38, v36  }
0x141: {  	v38 =	vbroadcast v6, $0x1;
	v37 =	vmul.f32 v42, v37;
	v42 =	vld [tilespmem:s24+$0x60];
	[tilespmem:s10+$0x1E0] =	vst v12  }
0x142: {  	v8 =	vmul.f32 $1.442695020e+00, v8;
	v12 =	vld.msk [tilespmem:s30+$0xFFFFFFFD ss:$0x0], $0xffff;
	v31 =	vmul.f32 v32, v31;
	[tilespmem:s10+$0x130] =	vst v36  }
0x143: {  	v36 =	vbroadcast v21, $0x2;
	[tilespmem:s10+$0xFFFFFDC0] =	vst v37;
	v32 =	vmul.f32 v38, v40;
	v37 =	vld [tilespmem:s24+$0x140]  }
0x144: {  	v38 =	vbroadcast v14, $0x1;
	(erf) = vpow2.f32 v8;
	v8 =	vld [tilespmem:s24+$0xFFFFFDD0];
	[tilespmem:s10+$0xA0] =	vst v31  }
0x145: {  	v30 =	vmul.f32 v39, v30;
	[tilespmem:s10+$0xFFFFFEF0] =	vst v32;
	v31 =	vld [tilespmem:s24+$0xB0];
	v32 =	vbroadcast v3, $0x5  }
0x146: {  	v3 =	vadd.f32 v41, v35;
	v39 =	vbroadcast v24, $0x2;
	v35 =	vld [tilespmem:s24+$0xFFFFFF00];
	[tilespmem:s10+$0xFFFFFF80] =	vst v34;
	v34 =	vbroadcast v4, $0x7  }
0x147: {  	v40 =	vbroadcast v26, $0x1;
	[tilespmem:s10+$0xFFFFFE50] =	vst v30;
	v30 =	vbroadcast v6, $0x2;
	v41 =	vld [tilespmem:s24+$0xFFFFFF90]  }
0x148: {  	v44 =	vbroadcast v27, $0x2;
	v4 =	vbroadcast v4, $0x6;
	v43 =	vld [tilespmem:s24+$0xFFFFFE60]  }
0x149: {  	v45 =	vmul.f32 v12, v2;
	v8 =	vmul.f32 v40, v8;
	v40 =	vld [tilespmem:s24+$0x1F0]  }
0x14a: {  	v4 =	vmul.f32 v42, v4;
	v12 =	vld.msk [tilespmem:s30+$0xFFFFFFF9 ss:$0x0], $0xffff;
	v31 =	vmul.f32 v44, v31  }
0x14b: {  	v44 =	vadd.f32 v3, v45;
	v42 =	vld [tilespmem:s8+$0xFFFFFFF0];
	[tilespmem:s10+$0xFFFFFDD0] =	vst v8;
	v8 =	vmul.f32 v30, v35;
	v30 =	vbroadcast v21, $0x3  }
0x14c: {  	v45 =	vbroadcast v14, $0x2;
	v35 =	vld [tilespmem:s24+$0xFFFFFDE0];
	v36 =	vmul.f32 v36, v41;
	[tilespmem:s10+$0xB0] =	vst v31  }
0x14d: {  	vm1 =	vgt.f32 v44, $0.0e+00;
	v31 =	vmul.f32 $2.000000030e-01, v44;
	v3 =	vpop (erf);
	v38 =	vmul.f32 v38, v43;
	[tilespmem:s10+$0xFFFFFF00] =	vst v8;
	v41 =	vld [tilespmem:s24+$0xC0]  }
0x14e: {  	s10 =	sadd.s32 $0x480, s10;
	v43 =	vnsel vm0, $0x0, v3;
	v8 =	vbroadcast v3, $0x1;
	v46 =	vld [tilespmem:s24+$0xFFFFFF10];
	[tilespmem:s25+$0xFFFFFF90] =	vst v36;
	v36 =	vmul.f32 v39, v37  }
0x14f: {  	v31 =	vsel vm1, v44, v31;
	v37 =	vbroadcast v26, $0x2;
	v33 =	vmul.f32 v40, v33;
	[tilespmem:s25+$0xFFFFFE60] =	vst v38;
	v38 =	vld [tilespmem:s24+$0xFFFFFFA0]  }
0x150: {  	v40 =	vbroadcast v27, $0x3;
	v31 =	vsub.f32 v31, v1;
	v39 =	vld [tilespmem:s24+$0xFFFFFE70];
	[tilespmem:s25+$0x140] =	vst v36;
	v36 =	vbroadcast v24, $0x3  }
0x151: {  	v35 =	vmul.f32 v37, v35;
	v37 =	vbroadcast v6, $0x3;
	v44 =	vld [tilespmem:s24+$0x150];
	[tilespmem:s25+$0x1F0] =	vst v33  }
0x152: {  	v33 =	vmul.f32 $1.442695020e+00, v31;
	[tilespmem:s25+$0x60] =	vst v4;
	v4 =	vmul.f32 v40, v41;
	v40 =	vld [tilespmem:s24+$0x200]  }
0x153: {  	[tilespmem:s25+$0xFFFFFDE0] =	vst v35;
	v35 =	vmul.f32 v37, v46;
	v37 =	vbroadcast v21, $0x4;
	v41 =	vld [tilespmem:s24+$0x70]  }
0x154: {  	v31 =	vadd.f32 v9, v42;
	v46 =	vbroadcast v14, $0x3;
	v42 =	vld [tilespmem:s24+$0xFFFFFDF0];
	v30 =	vmul.f32 v30, v38;
	[tilespmem:s25+$0xC0] =	vst v4  }
0x155: {  	(erf) = vpow2.f32 v33;
	v4 =	vmul.f32 v45, v39;
	[tilespmem:s25+$0xFFFFFF10] =	vst v35;
	v33 =	vld [tilespmem:s24+$0xD0]  }
0x156: {  	v9 =	vbroadcast v14, $0x7;
	v35 =	vld [tilespmem:s24+$0xFFFFFF20];
	[tilespmem:s25+$0xFFFFFFA0] =	vst v30;
	v30 =	vmul.f32 v36, v44  }
0x157: {  	v36 =	vbroadcast v26, $0x3;
	[tilespmem:s25+$0xFFFFFE70] =	vst v4;
	v4 =	vld [tilespmem:s24+$0xFFFFFFB0];
	v32 =	vmul.f32 v40, v32  }
0x158: {  	v39 =	vbroadcast v27, $0x4;
	v38 =	vld [tilespmem:s24+$0xFFFFFE80];
	v34 =	vmul.f32 v41, v34;
	[tilespmem:s25+$0x150] =	vst v30  }
0x159: {  	[tilespmem:s10+$0x230] =	vst v43;
	v30 =	vmul.f32 v36, v42;
	v36 =	vbroadcast v6, $0x4;
	v40 =	vld [tilespmem:s24+$0x160]  }
0x15a: {  	v41 =	vld [tilespmem:s8+$0x1B0];
	v33 =	vmul.f32 v33, v39;
	v39 =	vbroadcast v24, $0x4;
	[tilespmem:s25+$0x200] =	vst v32  }
0x15b: {  	v32 =	vbroadcast v21, $0x5;
	[tilespmem:s25+$0xFFFFFDF0] =	vst v30;
	v30 =	vmul.f32 v35, v36;
	v35 =	vld [tilespmem:s24+$0x210]  }
0x15c: {  	v43 =	vbroadcast v14, $0x4;
	v36 =	vadd.f32 v28, v20;
	v42 =	vld [tilespmem:s24+$0xFFFFFE00];
	v28 =	vmul.f32 v4, v37;
	[tilespmem:s25+$0xD0] =	vst v33  }
0x15d: {  	v33 =	vbroadcast v3, $0x0;
	v37 =	vmul.f32 v46, v38;
	[tilespmem:s25+$0xFFFFFF20] =	vst v30;
	v30 =	vld [tilespmem:s24+$0xE0]  }
0x15e: {  	v20 =	vbroadcast v26, $0x7;
	v4 =	vpop (erf);
	v38 =	vld [tilespmem:s24+$0xFFFFFF30];
	[tilespmem:s25+$0xFFFFFFB0] =	vst v28;
	v39 =	vmul.f32 v40, v39  }
0x15f: {  	v40 =	vnsel vm0, $0x0, v4;
	v28 =	vmul.f32 v33, v41;
	v33 =	vbroadcast v26, $0x4;
	[tilespmem:s25+$0xFFFFFE80] =	vst v37;
	v37 =	vld [tilespmem:s24+$0xFFFFFFC0]  }
0x160: {  	v44 =	vbroadcast v27, $0x5;
	v41 =	vld [tilespmem:s24+$0xFFFFFE90];
	[tilespmem:s25+$0x160] =	vst v39;
	v29 =	vmul.f32 v35, v29  }
0x161: {  	v35 =	vbroadcast v6, $0x5;
	v33 =	vmul.f32 v42, v33;
	[tilespmem:s25+$0x70] =	vst v34;
	v34 =	vld [tilespmem:s24+$0x170]  }
0x162: {  	v39 =	vld [tilespmem:s8+$0xFFFFFE40];
	[tilespmem:s10+$0x80] =	vst v40;
	v30 =	vmul.f32 v30, v44;
	v40 =	vbroadcast v24, $0x5  }
0x163: {  	v42 =	vld [tilespmem:s8+$0x0];
	[tilespmem:s25+$0xFFFFFE00] =	vst v33;
	v33 =	vmul.f32 v38, v35;
	v35 =	vbroadcast v21, $0x6  }
0x164: {  	v38 =	vadd.f32 v22, v23;
	v23 =	vbroadcast v14, $0x5;
	v22 =	vld [tilespmem:s24+$0xFFFFFE10];
	v14 =	vmul.f32 v37, v32;
	[tilespmem:s25+$0xE0] =	vst v30  }
0x165: {  	v30 =	vbroadcast v4, $0x0;
	v32 =	vmul.f32 v41, v43;
	[tilespmem:s25+$0xFFFFFF30] =	vst v33;
	v37 =	vld [tilespmem:s24+$0xF0]  }
0x166: {  	v33 =	vbroadcast v24, $0x7;
	v41 =	vld [tilespmem:s24+$0xFFFFFF40];
	[tilespmem:s25+$0xFFFFFFC0] =	vst v14;
	v34 =	vmul.f32 v34, v40  }
0x167: {  	v14 =	vbroadcast v4, $0x3;
	v40 =	vbroadcast v26, $0x5;
	[tilespmem:s25+$0xFFFFFE90] =	vst v32;
	v32 =	vld [tilespmem:s24+$0xFFFFFFD0]  }
0x168: {  	v27 =	vbroadcast v27, $0x6;
	v30 =	vmul.f32 v30, v42;
	v42 =	vld [tilespmem:s24+$0xFFFFFEA0];
	[tilespmem:s25+$0x170] =	vst v34  }
0x169: {  	v34 =	vbroadcast v6, $0x6;
	v22 =	vmul.f32 v22, v40;
	v40 =	vld [tilespmem:s24+$0x180];
	[tilespmem:s25+$0x210] =	vst v29  }
0x16a: {  	v24 =	vbroadcast v24, $0x6;
	[tilespmem:s10+$0x0] =	vst v30;
	v27 =	vmul.f32 v37, v27;
	v29 =	vld [tilespmem:s24+$0x220]  }
0x16b: {  	v30 =	vld [tilespmem:s8+$0x10];
	[tilespmem:s25+$0xFFFFFE10] =	vst v22;
	v34 =	vmul.f32 v41, v34;
	v22 =	vbroadcast v21, $0x7  }
0x16c: {  	v37 =	vbroadcast v4, $0x1;
	v41 =	vld [tilespmem:s24+$0xFFFFFE20];
	v32 =	vmul.f32 v32, v35;
	[tilespmem:s25+$0xF0] =	vst v27  }
.Ltmp1:
0x16d: {  	v21 =	vadd.f32 v10, v11;
	v35 =	vbroadcast v26, $0x6;
	v27 =	vld.msk [tilespmem:s30+$0xFFFFFFFA ss:$0x0], $0xffff;
	v10 =	vmul.f32 v42, v23;
	[tilespmem:s25+$0xFFFFFF40] =	vst v34;
	(pc) =	sbr.rel @p1 .LBB2_5-.Ltmp1, $4  }
0x16e: {  	v16 =	vadd.f32 v16, v18;
	v11 =	vmul.f32 v15, v2;
	v15 =	vld [tilespmem:s24+$0xFFFFFF50];
	[tilespmem:s25+$0xFFFFFFD0] =	vst v32;
	v24 =	vmul.f32 v40, v24  }
0x16f: {  	v19 =	vmul.f32 v19, v2;
	v18 =	vadd.f32 v13, v39;
	[tilespmem:s25+$0xFFFFFEA0] =	vst v10;
	v10 =	vld [tilespmem:s24+$0xFFFFFFE0];
	v29 =	vmul.f32 v29, v25  }
0x170: {  	v13 =	vbroadcast v4, $0x2;
	v25 =	vadd.f32 v38, v11;
	v23 =	vmul.f32 v37, v30;
	v11 =	vld [tilespmem:s24+$0xFFFFFEB0];
	[tilespmem:s25+$0x180] =	vst v24  }
0x171: {  	v19 =	vadd.f32 v36, v19;
	v26 =	vmul.f32 v17, v2;
	v24 =	vmul.f32 v41, v35;
	v17 =	vld [tilespmem:s24+$0x190];
	[tilespmem:s25+$0x220] =	vst v29  }
0x172: {  	v29 =	vmul.f32 $2.000000030e-01, v25  }
0x173: {  	vm1 =	vgt.f32 v25, $0.0e+00;
	v12 =	vmul.f32 v12, v2;
	v26 =	vadd.f32 v31, v26  }
0x174: {  	v27 =	vmul.f32 v27, v2;
	v25 =	vsel vm1, v25, v29  }
0x175: {  	v12 =	vadd.f32 v18, v12;
	v18 =	vmul.f32 $2.000000030e-01, v19;
	v29 =	vmul.f32 $2.000000030e-01, v26  }
0x176: {  	vm2 =	vgt.f32 v19, $0.0e+00;
	v21 =	vadd.f32 v21, v27;
	vm1 =	vgt.f32 v26, $0.0e+00  }
0x177: {  	v25 =	vsub.f32 v25, v1;
	v18 =	vsel vm2, v19, v18;
	v26 =	vsel vm1, v26, v29  }
0x178: {  	v19 =	vmul.f32 $2.000000030e-01, v16;
	vm2 =	vgt.f32 v16, $0.0e+00;
	v26 =	vsub.f32 v26, v1  }
0x179: {  	v25 =	vmul.f32 $1.442695020e+00, v25;
	v29 =	vmul.f32 $2.000000030e-01, v12;
	vm1 =	vgt.f32 v12, $0.0e+00  }
0x17a: {  	v18 =	vsub.f32 v18, v1;
	v16 =	vsel vm2, v16, v19;
	v26 =	vmul.f32 $1.442695020e+00, v26  }
0x17b: {  	v19 =	vmul.f32 $2.000000030e-01, v21;
	v12 =	vsel vm1, v12, v29;
	v16 =	vsub.f32 v16, v1  }
0x17c: {  	v18 =	vmul.f32 $1.442695020e+00, v18;
	vm1 =	vgt.f32 v21, $0.0e+00;
	(erf) = vpow2.f32 v26  }
0x17d: {  	v12 =	vsub.f32 v12, v1;
	v16 =	vmul.f32 $1.442695020e+00, v16;
	(erf) = vpow2.f32 v25  }
0x17e: {  	v19 =	vsel vm1, v21, v19;
	(erf) = vpow2.f32 v18  }
0x17f: {  	v19 =	vsub.f32 v19, v1;
	v12 =	vmul.f32 $1.442695020e+00, v12;
	(erf) = vpow2.f32 v16;
	v16 =	vld [tilespmem:s24+$0x100];
	_ =	sdelay $0x1  }
0x180: {  	v18 =	vmul.f32 $1.442695020e+00, v19;
	(erf) = vpow2.f32 v12  }
0x181: {  	[tilespmem:s10+$0x10] =	vst v23;
	v10 =	vmul.f32 v10, v22;
	v7 =	vmul.f32 v11, v7  }
0x182: {  	[tilespmem:s10+$0x1B0] =	vst v28;
	(erf) = vpow2.f32 v18  }
0x183: {  	[tilespmem:s25+$0xFFFFFFE0] =	vst v10;
	v10 =	vmul.f32 v17, v33;
	v5 =	vmul.f32 v16, v5  }
0x184: {  	[tilespmem:s25+$0xFFFFFEB0] =	vst v7;
	v11 =	vpop (erf)  }
0x185: {  	v7 =	vpop (erf);
	[tilespmem:s25+$0x100] =	vst v5;
	v5 =	vnsel vm0, $0x0, v11  }
0x186: {  	[tilespmem:s25+$0xFFFFFE20] =	vst v24;
	v12 =	vnsel vm0, $0x0, v7  }
0x187: {  	[tilespmem:s25+$0x190] =	vst v10;
	v16 =	vld [tilespmem:s24+$0xFFFFFE30];
	v10 =	vpop (erf)  }
0x188: {  	[tilespmem:s10+$0xFFFFFFF0] =	vst v5;
	v5 =	vpop (erf)  }
0x189: {  	v17 =	vld [tilespmem:s17+$0xFFFFFF70];
	[tilespmem:s10+$0x1A0] =	vst v12;
	v18 =	vnsel vm0, $0x0, v10;
	v12 =	vpop (erf)  }
0x18a: {  	v19 =	vld [tilespmem:s17+$0x120];
	[tilespmem:s10+$0x110] =	vst v18;
	v18 =	vnsel vm0, $0x0, v12  }
0x18b: {  	v21 =	vbroadcast v6, $0x7;
	v22 =	vnsel vm0, $0x0, v5;
	v23 =	vld [tilespmem:s17+$0x90];
	v6 =	vpop (erf);
	[tilespmem:s10+$0xFFFFFE40] =	vst v18  }
0x18c: {  	v16 =	vmul.f32 v16, v20;
	[tilespmem:s10+$0xFFFFFF60] =	vst v22;
	v18 =	vbroadcast v11, $0x0;
	v20 =	vnsel vm0, $0x0, v6;
	v22 =	vld [tilespmem:s17+$0xFFFFFDC0]  }
0x18d: {  	v15 =	vmul.f32 v15, v21;
	v24 =	vbroadcast v7, $0x0;
	v21 =	vld [tilespmem:s17+$0xFFFFFEE0];
	[tilespmem:s10+$0xFFFFFED0] =	vst v20  }
0x18e: {  	[tilespmem:s25+$0xFFFFFE30] =	vst v16;
	v16 =	vmul.f32 v18, v17;
	v17 =	vbroadcast v10, $0x0;
	v18 =	vld [tilespmem:s17+$0xFFFFFE50]  }
0x18f: {  	[tilespmem:s25+$0xFFFFFF50] =	vst v15;
	v20 =	vld [tilespmem:s8+$0x20];
	v15 =	vmul.f32 v24, v19;
	v19 =	vbroadcast v12, $0x0  }
0x190: {  	v24 =	vld [tilespmem:s17+$0x1C0];
	[tilespmem:s10+$0xFFFFFF70] =	vst v16;
	v16 =	vbroadcast v5, $0x0;
	v17 =	vmul.f32 v17, v23  }
0x191: {  	[tilespmem:s10+$0x120] =	vst v15;
	v15 =	vbroadcast v6, $0x0;
	v23 =	vld [tilespmem:s17+$0xFFFFFF80];
	v19 =	vmul.f32 v19, v22  }
0x192: {  	v16 =	vmul.f32 v16, v21;
	v21 =	vld [tilespmem:s17+$0x130];
	[tilespmem:s10+$0x90] =	vst v17  }
0x193: {  	v17 =	vld [tilespmem:s17+$0xA0];
	v15 =	vmul.f32 v15, v18;
	[tilespmem:s10+$0xFFFFFDC0] =	vst v19  }
0x194: {  	v13 =	vmul.f32 v13, v20;
	v18 =	vbroadcast v11, $0x1;
	[tilespmem:s10+$0xFFFFFEE0] =	vst v16;
	v16 =	vld [tilespmem:s17+$0xFFFFFDD0]  }
0x195: {  	v20 =	vbroadcast v7, $0x1;
	v8 =	vmul.f32 v8, v24;
	v19 =	vld [tilespmem:s17+$0xFFFFFEF0];
	[tilespmem:s10+$0xFFFFFE50] =	vst v15  }
0x196: {  	[tilespmem:s10+$0x20] =	vst v13;
	v15 =	vbroadcast v10, $0x1;
	v13 =	vmul.f32 v18, v23;
	v18 =	vld [tilespmem:s17+$0xFFFFFE60]  }
0x197: {  	v22 =	vld [tilespmem:s24+$0xFFFFFEC0];
	[tilespmem:s10+$0x1C0] =	vst v8;
	v8 =	vmul.f32 v20, v21;
	v20 =	vbroadcast v12, $0x1  }
0x198: {  	v23 =	vbroadcast v5, $0x1;
	v21 =	vld [tilespmem:s17+$0x1D0];
	v15 =	vmul.f32 v15, v17;
	[tilespmem:s10+$0xFFFFFF80] =	vst v13  }
0x199: {  	[tilespmem:s10+$0x130] =	vst v8;
	v8 =	vbroadcast v6, $0x1;
	v13 =	vld [tilespmem:s17+$0xFFFFFF90];
	v16 =	vmul.f32 v20, v16  }
0x19a: {  	v17 =	vmul.f32 v23, v19;
	v19 =	vld [tilespmem:s17+$0x140];
	[tilespmem:s10+$0xA0] =	vst v15  }
0x19b: {  	v15 =	vbroadcast v3, $0x2;
	v20 =	vld [tilespmem:s17+$0xB0];
	v8 =	vmul.f32 v8, v18;
	[tilespmem:s10+$0xFFFFFDD0] =	vst v16  }
0x19c: {  	v9 =	vmul.f32 v22, v9;
	v16 =	vbroadcast v11, $0x2;
	[tilespmem:s10+$0xFFFFFEF0] =	vst v17;
	v17 =	vld [tilespmem:s17+$0xFFFFFDE0]  }
0x19d: {  	v15 =	vmul.f32 v15, v21;
	v21 =	vbroadcast v7, $0x2;
	v18 =	vld [tilespmem:s17+$0xFFFFFF00];
	[tilespmem:s10+$0xFFFFFE60] =	vst v8  }
0x19e: {  	[tilespmem:s25+$0xFFFFFEC0] =	vst v9;
	v8 =	vbroadcast v10, $0x2;
	v9 =	vmul.f32 v16, v13;
	v13 =	vld [tilespmem:s17+$0xFFFFFE70]  }
0x19f: {  	v16 =	vld [tilespmem:s17+$0x30];
	[tilespmem:s10+$0x1D0] =	vst v15;
	v15 =	vmul.f32 v21, v19;
	v19 =	vbroadcast v12, $0x2  }
0x1a0: {  	v22 =	vbroadcast v5, $0x2;
	v21 =	vld [tilespmem:s17+$0x1E0];
	v8 =	vmul.f32 v8, v20;
	[tilespmem:s10+$0xFFFFFF90] =	vst v9  }
0x1a1: {  	v9 =	vbroadcast v6, $0x2;
	v20 =	vld [tilespmem:s17+$0xFFFFFFA0];
	[tilespmem:s10+$0x140] =	vst v15;
	v15 =	vmul.f32 v19, v17  }
0x1a2: {  	v17 =	vmul.f32 v22, v18;
	[tilespmem:s10+$0xB0] =	vst v8;
	v8 =	vld [tilespmem:s17+$0x150]  }
0x1a3: {  	v18 =	vbroadcast v3, $0x3;
	v19 =	vld [tilespmem:s17+$0xC0];
	v9 =	vmul.f32 v9, v13;
	[tilespmem:s10+$0xFFFFFDE0] =	vst v15  }
0x1a4: {  	v13 =	vmul.f32 v14, v16;
	v14 =	vbroadcast v11, $0x3;
	[tilespmem:s10+$0xFFFFFF00] =	vst v17;
	v15 =	vld [tilespmem:s17+$0xFFFFFDF0]  }
0x1a5: {  	v16 =	vmul.f32 v18, v21;
	v18 =	vbroadcast v7, $0x3;
	v17 =	vld [tilespmem:s17+$0xFFFFFF10];
	[tilespmem:s10+$0xFFFFFE70] =	vst v9  }
0x1a6: {  	[tilespmem:s10+$0x30] =	vst v13;
	v9 =	vbroadcast v10, $0x3;
	v13 =	vmul.f32 v14, v20;
	v14 =	vld [tilespmem:s17+$0xFFFFFE80]  }
0x1a7: {  	v20 =	vld [tilespmem:s17+$0x40];
	[tilespmem:s10+$0x1E0] =	vst v16;
	v16 =	vbroadcast v12, $0x3;
	v8 =	vmul.f32 v18, v8  }
0x1a8: {  	v21 =	vbroadcast v5, $0x3;
	v18 =	vld [tilespmem:s17+$0x1F0];
	v9 =	vmul.f32 v9, v19;
	[tilespmem:s10+$0xFFFFFFA0] =	vst v13  }
0x1a9: {  	v13 =	vbroadcast v6, $0x3;
	v19 =	vld [tilespmem:s17+$0xFFFFFFB0];
	[tilespmem:s10+$0x150] =	vst v8;
	v8 =	vmul.f32 v16, v15  }
0x1aa: {  	v15 =	vbroadcast v4, $0x4;
	v16 =	vmul.f32 v21, v17;
	[tilespmem:s10+$0xC0] =	vst v9;
	v9 =	vld [tilespmem:s17+$0x160]  }
0x1ab: {  	v17 =	vbroadcast v3, $0x4;
	v21 =	vld [tilespmem:s17+$0xD0];
	[tilespmem:s10+$0xFFFFFDF0] =	vst v8;
	v8 =	vmul.f32 v13, v14  }
0x1ac: {  	v13 =	vmul.f32 v20, v15;
	v14 =	vbroadcast v11, $0x4;
	[tilespmem:s10+$0xFFFFFF10] =	vst v16;
	v15 =	vld [tilespmem:s17+$0xFFFFFE00]  }
0x1ad: {  	v16 =	vmul.f32 v18, v17;
	v18 =	vbroadcast v7, $0x4;
	v17 =	vld [tilespmem:s17+$0xFFFFFF20];
	[tilespmem:s10+$0xFFFFFE80] =	vst v8  }
0x1ae: {  	[tilespmem:s10+$0x40] =	vst v13;
	v8 =	vbroadcast v10, $0x4;
	v13 =	vmul.f32 v19, v14;
	v14 =	vld [tilespmem:s17+$0xFFFFFE90]  }
0x1af: {  	[tilespmem:s10+$0x1F0] =	vst v16;
	v16 =	vbroadcast v12, $0x4;
	v19 =	vld [tilespmem:s17+$0x50];
	v9 =	vmul.f32 v9, v18  }
0x1b0: {  	v20 =	vbroadcast v5, $0x4;
	v18 =	vld [tilespmem:s17+$0x200];
	v8 =	vmul.f32 v21, v8;
	[tilespmem:s10+$0xFFFFFFB0] =	vst v13  }
0x1b1: {  	v13 =	vbroadcast v6, $0x4;
	v21 =	vld [tilespmem:s17+$0xFFFFFFC0];
	[tilespmem:s10+$0x160] =	vst v9;
	v9 =	vmul.f32 v15, v16  }
0x1b2: {  	v15 =	vbroadcast v4, $0x5;
	v16 =	vmul.f32 v17, v20;
	[tilespmem:s10+$0xD0] =	vst v8;
	v8 =	vld [tilespmem:s17+$0x170]  }
0x1b3: {  	v17 =	vbroadcast v3, $0x5;
	v20 =	vld [tilespmem:s17+$0xE0];
	[tilespmem:s10+$0xFFFFFE00] =	vst v9;
	v9 =	vmul.f32 v14, v13  }
0x1b4: {  	v13 =	vmul.f32 v19, v15;
	v14 =	vbroadcast v11, $0x5;
	[tilespmem:s10+$0xFFFFFF20] =	vst v16;
	v15 =	vld [tilespmem:s17+$0xFFFFFE10]  }
0x1b5: {  	v16 =	vmul.f32 v18, v17;
	v18 =	vbroadcast v7, $0x5;
	v17 =	vld [tilespmem:s17+$0xFFFFFF30];
	[tilespmem:s10+$0xFFFFFE90] =	vst v9  }
0x1b6: {  	[tilespmem:s10+$0x50] =	vst v13;
	v9 =	vbroadcast v10, $0x5;
	v13 =	vmul.f32 v21, v14;
	v14 =	vld [tilespmem:s17+$0xFFFFFEA0]  }
0x1b7: {  	[tilespmem:s10+$0x200] =	vst v16;
	v16 =	vbroadcast v12, $0x5;
	v19 =	vld [tilespmem:s17+$0x60];
	v8 =	vmul.f32 v8, v18  }
0x1b8: {  	v21 =	vbroadcast v5, $0x5;
	v18 =	vld [tilespmem:s17+$0x210];
	v9 =	vmul.f32 v20, v9;
	[tilespmem:s10+$0xFFFFFFC0] =	vst v13  }
0x1b9: {  	v13 =	vbroadcast v6, $0x5;
	v20 =	vld [tilespmem:s17+$0xFFFFFFD0];
	[tilespmem:s10+$0x170] =	vst v8;
	v8 =	vmul.f32 v15, v16  }
0x1ba: {  	v15 =	vbroadcast v4, $0x6;
	v16 =	vmul.f32 v17, v21;
	[tilespmem:s10+$0xE0] =	vst v9;
	v9 =	vld [tilespmem:s17+$0x180]  }
0x1bb: {  	v17 =	vbroadcast v3, $0x6;
	v21 =	vld [tilespmem:s17+$0xF0];
	[tilespmem:s10+$0xFFFFFE10] =	vst v8;
	v8 =	vmul.f32 v14, v13  }
0x1bc: {  	v13 =	vmul.f32 v19, v15;
	v14 =	vbroadcast v11, $0x6;
	[tilespmem:s10+$0xFFFFFF30] =	vst v16;
	v15 =	vld [tilespmem:s17+$0xFFFFFE20]  }
0x1bd: {  	v16 =	vmul.f32 v18, v17;
	v18 =	vbroadcast v7, $0x6;
	v17 =	vld [tilespmem:s17+$0xFFFFFF40];
	[tilespmem:s10+$0xFFFFFEA0] =	vst v8  }
0x1be: {  	[tilespmem:s10+$0x60] =	vst v13;
	v8 =	vbroadcast v10, $0x6;
	v13 =	vmul.f32 v20, v14;
	v14 =	vld [tilespmem:s17+$0xFFFFFEB0]  }
0x1bf: {  	[tilespmem:s10+$0x210] =	vst v16;
	v16 =	vbroadcast v12, $0x6;
	v19 =	vld [tilespmem:s17+$0x70];
	v9 =	vmul.f32 v9, v18  }
0x1c0: {  	v18 =	vbroadcast v5, $0x6;
	v20 =	vld [tilespmem:s17+$0x220];
	v8 =	vmul.f32 v21, v8;
	[tilespmem:s10+$0xFFFFFFD0] =	vst v13  }
0x1c1: {  	v13 =	vbroadcast v6, $0x6;
	v21 =	vld [tilespmem:s17+$0xFFFFFFE0];
	[tilespmem:s10+$0x180] =	vst v9;
	v9 =	vmul.f32 v15, v16  }
0x1c2: {  	v4 =	vbroadcast v4, $0x7;
	v15 =	vmul.f32 v17, v18;
	[tilespmem:s10+$0xF0] =	vst v8;
	v8 =	vld [tilespmem:s17+$0x190]  }
0x1c3: {  	v3 =	vbroadcast v3, $0x7;
	v16 =	vld [tilespmem:s17+$0x100];
	[tilespmem:s10+$0xFFFFFE20] =	vst v9;
	v9 =	vmul.f32 v14, v13  }
0x1c4: {  	v11 =	vbroadcast v11, $0x7;
	v4 =	vmul.f32 v19, v4;
	[tilespmem:s10+$0xFFFFFF40] =	vst v15;
	v13 =	vld [tilespmem:s17+$0xFFFFFE30]  }
0x1c5: {  	v7 =	vbroadcast v7, $0x7;
	v3 =	vmul.f32 v20, v3;
	v14 =	vld [tilespmem:s17+$0xFFFFFF50];
	[tilespmem:s10+$0xFFFFFEB0] =	vst v9  }
0x1c6: {  	v9 =	vbroadcast v10, $0x7;
	[tilespmem:s10+$0x70] =	vst v4;
	v4 =	vmul.f32 v21, v11;
	v10 =	vld [tilespmem:s17+$0xFFFFFEC0]  }
0x1c7: {  	v11 =	vbroadcast v12, $0x7;
	[tilespmem:s10+$0x220] =	vst v3;
	v3 =	vmul.f32 v8, v7  }
0x1c8: {  	v5 =	vbroadcast v5, $0x7;
	[tilespmem:s10+$0xFFFFFFE0] =	vst v4;
	v4 =	vmul.f32 v16, v9  }
0x1c9: {  	v6 =	vbroadcast v6, $0x7;
	[tilespmem:s10+$0x190] =	vst v3;
	v7 =	vmul.f32 v13, v11  }
0x1ca: {  	v3 =	vmul.f32 v14, v5;
	[tilespmem:s10+$0x100] =	vst v4  }
0x1cb: {  	[tilespmem:s10+$0xFFFFFE30] =	vst v7;
	v4 =	vmul.f32 v10, v6  }
0x1cc: {  	[tilespmem:s10+$0xFFFFFF50] =	vst v3  }
0x1cd: {  	s24 =	smul.u32 $0xA0, s22;
	[tilespmem:s10+$0xFFFFFEC0] =	vst v4  }
0x1ce: {  	[spmem:s4] =	stream.indirect.scatter.add.f32 [tilespmem:s19], [sflag:$0x5], $0x90, s23, s7, $0xb8;
	[tilespmem:$0x1F760] =	vst v63  }
0x1cf: {  	s10 =	sadd.s32 s24, s11;
	_ =	swait.ge [sflag:s0], $0x2D00  }
0x1d0: {  	s8 =	sshrl.u32 s10, $0x3;
	[sflag:s0] =	ssyncset.done $0x0  }
0x1d1: {  	s8 =	sadd.s32 s1, s8;
	[sflag:s0] =	ssyncadd.s32 $0xFFFFD300  }
0x1d2: {  	[tilespmem:s5], [sflag:$0x1] =	stream.linear.gather [hbm4b:s8+s5], $0x50, $0x38;
	[tilespmem:$0x1F760] =	vst v63  }
0x1d3: {  	s17 =	sadd.s32 $0x9C40, s8  }
0x1d4: {  	[tilespmem:s23], [sflag:$0x1] =	stream.linear.gather [hbm4b:s17+s5], $0x50, $0x38;
	[tilespmem:$0x1F760] =	vst v63  }
0x1d5: {  	s18 =	simm.s32 $0xC0;
	s8 =	sadd.s32 $0x13880, s8  }
0x1d6: {  	[tilespmem:s18], [sflag:$0x1] =	stream.linear.gather [hbm4b:s8+s5], $0x50, $0x38;
	[tilespmem:$0x1F760] =	vst v63  }
0x1d7: {  	_ =	swait.ge [sflag:s20], $0x2D00  }
0x1d8: {  	[sflag:s20] =	ssyncset.done $0x0  }
0x1d9: {  	[sflag:s20] =	ssyncadd.s32 $0xFFFFD300  }
0x1da: {  	_ =	swait.ge [sflag:s20], $0x500  }
0x1db: {  	[sflag:s20] =	ssyncset.done $0x0  }
0x1dc: {  	[sflag:s20] =	ssyncadd.s32 $0xFFFFFB00  }
0x1dd: {  	_ =	swait.ge [sflag:s3], $0xF0  }
0x1de: {  	[sflag:s3] =	ssyncset.done $0x0  }
0x1df: {  	[sflag:s3] =	ssyncadd.s32 $0xFFFFFF10  }
0x1e0: {  	[tilespmem:s9], [sflag:$0x3] =	stream.indirect.gather [hbm4b:s6+s7], $0x90, s5, s7, $0xb8;
	[tilespmem:$0x1F760] =	vst v63  }
0x1e1: {  	s21 =	simm.s32 $0x780  }
0x1e2: {  	[tilespmem:s13], [sflag:$0x3] =	stream.indirect.gather [hbm4b:s2+s7], $0x10, s23, s7, $0xb8;
	[tilespmem:$0x1F760] =	vst v63  }
0x1e3: {  	s25 =	simm.s32 $0x3B80;
	v3 =	vld [tilespmem:s21+$0x30]  }
0x1e4: {  	s26 =	simm.s32 $0x1E7;
	v4 =	vld [tilespmem:s25+$0x230]  }
0x1e5: {  	v5 =	vld.msk [tilespmem:s26+$0x0 ss:$0x0], $0xffff  }
0x1e6: {  	v6 =	vld [tilespmem:s25+$0x80]  }
0x1e7: {  	v7 =	vld [tilespmem:s21+$0x0]  }
0x1e8: {  	v8 =	vld.msk [tilespmem:s26+$0xFFFFFFFD ss:$0x0], $0xffff;
	_ =	sdelay $0x3  }
0x1e9: {  	v3 =	vadd.f32 v3, v4;
	v4 =	vmul.f32 v5, v2  }
0x1ea: {  	v5 =	vadd.f32 v7, v6;
	v6 =	vmul.f32 v8, v2  }
0x1eb: {  	v3 =	vadd.f32 v3, v4  }
0x1ec: {  	v4 =	vadd.f32 v5, v6  }
0x1ed: {  	v5 =	vmul.f32 $2.000000030e-01, v3  }
0x1ee: {  	vm1 =	vgt.f32 v3, $0.0e+00;
	v6 =	vmul.f32 $2.000000030e-01, v4  }
0x1ef: {  	v3 =	vsel vm1, v3, v5;
	vm1 =	vgt.f32 v4, $0.0e+00  }
0x1f0: {  	v3 =	vsub.f32 v3, v1;
	v4 =	vsel vm1, v4, v6  }
0x1f1: {  	v4 =	vsub.f32 v4, v1  }
0x1f2: {  	v3 =	vmul.f32 $1.442695020e+00, v3  }
0x1f3: {  	v4 =	vmul.f32 $1.442695020e+00, v4  }
0x1f4: {  	(erf) = vpow2.f32 v3  }
0x1f5: {  	(erf) = vpow2.f32 v4;
	_ =	sdelay $0x2  }
0x1f6: {  	v9 =	vld.msk [tilespmem:s26+$0xFFFFFFFB ss:$0x0], $0xffff  }
0x1f7: {  	v10 =	vld [tilespmem:s21+$0xFFFFFFC0]  }
0x1f8: {  	v11 =	vld.msk [tilespmem:s26+$0xFFFFFFFF ss:$0x0], $0xffff  }
0x1f9: {  	v13 =	vld [tilespmem:s21+$0x20]  }
0x1fa: {  	v14 =	vld [tilespmem:s25+$0x1A0]  }
0x1fb: {  	v15 =	vld [tilespmem:s25+$0x110];
	v4 =	vpop (erf)  }
0x1fc: {  	v16 =	vld.msk [tilespmem:s26+$0xFFFFFFFC ss:$0x0], $0xffff;
	v3 =	vpop (erf)  }
0x1fd: {  	s8 =	simm.s32 $0x6880;
	v18 =	vld [tilespmem:s21+$0x10];
	v12 =	vnsel vm0, $0x0, v3  }
0x1fe: {  	v19 =	vld [tilespmem:s21+$0xFFFFFFF0];
	[tilespmem:s8+$0x80] =	vst v12  }
0x1ff: {  	v12 =	vld [tilespmem:s25+$0x0]  }
0x200: {  	v21 =	vld.msk [tilespmem:s26+$0xFFFFFFFE ss:$0x0], $0xffff  }
0x201: {  	v23 =	vld [tilespmem:s25+$0xFFFFFE40]  }
0x202: {  	v7 =	vld [tilespmem:s21+$0xFFFFFFE0];
	v17 =	vbroadcast v3, $0x0  }
0x203: {  	v8 =	vld [tilespmem:s25+$0xFFFFFF60]  }
0x204: {  	v12 =	vmul.f32 v17, v12;
	v17 =	vld [tilespmem:s25+$0xFFFFFFF0]  }
0x205: {  	v5 =	vld [tilespmem:s21+$0xFFFFFFD0]  }
0x206: {  	v6 =	vld [tilespmem:s25+$0xFFFFFED0];
	[tilespmem:s8+$0x0] =	vst v12  }
0x207: {  	v9 =	vmul.f32 v9, v2;
	v15 =	vadd.f32 v18, v15;
	v12 =	vld [tilespmem:s25+$0x10]  }
0x208: {  	v13 =	vadd.f32 v13, v14;
	v11 =	vmul.f32 v11, v2;
	v20 =	vnsel vm0, $0x0, v4  }
0x209: {  	v24 =	vld.msk [tilespmem:s26+$0xFFFFFFF9 ss:$0x0], $0xffff;
	v14 =	vmul.f32 v16, v2;
	v16 =	vadd.f32 v10, v23;
	[tilespmem:s8+$0x230] =	vst v20;
	v17 =	vadd.f32 v19, v17  }
0x20a: {  	v13 =	vadd.f32 v13, v11;
	v7 =	vadd.f32 v7, v8;
	v18 =	vbroadcast v3, $0x1;
	v20 =	vld [tilespmem:s25+$0x1B0]  }
0x20b: {  	v5 =	vadd.f32 v5, v6;
	v6 =	vld.msk [tilespmem:s26+$0xFFFFFFFA ss:$0x0], $0xffff;
	v14 =	vadd.f32 v17, v14  }
0x20c: {  	s30 =	simm.s32 $0x800;
	v7 =	vadd.f32 v7, v9;
	v9 =	vmul.f32 v21, v2;
	v12 =	vmul.f32 v18, v12  }
0x20d: {  	v29 =	vld [tilespmem:s30+$0x10];
	vm1 =	vgt.f32 v13, $0.0e+00;
	v22 =	vbroadcast v4, $0x0;
	v17 =	vmul.f32 $2.000000030e-01, v14  }
0x20e: {  	v32 =	vld [tilespmem:s30+$0xFFFFFFF0];
	v9 =	vadd.f32 v15, v9;
	v15 =	vmul.f32 v24, v2;
	vm2 =	vgt.f32 v14, $0.0e+00;
	[tilespmem:s8+$0x10] =	vst v12  }
0x20f: {  	v19 =	vmul.f32 v22, v20;
	v20 =	vmul.f32 $2.000000030e-01, v13;
	v12 =	vld [tilespmem:s25+$0x20];
	v14 =	vsel vm2, v14, v17  }
0x210: {  	s17 =	simm.s32 $0x1EF;
	v53 =	vld [tilespmem:s30+$0x0];
	v15 =	vadd.f32 v16, v15;
	v6 =	vmul.f32 v6, v2;
	v14 =	vsub.f32 v14, v1  }
0x211: {  	v44 =	vld.msk [tilespmem:s17+$0xFFFFFFFD ss:$0x0], $0xffff;
	v22 =	vmul.f32 $2.000000030e-01, v7;
	v13 =	vsel vm1, v13, v20;
	v20 =	vmul.f32 $2.000000030e-01, v9  }
0x212: {  	s10 =	simm.s32 $0x4000;
	v10 =	vld [tilespmem:s30+$0xFFFFFFD0];
	vm1 =	vgt.f32 v9, $0.0e+00;
	v18 =	vbroadcast v3, $0x2;
	v14 =	vmul.f32 $1.442695020e+00, v14  }
0x213: {  	v11 =	vld [tilespmem:s10+$0xFFFFFED0];
	[tilespmem:s8+$0x1B0] =	vst v19;
	v21 =	vsub.f32 v13, v1;
	v9 =	vsel vm1, v9, v20;
	vm2 =	vgt.f32 v7, $0.0e+00  }
0x214: {  	v20 =	vld [tilespmem:s25+$0x1C0];
	v7 =	vsel vm2, v7, v22;
	v12 =	vmul.f32 v18, v12;
	(erf) = vpow2.f32 v14  }
0x215: {  	v16 =	vld [tilespmem:s30+$0xFFFFFFE0];
	v8 =	vbroadcast v4, $0x1;
	v9 =	vsub.f32 v9, v1;
	v7 =	vsub.f32 v7, v1  }
0x216: {  	v5 =	vadd.f32 v5, v6;
	v6 =	vld.msk [tilespmem:s17+$0xFFFFFFFB ss:$0x0], $0xffff;
	v19 =	vmul.f32 $2.000000030e-01, v15;
	v14 =	vmul.f32 $1.442695020e+00, v21;
	[tilespmem:s8+$0x20] =	vst v12  }
0x217: {  	vm1 =	vgt.f32 v15, $0.0e+00;
	v9 =	vmul.f32 $1.442695020e+00, v9;
	v7 =	vmul.f32 $1.442695020e+00, v7;
	v23 =	vld [tilespmem:s25+$0x30]  }
0x218: {  	v13 =	vld [tilespmem:s30+$0xFFFFFFC0];
	v19 =	vsel vm1, v15, v19;
	v12 =	vmul.f32 $2.000000030e-01, v5;
	(erf) = vpow2.f32 v14  }
0x219: {  	v15 =	vld.msk [tilespmem:s17+$0xFFFFFFFF ss:$0x0], $0xffff;
	vm1 =	vgt.f32 v5, $0.0e+00;
	v8 =	vmul.f32 v8, v20;
	(erf) = vpow2.f32 v9  }
0x21a: {  	v17 =	vld [tilespmem:s10+$0xFFFFFF60];
	v5 =	vsel vm1, v5, v12;
	v12 =	vbroadcast v3, $0x3;
	(erf) = vpow2.f32 v7  }
0x21b: {  	v22 =	vld [tilespmem:s10+$0x110];
	v14 =	vsub.f32 v19, v1  }
0x21c: {  	v18 =	vld [tilespmem:s30+$0x20];
	[tilespmem:s8+$0x1C0] =	vst v8;
	v12 =	vmul.f32 v12, v23  }
0x21d: {  	v9 =	vld [tilespmem:s25+$0x1D0];
	v8 =	vmul.f32 $1.442695020e+00, v14;
	v25 =	vpop (erf)  }
0x21e: {  	v21 =	vld [tilespmem:s10+$0x1A0];
	[tilespmem:s8+$0x30] =	vst v12;
	v12 =	vnsel vm0, $0x0, v25  }
0x21f: {  	v5 =	vsub.f32 v5, v1;
	(erf) = vpow2.f32 v8;
	v14 =	vld [tilespmem:s25+$0x40];
	[tilespmem:s8+$0xFFFFFFF0] =	vst v12  }
0x220: {  	v33 =	vbroadcast v4, $0x6;
	v20 =	vbroadcast v4, $0x2;
	v12 =	vld [tilespmem:s25+$0xFFFFFF70]  }
0x221: {  	v28 =	vbroadcast v3, $0x4;
	v7 =	vld [tilespmem:s30+$0x30];
	v5 =	vmul.f32 $1.442695020e+00, v5;
	v27 =	vpop (erf)  }
0x222: {  	v24 =	vmul.f32 v6, v2;
	v8 =	vld [tilespmem:s10+$0x230];
	v9 =	vmul.f32 v20, v9;
	v26 =	vnsel vm0, $0x0, v27;
	v31 =	vpop (erf)  }
0x223: {  	(erf) = vpow2.f32 v5;
	v5 =	vld.msk [tilespmem:s17+$0x0 ss:$0x0], $0xffff;
	v20 =	vbroadcast v25, $0x0;
	[tilespmem:s8+$0x1A0] =	vst v26;
	v26 =	vnsel vm0, $0x0, v31;
	v6 =	vpop (erf)  }
0x224: {  	v37 =	vbroadcast v3, $0x5;
	v23 =	vld.msk [tilespmem:s17+$0xFFFFFFFE ss:$0x0], $0xffff;
	[tilespmem:s8+$0x110] =	vst v26;
	v28 =	vmul.f32 v14, v28;
	v14 =	vnsel vm0, $0x0, v6  }
0x225: {  	v51 =	vbroadcast v25, $0x1;
	[tilespmem:s8+$0xFFFFFF60] =	vst v14;
	v12 =	vmul.f32 v20, v12;
	v20 =	vld [tilespmem:s25+$0x90]  }
0x226: {  	v29 =	vadd.f32 v29, v22;
	v60 =	vbroadcast v25, $0x2;
	v22 =	vbroadcast v25, $0x7;
	v35 =	vld [tilespmem:s25+$0xFFFFFEE0]  }
0x227: {  	v16 =	vadd.f32 v16, v17;
	v36 =	vbroadcast v27, $0x0;
	v52 =	vbroadcast v27, $0x1;
	v48 =	vld [tilespmem:s25+$0x120];
	[tilespmem:s8+$0x40] =	vst v28  }
0x228: {  	v8 =	vadd.f32 v7, v8;
	v49 =	vbroadcast v31, $0x0;
	v34 =	vmul.f32 v5, v2;
	v30 =	vpop (erf);
	[tilespmem:s8+$0xFFFFFF70] =	vst v12;
	v12 =	vld [tilespmem:s25+$0x50]  }
0x229: {  	v19 =	vld.msk [tilespmem:s17+$0xFFFFFFFC ss:$0x0], $0xffff;
	[tilespmem:s8+$0x1D0] =	vst v9;
	v55 =	vbroadcast v31, $0x1;
	v9 =	vbroadcast v6, $0x0;
	v39 =	vnsel vm0, $0x0, v30  }
0x22a: {  	v50 =	vld [tilespmem:s25+$0x1E0];
	v46 =	vbroadcast v31, $0x2;
	v8 =	vadd.f32 v8, v34;
	[tilespmem:s8+$0xFFFFFE40] =	vst v39;
	v20 =	vmul.f32 v49, v20  }
0x22b: {  	v16 =	vadd.f32 v16, v24;
	v24 =	vmul.f32 v23, v2;
	v39 =	vld [tilespmem:s25+$0xFFFFFDC0];
	v9 =	vmul.f32 v9, v35  }
0x22c: {  	v40 =	vmul.f32 $2.000000030e-01, v8;
	v36 =	vmul.f32 v36, v48;
	v38 =	vld [tilespmem:s25+$0xFFFFFF80];
	[tilespmem:s8+$0x90] =	vst v20  }
0x22d: {  	v5 =	vbroadcast v31, $0x7;
	vm1 =	vgt.f32 v8, $0.0e+00;
	v14 =	vpop (erf);
	[tilespmem:s8+$0xFFFFFEE0] =	vst v9;
	v9 =	vmul.f32 v12, v37;
	v12 =	vld [tilespmem:s25+$0xA0]  }
0x22e: {  	v54 =	vbroadcast v30, $0x0;
	v42 =	vnsel vm0, $0x0, v14;
	v8 =	vsel vm1, v8, v40;
	[tilespmem:s8+$0x120] =	vst v36;
	v43 =	vld [tilespmem:s25+$0xFFFFFEF0]  }
0x22f: {  	v26 =	vbroadcast v4, $0x7;
	v57 =	vbroadcast v6, $0x1;
	v34 =	vld [tilespmem:s10+$0xFFFFFFF0];
	[tilespmem:s8+$0xFFFFFED0] =	vst v42;
	v8 =	vsub.f32 v8, v1  }
0x230: {  	v41 =	vbroadcast v14, $0x0;
	v56 =	vmul.f32 v54, v39;
	[tilespmem:s8+$0x50] =	vst v9;
	v9 =	vld [tilespmem:s25+$0xFFFFFE50]  }
0x231: {  	v36 =	vld [tilespmem:s25+$0x130];
	v8 =	vmul.f32 $1.442695020e+00, v8;
	v35 =	vmul.f32 v51, v38  }
0x232: {  	v28 =	vld [tilespmem:s10+$0x80];
	v20 =	vbroadcast v4, $0x3;
	[tilespmem:s8+$0xFFFFFDC0] =	vst v56;
	v12 =	vmul.f32 v55, v12  }
0x233: {  	(erf) = vpow2.f32 v8;
	v8 =	vld [tilespmem:s25+$0xFFFFFDD0];
	[tilespmem:s8+$0xFFFFFF80] =	vst v35;
	v59 =	vmul.f32 v57, v43  }
0x234: {  	v7 =	vbroadcast v14, $0x6;
	v20 =	vmul.f32 v20, v50;
	v58 =	vld [tilespmem:s25+$0x60];
	[tilespmem:s8+$0xA0] =	vst v12  }
0x235: {  	v62 =	vbroadcast v14, $0x1;
	v9 =	vmul.f32 v41, v9;
	[tilespmem:s8+$0xFFFFFEF0] =	vst v59;
	v63 =	vld [tilespmem:s25+$0xB0]  }
0x236: {  	v47 =	vbroadcast v14, $0x5;
	v36 =	vmul.f32 v52, v36;
	[tilespmem:s8+$0x1E0] =	vst v20;
	v48 =	vld [tilespmem:s25+$0xFFFFFF00]  }
0x237: {  	v50 =	vmul.f32 v44, v2;
	v45 =	vld [tilespmem:s25+$0xFFFFFF90];
	v12 =	vbroadcast v30, $0x1;
	[tilespmem:s8+$0xFFFFFE50] =	vst v9  }
0x238: {  	v35 =	vbroadcast v3, $0x7;
	v3 =	vbroadcast v3, $0x6;
	[tilespmem:s8+$0x130] =	vst v36;
	v20 =	vld [tilespmem:s25+$0xFFFFFE60]  }
0x239: {  	v61 =	vld [tilespmem:s25+$0x140];
	v9 =	vbroadcast v6, $0x2;
	v8 =	vmul.f32 v12, v8  }
0x23a: {  	v28 =	vadd.f32 v53, v28;
	v51 =	vld [tilespmem:s25+$0x1F0];
	v42 =	vmul.f32 v58, v3;
	v3 =	vmul.f32 v46, v63  }
0x23b: {  	v49 =	vbroadcast v27, $0x2;
	v44 =	vld [tilespmem:s10+$0xFFFFFE40];
	[tilespmem:s8+$0xFFFFFDD0] =	vst v8;
	v8 =	vmul.f32 v9, v48  }
0x23c: {  	v37 =	vbroadcast v4, $0x4;
	v28 =	vadd.f32 v28, v50;
	v36 =	vmul.f32 v60, v45;
	v52 =	vld [tilespmem:s25+$0xFFFFFDE0];
	[tilespmem:s8+$0xB0] =	vst v3  }
0x23d: {  	v4 =	vbroadcast v4, $0x5;
	v20 =	vmul.f32 v62, v20;
	[tilespmem:s8+$0xFFFFFF00] =	vst v8;
	v54 =	vld [tilespmem:s25+$0xC0]  }
0x23e: {  	v53 =	vmul.f32 $2.000000030e-01, v28;
	[tilespmem:s8+$0xFFFFFF90] =	vst v36;
	v56 =	vmul.f32 v49, v61;
	v55 =	vld [tilespmem:s25+$0xFFFFFF10]  }
0x23f: {  	vm1 =	vgt.f32 v28, $0.0e+00;
	v57 =	vbroadcast v30, $0x2;
	v37 =	vmul.f32 v51, v37;
	[tilespmem:s8+$0xFFFFFE60] =	vst v20;
	v20 =	vld [tilespmem:s25+$0xFFFFFFA0]  }
0x240: {  	v41 =	vbroadcast v14, $0x2;
	v28 =	vsel vm1, v28, v53;
	v59 =	vbroadcast v31, $0x3;
	[tilespmem:s8+$0x140] =	vst v56;
	v58 =	vld [tilespmem:s25+$0xFFFFFE70]  }
0x241: {  	v28 =	vsub.f32 v28, v1;
	v61 =	vbroadcast v6, $0x3;
	[tilespmem:s8+$0x1F0] =	vst v37;
	v62 =	vld [tilespmem:s25+$0x150];
	v38 =	vmul.f32 v57, v52  }
0x242: {  	[tilespmem:s8+$0x60] =	vst v42;
	v9 =	vbroadcast v25, $0x3;
	v48 =	vld [tilespmem:s25+$0x200];
	v63 =	vmul.f32 v59, v54  }
0x243: {  	v28 =	vmul.f32 $1.442695020e+00, v28;
	v42 =	vld [tilespmem:s25+$0x70];
	[tilespmem:s8+$0xFFFFFDE0] =	vst v38;
	v49 =	vmul.f32 v61, v55  }
0x244: {  	v60 =	vbroadcast v27, $0x3;
	v51 =	vld [tilespmem:s25+$0xFFFFFDF0];
	v20 =	vmul.f32 v9, v20;
	[tilespmem:s8+$0xC0] =	vst v63  }
0x245: {  	v3 =	vpop (erf);
	(erf) = vpow2.f32 v28;
	v28 =	vmul.f32 v41, v58;
	[tilespmem:s8+$0xFFFFFF10] =	vst v49;
	v37 =	vld [tilespmem:s25+$0xD0]  }
0x246: {  	v50 =	vbroadcast v25, $0x4;
	[tilespmem:s8+$0xFFFFFFA0] =	vst v20;
	v20 =	vmul.f32 v60, v62;
	v38 =	vld [tilespmem:s25+$0xFFFFFF20]  }
0x247: {  	v53 =	vbroadcast v30, $0x3;
	v4 =	vmul.f32 v48, v4;
	[tilespmem:s8+$0xFFFFFE70] =	vst v28;
	v28 =	vld [tilespmem:s25+$0xFFFFFFB0]  }
0x248: {  	v45 =	vbroadcast v14, $0x4;
	v56 =	vbroadcast v31, $0x4;
	v55 =	vld [tilespmem:s25+$0xFFFFFE80];
	[tilespmem:s8+$0x150] =	vst v20  }
0x249: {  	s21 =	simm.s32 $0x6D00;
	v57 =	vbroadcast v6, $0x4;
	v54 =	vnsel vm0, $0x0, v3;
	[tilespmem:s8+$0x200] =	vst v4;
	v20 =	vmul.f32 v53, v51;
	v58 =	vld [tilespmem:s25+$0x160]  }
0x24a: {  	v36 =	vbroadcast v25, $0x5;
	[tilespmem:s21+$0x230] =	vst v54;
	v61 =	vld [tilespmem:s25+$0x210];
	v37 =	vmul.f32 v37, v56  }
0x24b: {  	v52 =	vbroadcast v14, $0x3;
	v59 =	vld [tilespmem:s10+$0x1B0];
	[tilespmem:s8+$0xFFFFFDF0] =	vst v20;
	v4 =	vmul.f32 v38, v57  }
0x24c: {  	v60 =	vbroadcast v27, $0x4;
	v62 =	vld [tilespmem:s25+$0xFFFFFE00];
	v28 =	vmul.f32 v28, v50;
	[tilespmem:s8+$0xD0] =	vst v37  }
0x24d: {  	v35 =	vmul.f32 v42, v35;
	v48 =	vmul.f32 v52, v55;
	[tilespmem:s8+$0xFFFFFF20] =	vst v4;
	v49 =	vld [tilespmem:s25+$0xE0]  }
0x24e: {  	v8 =	vbroadcast v3, $0x1;
	[tilespmem:s8+$0xFFFFFFB0] =	vst v28;
	v39 =	vmul.f32 v58, v60;
	v50 =	vld [tilespmem:s25+$0xFFFFFF30]  }
0x24f: {  	v9 =	vbroadcast v14, $0x7;
	v51 =	vbroadcast v30, $0x4;
	[tilespmem:s8+$0xFFFFFE80] =	vst v48;
	v52 =	vld [tilespmem:s25+$0xFFFFFFC0]  }
0x250: {  	v54 =	vbroadcast v31, $0x5;
	v63 =	vbroadcast v3, $0x0;
	v4 =	vpop (erf);
	v53 =	vld [tilespmem:s25+$0xFFFFFE90];
	[tilespmem:s8+$0x160] =	vst v39  }
0x251: {  	[tilespmem:s8+$0x70] =	vst v35;
	v56 =	vbroadcast v6, $0x5;
	v37 =	vmul.f32 v62, v51;
	v55 =	vnsel vm0, $0x0, v4;
	v57 =	vld [tilespmem:s25+$0x170]  }
0x252: {  	v12 =	vld.msk [tilespmem:s17+$0xFFFFFFF9 ss:$0x0], $0xffff;
	v38 =	vmul.f32 v61, v33;
	[tilespmem:s21+$0x80] =	vst v55;
	v58 =	vmul.f32 v49, v54  }
0x253: {  	v28 =	vmul.f32 v63, v59;
	[tilespmem:s8+$0xFFFFFE00] =	vst v37;
	v60 =	vld [tilespmem:s10+$0x0];
	v61 =	vmul.f32 v50, v56  }
0x254: {  	v59 =	vbroadcast v27, $0x5;
	v62 =	vld [tilespmem:s25+$0xFFFFFE10];
	v14 =	vmul.f32 v52, v36;
	[tilespmem:s8+$0xE0] =	vst v58  }
0x255: {  	v20 =	vbroadcast v30, $0x7;
	v48 =	vmul.f32 v53, v45;
	[tilespmem:s8+$0xFFFFFF30] =	vst v61;
	v49 =	vld [tilespmem:s25+$0xF0]  }
0x256: {  	v63 =	vbroadcast v4, $0x0;
	[tilespmem:s8+$0xFFFFFFC0] =	vst v14;
	v35 =	vmul.f32 v57, v59;
	v50 =	vld [tilespmem:s25+$0xFFFFFF40]  }
0x257: {  	v33 =	vbroadcast v27, $0x7;
	v51 =	vbroadcast v30, $0x5;
	[tilespmem:s8+$0xFFFFFE90] =	vst v48;
	v52 =	vld [tilespmem:s25+$0xFFFFFFD0]  }
0x258: {  	v54 =	vbroadcast v31, $0x6;
	v36 =	vmul.f32 v63, v60;
	v53 =	vld [tilespmem:s25+$0xFFFFFEA0];
	[tilespmem:s8+$0x170] =	vst v35  }
0x259: {  	[tilespmem:s8+$0x210] =	vst v38;
	v55 =	vbroadcast v6, $0x6;
	v17 =	vmul.f32 v62, v51;
	v56 =	vld [tilespmem:s25+$0x180]  }
0x25a: {  	v39 =	vbroadcast v25, $0x6;
	v25 =	vadd.f32 v18, v21;
	v59 =	vld [tilespmem:s25+$0x220];
	[tilespmem:s21+$0x0] =	vst v36;
	v57 =	vmul.f32 v49, v54  }
0x25b: {  	v21 =	vadd.f32 v10, v11;
	v11 =	vmul.f32 v15, v2;
	[tilespmem:s8+$0xFFFFFE10] =	vst v17;
	v60 =	vld [tilespmem:s10+$0x10];
	v17 =	vmul.f32 v50, v55  }
0x25c: {  	v58 =	vbroadcast v27, $0x6;
	v62 =	vld [tilespmem:s25+$0xFFFFFE20];
	v18 =	vmul.f32 v52, v39;
	[tilespmem:s8+$0xF0] =	vst v57  }
0x25d: {  	v30 =	vbroadcast v30, $0x6;
	v27 =	vld.msk [tilespmem:s17+$0xFFFFFFFA ss:$0x0], $0xffff;
	v10 =	vmul.f32 v53, v47;
	[tilespmem:s8+$0xFFFFFF40] =	vst v17  }
0x25e: {  	v25 =	vadd.f32 v25, v11;
	v61 =	vbroadcast v4, $0x1;
	[tilespmem:s8+$0xFFFFFFD0] =	vst v18;
	v17 =	vmul.f32 v56, v58;
	v15 =	vld [tilespmem:s25+$0xFFFFFF50]  }
0x25f: {  	v31 =	vadd.f32 v32, v34;
	v14 =	vbroadcast v4, $0x3;
	v63 =	vmul.f32 v59, v26;
	[tilespmem:s8+$0xFFFFFEA0] =	vst v10;
	v10 =	vld [tilespmem:s25+$0xFFFFFFE0]  }
0x260: {  	v26 =	vmul.f32 v19, v2;
	v19 =	vadd.f32 v29, v24;
	v23 =	vmul.f32 v61, v60;
	v11 =	vld [tilespmem:s25+$0xFFFFFEB0];
	[tilespmem:s8+$0x180] =	vst v17  }
0x261: {  	s18 =	simm.s32 $0x4000;
	s26 =	simm.s32 $0x8;
	[tilespmem:s8+$0x220] =	vst v63;
	v18 =	vadd.f32 v13, v44;
	v13 =	vbroadcast v4, $0x2;
	v24 =	vmul.f32 v62, v30;
	v17 =	vld [tilespmem:s25+$0x190]  }
.LBB2_7:
0x262: {  	s26 =	sadd.s32 $0x8, s26;
	[tilespmem:s21+$0x10] =	vst v23;
	vm2 =	vgt.f32 v25, $0.0e+00;
	v23 =	vmul.f32 $2.000000030e-01, v25;
	v6 =	vbroadcast v6, $0x7;
	v29 =	vld [tilespmem:s25+$0x100]  }
0x263: {  	v27 =	vmul.f32 v27, v2;
	p1 =	slt.u32 s26, $0x48;
	v26 =	vadd.f32 v31, v26;
	v30 =	vld [tilespmem:s10+$0x20];
	vm1 =	vgt.f32 v19, $0.0e+00;
	[tilespmem:s8+$0xFFFFFE20] =	vst v24  }
0x264: {  	v12 =	vmul.f32 v12, v2;
	s30 =	sadd.s32 $0x80, s30;
	v23 =	vsel vm2, v25, v23;
	v24 =	vld [tilespmem:s25+$0xFFFFFE30];
	v22 =	vmul.f32 v10, v22  }
0x265: {  	s10 =	sadd.s32 $0x480, s10;
	v10 =	vld [tilespmem:s30+$0xFFFFFFD0];
	vm2 =	vgt.f32 v26, $0.0e+00;
	v25 =	vmul.f32 $2.000000030e-01, v26;
	v7 =	vmul.f32 v11, v7  }
0x266: {  	v31 =	vmul.f32 $2.000000030e-01, v19;
	v23 =	vsub.f32 v23, v1;
	v11 =	vld [tilespmem:s10+$0xFFFFFED0];
	[tilespmem:s8+$0xFFFFFFE0] =	vst v22;
	v17 =	vmul.f32 v17, v33  }
0x267: {  	v12 =	vadd.f32 v18, v12;
	v6 =	vmul.f32 v15, v6;
	v32 =	vld [tilespmem:s30+$0xFFFFFFE0];
	v18 =	vsel vm2, v26, v25;
	[tilespmem:s8+$0xFFFFFEB0] =	vst v7  }
0x268: {  	v5 =	vmul.f32 v29, v5;
	v7 =	vsub.f32 v18, v1;
	v18 =	vmul.f32 $1.442695020e+00, v23;
	[tilespmem:s21+$0x1B0] =	vst v28;
	v25 =	vld [tilespmem:s25+$0xFFFFFEC0];
	s25 =	smov.u32 s18;
	s18 =	smov.u32 s10  }
0x269: {  	v19 =	vsel vm1, v19, v31;
	v15 =	vmul.f32 $2.000000030e-01, v12;
	v26 =	vld [tilespmem:s10+$0xFFFFFF60];
	v20 =	vmul.f32 v24, v20;
	[tilespmem:s8+$0x190] =	vst v17  }
0x26a: {  	s17 =	sadd.s32 $0x8, s17;
	vm1 =	vgt.f32 v12, $0.0e+00;
	v17 =	vadd.f32 v21, v27;
	v7 =	vmul.f32 $1.442695020e+00, v7;
	v21 =	vld [tilespmem:s25+$0x1C0];
	[tilespmem:s8+$0x100] =	vst v5  }
0x26b: {  	v22 =	vmul.f32 $2.000000030e-01, v16;
	v19 =	vsub.f32 v19, v1;
	v23 =	vmul.f32 v13, v30;
	v5 =	vld.msk [tilespmem:s17+$0xFFFFFFFB ss:$0x0], $0xffff;
	[tilespmem:s8+$0xFFFFFE30] =	vst v20  }
0x26c: {  	v12 =	vsel vm1, v12, v15;
	vm1 =	vgt.f32 v16, $0.0e+00;
	v13 =	vld [tilespmem:s30+$0xFFFFFFC0];
	(erf) = vpow2.f32 v7;
	[tilespmem:s8+$0xFFFFFF50] =	vst v6  }
0x26d: {  	v19 =	vmul.f32 $1.442695020e+00, v19;
	v6 =	vmul.f32 $2.000000030e-01, v17;
	v7 =	vsel vm1, v16, v22;
	v15 =	vld.msk [tilespmem:s17+$0xFFFFFFFF ss:$0x0], $0xffff;
	[tilespmem:s21+$0x20] =	vst v23  }
0x26e: {  	v12 =	vsub.f32 v12, v1;
	vm1 =	vgt.f32 v17, $0.0e+00;
	v7 =	vsub.f32 v7, v1;
	v24 =	vld [tilespmem:s25+$0x30]  }
0x26f: {  	v6 =	vsel vm1, v17, v6;
	v22 =	vld [tilespmem:s30+$0x20];
	v8 =	vmul.f32 v8, v21;
	(erf) = vpow2.f32 v18  }
0x270: {  	v12 =	vmul.f32 $1.442695020e+00, v12;
	v6 =	vsub.f32 v6, v1;
	v7 =	vmul.f32 $1.442695020e+00, v7;
	v23 =	vld [tilespmem:s10+$0x1A0]  }
0x271: {  	v16 =	vadd.f32 v32, v26;
	v20 =	vld [tilespmem:s10+$0x110];
	[tilespmem:s21+$0x1C0] =	vst v8;
	(erf) = vpow2.f32 v19;
	v8 =	vmul.f32 v25, v9  }
0x272: {  	v6 =	vmul.f32 $1.442695020e+00, v6;
	v9 =	vld [tilespmem:s25+$0x1D0];
	(erf) = vpow2.f32 v7  }
0x273: {  	v7 =	vld [tilespmem:s30+$0x30];
	v14 =	vmul.f32 v14, v24;
	(erf) = vpow2.f32 v12;
	[tilespmem:s8+$0xFFFFFEC0] =	vst v8;
	s8 =	smov.u32 s21  }
0x274: {  	v18 =	vmul.f32 v5, v2;
	v5 =	vld [tilespmem:s10+$0x230];
	(erf) = vpow2.f32 v6  }
0x275: {  	v6 =	vbroadcast v3, $0x2;
	v8 =	vld.msk [tilespmem:s17+$0x0 ss:$0x0], $0xffff;
	[tilespmem:s21+$0x30] =	vst v14;
	v21 =	vpop (erf)  }
0x276: {  	v12 =	vnsel vm0, $0x0, v21;
	v14 =	vld [tilespmem:s25+$0x40]  }
0x277: {  	v17 =	vld.msk [tilespmem:s17+$0xFFFFFFFC ss:$0x0], $0xffff;
	[tilespmem:s21+$0xFFFFFFF0] =	vst v12;
	v6 =	vmul.f32 v6, v9  }
0x278: {  	v12 =	vld [tilespmem:s25+$0xFFFFFF70];
	v24 =	vpop (erf)  }
0x279: {  	v19 =	vld.msk [tilespmem:s17+$0xFFFFFFFE ss:$0x0], $0xffff;
	v7 =	vadd.f32 v7, v5;
	v5 =	vbroadcast v4, $0x4;
	v9 =	vnsel vm0, $0x0, v24;
	[tilespmem:s21+$0x1D0] =	vst v6  }
0x27a: {  	v28 =	vld [tilespmem:s30+$0x10];
	[tilespmem:s21+$0x1A0] =	vst v9;
	v27 =	vpop (erf)  }
0x27b: {  	v25 =	vbroadcast v21, $0x0;
	v29 =	vmul.f32 v14, v5;
	v5 =	vnsel vm0, $0x0, v27;
	v30 =	vld [tilespmem:s25+$0x120];
	v6 =	vpop (erf)  }
0x27c: {  	v8 =	vmul.f32 v8, v2;
	v9 =	vld [tilespmem:s30+$0xFFFFFFF0];
	v33 =	vnsel vm0, $0x0, v6;
	[tilespmem:s21+$0x110] =	vst v5;
	v5 =	vbroadcast v27, $0x7;
	v26 =	vpop (erf)  }
0x27d: {  	v31 =	vnsel vm0, $0x0, v26;
	[tilespmem:s21+$0xFFFFFF60] =	vst v33;
	v12 =	vmul.f32 v25, v12;
	v32 =	vld [tilespmem:s25+$0x90];
	v25 =	vbroadcast v3, $0x7;
	v14 =	vpop (erf)  }
0x27e: {  	v8 =	vadd.f32 v7, v8;
	v33 =	vnsel vm0, $0x0, v14;
	v34 =	vld [tilespmem:s25+$0xFFFFFEE0];
	[tilespmem:s21+$0x40] =	vst v29;
	v29 =	vbroadcast v24, $0x0  }
0x27f: {  	v7 =	vbroadcast v14, $0x6;
	v35 =	vld [tilespmem:s10+$0x80];
	[tilespmem:s21+$0xFFFFFF70] =	vst v12;
	v12 =	vbroadcast v4, $0x5  }
0x280: {  	v36 =	vbroadcast v27, $0x0;
	[tilespmem:s21+$0xFFFFFED0] =	vst v33;
	v33 =	vld [tilespmem:s25+$0x50];
	v30 =	vmul.f32 v29, v30  }
0x281: {  	v37 =	vbroadcast v6, $0x0;
	v29 =	vbroadcast v3, $0x6;
	v38 =	vld [tilespmem:s25+$0xFFFFFF80]  }
0x282: {  	v39 =	vmul.f32 $2.000000030e-01, v8;
	v32 =	vmul.f32 v36, v32;
	[tilespmem:s21+$0x120] =	vst v30;
	v30 =	vld [tilespmem:s25+$0x1E0]  }
0x283: {  	vm1 =	vgt.f32 v8, $0.0e+00;
	[tilespmem:s21+$0xFFFFFE40] =	vst v31;
	v31 =	vmul.f32 v37, v34;
	v34 =	vbroadcast v21, $0x1;
	v36 =	vld [tilespmem:s25+$0x130]  }
0x284: {  	v8 =	vsel vm1, v8, v39;
	v39 =	vbroadcast v14, $0x0;
	v37 =	vld [tilespmem:s25+$0xFFFFFDC0];
	[tilespmem:s21+$0x90] =	vst v32;
	v32 =	vbroadcast v3, $0x3  }
0x285: {  	v8 =	vsub.f32 v8, v1;
	[tilespmem:s21+$0xFFFFFEE0] =	vst v31;
	v12 =	vmul.f32 v33, v12;
	v31 =	vld [tilespmem:s25+$0xA0];
	v33 =	vbroadcast v3, $0x4  }
0x286: {  	v40 =	vld [tilespmem:s25+$0xFFFFFEF0];
	v34 =	vmul.f32 v34, v38;
	v38 =	vbroadcast v24, $0x1  }
0x287: {  	v42 =	vbroadcast v26, $0x0;
	v41 =	vld [tilespmem:s30+$0x0];
	[tilespmem:s21+$0x50] =	vst v12;
	v12 =	vmul.f32 v32, v30  }
0x288: {  	v32 =	vbroadcast v27, $0x1;
	v30 =	vld [tilespmem:s25+$0xFFFFFE50];
	v36 =	vmul.f32 v38, v36  }
0x289: {  	v38 =	vbroadcast v6, $0x1;
	v37 =	vmul.f32 v42, v37;
	v42 =	vld [tilespmem:s25+$0x60];
	[tilespmem:s21+$0x1E0] =	vst v12  }
0x28a: {  	v8 =	vmul.f32 $1.442695020e+00, v8;
	v12 =	vld.msk [tilespmem:s17+$0xFFFFFFFD ss:$0x0], $0xffff;
	v31 =	vmul.f32 v32, v31;
	[tilespmem:s21+$0x130] =	vst v36  }
0x28b: {  	v36 =	vbroadcast v21, $0x2;
	[tilespmem:s21+$0xFFFFFDC0] =	vst v37;
	v32 =	vmul.f32 v38, v40;
	v37 =	vld [tilespmem:s25+$0x140]  }
0x28c: {  	v38 =	vbroadcast v14, $0x1;
	(erf) = vpow2.f32 v8;
	v8 =	vld [tilespmem:s25+$0xFFFFFDD0];
	[tilespmem:s21+$0xA0] =	vst v31  }
0x28d: {  	v30 =	vmul.f32 v39, v30;
	[tilespmem:s21+$0xFFFFFEF0] =	vst v32;
	v31 =	vld [tilespmem:s25+$0xB0];
	v32 =	vbroadcast v3, $0x5  }
0x28e: {  	v3 =	vadd.f32 v41, v35;
	v39 =	vbroadcast v24, $0x2;
	v35 =	vld [tilespmem:s25+$0xFFFFFF00];
	[tilespmem:s21+$0xFFFFFF80] =	vst v34;
	v34 =	vbroadcast v4, $0x7  }
0x28f: {  	v40 =	vbroadcast v26, $0x1;
	[tilespmem:s21+$0xFFFFFE50] =	vst v30;
	v30 =	vbroadcast v6, $0x2;
	v41 =	vld [tilespmem:s25+$0xFFFFFF90]  }
0x290: {  	v44 =	vbroadcast v27, $0x2;
	v4 =	vbroadcast v4, $0x6;
	v43 =	vld [tilespmem:s25+$0xFFFFFE60]  }
0x291: {  	v45 =	vmul.f32 v12, v2;
	v8 =	vmul.f32 v40, v8;
	v40 =	vld [tilespmem:s25+$0x1F0]  }
0x292: {  	v4 =	vmul.f32 v42, v4;
	v12 =	vld.msk [tilespmem:s17+$0xFFFFFFF9 ss:$0x0], $0xffff;
	v31 =	vmul.f32 v44, v31  }
0x293: {  	v44 =	vadd.f32 v3, v45;
	v42 =	vld [tilespmem:s10+$0xFFFFFFF0];
	[tilespmem:s21+$0xFFFFFDD0] =	vst v8;
	v8 =	vmul.f32 v30, v35;
	v30 =	vbroadcast v21, $0x3  }
0x294: {  	v45 =	vbroadcast v14, $0x2;
	v35 =	vld [tilespmem:s25+$0xFFFFFDE0];
	v36 =	vmul.f32 v36, v41;
	[tilespmem:s21+$0xB0] =	vst v31  }
0x295: {  	vm1 =	vgt.f32 v44, $0.0e+00;
	v31 =	vmul.f32 $2.000000030e-01, v44;
	v3 =	vpop (erf);
	v38 =	vmul.f32 v38, v43;
	[tilespmem:s21+$0xFFFFFF00] =	vst v8;
	v41 =	vld [tilespmem:s25+$0xC0]  }
0x296: {  	s21 =	sadd.s32 $0x480, s21;
	v43 =	vnsel vm0, $0x0, v3;
	v8 =	vbroadcast v3, $0x1;
	v46 =	vld [tilespmem:s25+$0xFFFFFF10];
	[tilespmem:s8+$0xFFFFFF90] =	vst v36;
	v36 =	vmul.f32 v39, v37  }
0x297: {  	v31 =	vsel vm1, v44, v31;
	v37 =	vbroadcast v26, $0x2;
	v33 =	vmul.f32 v40, v33;
	[tilespmem:s8+$0xFFFFFE60] =	vst v38;
	v38 =	vld [tilespmem:s25+$0xFFFFFFA0]  }
0x298: {  	v40 =	vbroadcast v27, $0x3;
	v31 =	vsub.f32 v31, v1;
	v39 =	vld [tilespmem:s25+$0xFFFFFE70];
	[tilespmem:s8+$0x140] =	vst v36;
	v36 =	vbroadcast v24, $0x3  }
0x299: {  	v35 =	vmul.f32 v37, v35;
	v37 =	vbroadcast v6, $0x3;
	v44 =	vld [tilespmem:s25+$0x150];
	[tilespmem:s8+$0x1F0] =	vst v33  }
0x29a: {  	v33 =	vmul.f32 $1.442695020e+00, v31;
	[tilespmem:s8+$0x60] =	vst v4;
	v4 =	vmul.f32 v40, v41;
	v40 =	vld [tilespmem:s25+$0x200]  }
0x29b: {  	[tilespmem:s8+$0xFFFFFDE0] =	vst v35;
	v35 =	vmul.f32 v37, v46;
	v37 =	vbroadcast v21, $0x4;
	v41 =	vld [tilespmem:s25+$0x70]  }
0x29c: {  	v31 =	vadd.f32 v9, v42;
	v46 =	vbroadcast v14, $0x3;
	v42 =	vld [tilespmem:s25+$0xFFFFFDF0];
	v30 =	vmul.f32 v30, v38;
	[tilespmem:s8+$0xC0] =	vst v4  }
0x29d: {  	(erf) = vpow2.f32 v33;
	v4 =	vmul.f32 v45, v39;
	[tilespmem:s8+$0xFFFFFF10] =	vst v35;
	v33 =	vld [tilespmem:s25+$0xD0]  }
0x29e: {  	v9 =	vbroadcast v14, $0x7;
	v35 =	vld [tilespmem:s25+$0xFFFFFF20];
	[tilespmem:s8+$0xFFFFFFA0] =	vst v30;
	v30 =	vmul.f32 v36, v44  }
0x29f: {  	v36 =	vbroadcast v26, $0x3;
	[tilespmem:s8+$0xFFFFFE70] =	vst v4;
	v4 =	vld [tilespmem:s25+$0xFFFFFFB0];
	v32 =	vmul.f32 v40, v32  }
0x2a0: {  	v39 =	vbroadcast v27, $0x4;
	v38 =	vld [tilespmem:s25+$0xFFFFFE80];
	v34 =	vmul.f32 v41, v34;
	[tilespmem:s8+$0x150] =	vst v30  }
0x2a1: {  	[tilespmem:s21+$0x230] =	vst v43;
	v30 =	vmul.f32 v36, v42;
	v36 =	vbroadcast v6, $0x4;
	v40 =	vld [tilespmem:s25+$0x160]  }
0x2a2: {  	v41 =	vld [tilespmem:s10+$0x1B0];
	v33 =	vmul.f32 v33, v39;
	v39 =	vbroadcast v24, $0x4;
	[tilespmem:s8+$0x200] =	vst v32  }
0x2a3: {  	v32 =	vbroadcast v21, $0x5;
	[tilespmem:s8+$0xFFFFFDF0] =	vst v30;
	v30 =	vmul.f32 v35, v36;
	v35 =	vld [tilespmem:s25+$0x210]  }
0x2a4: {  	v43 =	vbroadcast v14, $0x4;
	v36 =	vadd.f32 v28, v20;
	v42 =	vld [tilespmem:s25+$0xFFFFFE00];
	v28 =	vmul.f32 v4, v37;
	[tilespmem:s8+$0xD0] =	vst v33  }
0x2a5: {  	v33 =	vbroadcast v3, $0x0;
	v37 =	vmul.f32 v46, v38;
	[tilespmem:s8+$0xFFFFFF20] =	vst v30;
	v30 =	vld [tilespmem:s25+$0xE0]  }
0x2a6: {  	v20 =	vbroadcast v26, $0x7;
	v4 =	vpop (erf);
	v38 =	vld [tilespmem:s25+$0xFFFFFF30];
	[tilespmem:s8+$0xFFFFFFB0] =	vst v28;
	v39 =	vmul.f32 v40, v39  }
0x2a7: {  	v40 =	vnsel vm0, $0x0, v4;
	v28 =	vmul.f32 v33, v41;
	v33 =	vbroadcast v26, $0x4;
	[tilespmem:s8+$0xFFFFFE80] =	vst v37;
	v37 =	vld [tilespmem:s25+$0xFFFFFFC0]  }
0x2a8: {  	v44 =	vbroadcast v27, $0x5;
	v41 =	vld [tilespmem:s25+$0xFFFFFE90];
	[tilespmem:s8+$0x160] =	vst v39;
	v29 =	vmul.f32 v35, v29  }
0x2a9: {  	v35 =	vbroadcast v6, $0x5;
	v33 =	vmul.f32 v42, v33;
	[tilespmem:s8+$0x70] =	vst v34;
	v34 =	vld [tilespmem:s25+$0x170]  }
0x2aa: {  	v39 =	vld [tilespmem:s10+$0xFFFFFE40];
	[tilespmem:s21+$0x80] =	vst v40;
	v30 =	vmul.f32 v30, v44;
	v40 =	vbroadcast v24, $0x5  }
0x2ab: {  	v42 =	vld [tilespmem:s10+$0x0];
	[tilespmem:s8+$0xFFFFFE00] =	vst v33;
	v33 =	vmul.f32 v38, v35;
	v35 =	vbroadcast v21, $0x6  }
0x2ac: {  	v38 =	vadd.f32 v22, v23;
	v23 =	vbroadcast v14, $0x5;
	v22 =	vld [tilespmem:s25+$0xFFFFFE10];
	v14 =	vmul.f32 v37, v32;
	[tilespmem:s8+$0xE0] =	vst v30  }
0x2ad: {  	v30 =	vbroadcast v4, $0x0;
	v32 =	vmul.f32 v41, v43;
	[tilespmem:s8+$0xFFFFFF30] =	vst v33;
	v37 =	vld [tilespmem:s25+$0xF0]  }
0x2ae: {  	v33 =	vbroadcast v24, $0x7;
	v41 =	vld [tilespmem:s25+$0xFFFFFF40];
	[tilespmem:s8+$0xFFFFFFC0] =	vst v14;
	v34 =	vmul.f32 v34, v40  }
0x2af: {  	v14 =	vbroadcast v4, $0x3;
	v40 =	vbroadcast v26, $0x5;
	[tilespmem:s8+$0xFFFFFE90] =	vst v32;
	v32 =	vld [tilespmem:s25+$0xFFFFFFD0]  }
0x2b0: {  	v27 =	vbroadcast v27, $0x6;
	v30 =	vmul.f32 v30, v42;
	v42 =	vld [tilespmem:s25+$0xFFFFFEA0];
	[tilespmem:s8+$0x170] =	vst v34  }
0x2b1: {  	v34 =	vbroadcast v6, $0x6;
	v22 =	vmul.f32 v22, v40;
	v40 =	vld [tilespmem:s25+$0x180];
	[tilespmem:s8+$0x210] =	vst v29  }
0x2b2: {  	v24 =	vbroadcast v24, $0x6;
	[tilespmem:s21+$0x0] =	vst v30;
	v27 =	vmul.f32 v37, v27;
	v29 =	vld [tilespmem:s25+$0x220]  }
0x2b3: {  	v30 =	vld [tilespmem:s10+$0x10];
	[tilespmem:s8+$0xFFFFFE10] =	vst v22;
	v34 =	vmul.f32 v41, v34;
	v22 =	vbroadcast v21, $0x7  }
0x2b4: {  	v37 =	vbroadcast v4, $0x1;
	v41 =	vld [tilespmem:s25+$0xFFFFFE20];
	v32 =	vmul.f32 v32, v35;
	[tilespmem:s8+$0xF0] =	vst v27  }
.Ltmp2:
0x2b5: {  	v21 =	vadd.f32 v10, v11;
	v35 =	vbroadcast v26, $0x6;
	v27 =	vld.msk [tilespmem:s17+$0xFFFFFFFA ss:$0x0], $0xffff;
	v10 =	vmul.f32 v42, v23;
	[tilespmem:s8+$0xFFFFFF40] =	vst v34;
	(pc) =	sbr.rel @p1 .LBB2_7-.Ltmp2, $4  }
0x2b6: {  	v16 =	vadd.f32 v16, v18;
	v11 =	vmul.f32 v15, v2;
	v15 =	vld [tilespmem:s25+$0xFFFFFF50];
	[tilespmem:s8+$0xFFFFFFD0] =	vst v32;
	v24 =	vmul.f32 v40, v24  }
0x2b7: {  	v19 =	vmul.f32 v19, v2;
	v18 =	vadd.f32 v13, v39;
	[tilespmem:s8+$0xFFFFFEA0] =	vst v10;
	v10 =	vld [tilespmem:s25+$0xFFFFFFE0];
	v29 =	vmul.f32 v29, v25  }
0x2b8: {  	v13 =	vbroadcast v4, $0x2;
	v25 =	vadd.f32 v38, v11;
	v23 =	vmul.f32 v37, v30;
	v11 =	vld [tilespmem:s25+$0xFFFFFEB0];
	[tilespmem:s8+$0x180] =	vst v24  }
0x2b9: {  	v19 =	vadd.f32 v36, v19;
	v26 =	vmul.f32 v17, v2;
	v24 =	vmul.f32 v41, v35;
	v17 =	vld [tilespmem:s25+$0x190];
	[tilespmem:s8+$0x220] =	vst v29  }
0x2ba: {  	v29 =	vmul.f32 $2.000000030e-01, v25;
	vm1 =	vgt.f32 v25, $0.0e+00  }
0x2bb: {  	v12 =	vmul.f32 v12, v2;
	v27 =	vmul.f32 v27, v2;
	v26 =	vadd.f32 v31, v26  }
0x2bc: {  	v62 =	vmul.f32 $2.000000030e-01, v16;
	vm2 =	vgt.f32 v19, $0.0e+00;
	v60 =	vmul.f32 $2.000000030e-01, v19  }
0x2bd: {  	v25 =	vsel vm1, v25, v29;
	v12 =	vadd.f32 v18, v12;
	v59 =	vmul.f32 $2.000000030e-01, v26  }
0x2be: {  	v21 =	vadd.f32 v21, v27;
	vm1 =	vgt.f32 v26, $0.0e+00;
	v25 =	vsub.f32 v25, v1  }
0x2bf: {  	v18 =	vsel vm2, v19, v60;
	vm2 =	vgt.f32 v16, $0.0e+00;
	v26 =	vsel vm1, v26, v59  }
0x2c0: {  	v61 =	vmul.f32 $2.000000030e-01, v12;
	v18 =	vsub.f32 v18, v1;
	v26 =	vsub.f32 v26, v1  }
0x2c1: {  	v16 =	vsel vm2, v16, v62;
	v63 =	vmul.f32 $2.000000030e-01, v21;
	v25 =	vmul.f32 $1.442695020e+00, v25  }
0x2c2: {  	vm1 =	vgt.f32 v12, $0.0e+00;
	v16 =	vsub.f32 v16, v1;
	v26 =	vmul.f32 $1.442695020e+00, v26  }
0x2c3: {  	v12 =	vsel vm1, v12, v61;
	v18 =	vmul.f32 $1.442695020e+00, v18;
	vm1 =	vgt.f32 v21, $0.0e+00  }
0x2c4: {  	v12 =	vsub.f32 v12, v1;
	v19 =	vsel vm1, v21, v63;
	(erf) = vpow2.f32 v26  }
0x2c5: {  	v16 =	vmul.f32 $1.442695020e+00, v16;
	v19 =	vsub.f32 v19, v1;
	(erf) = vpow2.f32 v25  }
0x2c6: {  	v12 =	vmul.f32 $1.442695020e+00, v12;
	(erf) = vpow2.f32 v18  }
0x2c7: {  	v26 =	vmul.f32 $1.442695020e+00, v19;
	v25 =	vld [tilespmem:s25+$0x100];
	(erf) = vpow2.f32 v16  }
0x2c8: {  	[tilespmem:s21+$0x10] =	vst v23;
	v35 =	vbroadcast v6, $0x7;
	(erf) = vpow2.f32 v12  }
0x2c9: {  	[tilespmem:s21+$0x1B0] =	vst v28;
	v10 =	vmul.f32 v10, v22;
	(erf) = vpow2.f32 v26  }
0x2ca: {  	[tilespmem:s8+$0xFFFFFE20] =	vst v24;
	v15 =	vmul.f32 v15, v35;
	v7 =	vmul.f32 v11, v7  }
0x2cb: {  	[tilespmem:s8+$0xFFFFFFE0] =	vst v10  }
0x2cc: {  	[tilespmem:s8+$0xFFFFFF50] =	vst v15;
	v5 =	vmul.f32 v25, v5  }
0x2cd: {  	[tilespmem:s8+$0xFFFFFEB0] =	vst v7;
	v11 =	vpop (erf)  }
0x2ce: {  	[tilespmem:s8+$0x100] =	vst v5;
	v7 =	vpop (erf);
	v29 =	vnsel vm0, $0x0, v11  }
0x2cf: {  	v28 =	vld [tilespmem:s25+$0xFFFFFE30];
	v10 =	vpop (erf);
	[tilespmem:s21+$0xFFFFFFF0] =	vst v29;
	v30 =	vnsel vm0, $0x0, v7  }
0x2d0: {  	v5 =	vpop (erf);
	v31 =	vld [tilespmem:s18+$0xFFFFFF70];
	[tilespmem:s21+$0x1A0] =	vst v30;
	v32 =	vnsel vm0, $0x0, v10  }
0x2d1: {  	v27 =	vmul.f32 v17, v33;
	v12 =	vpop (erf);
	v33 =	vld [tilespmem:s18+$0x120];
	[tilespmem:s21+$0x110] =	vst v32;
	v36 =	vnsel vm0, $0x0, v5  }
0x2d2: {  	v34 =	vnsel vm0, $0x0, v12;
	v37 =	vld [tilespmem:s18+$0x90];
	v6 =	vpop (erf);
	[tilespmem:s21+$0xFFFFFF60] =	vst v36  }
0x2d3: {  	v38 =	vbroadcast v11, $0x0;
	[tilespmem:s21+$0xFFFFFE40] =	vst v34;
	v39 =	vnsel vm0, $0x0, v6;
	v41 =	vld [tilespmem:s18+$0xFFFFFEE0]  }
0x2d4: {  	v16 =	vmul.f32 v28, v20;
	v42 =	vbroadcast v7, $0x0;
	v40 =	vld [tilespmem:s18+$0xFFFFFDC0];
	[tilespmem:s21+$0xFFFFFED0] =	vst v39  }
0x2d5: {  	[tilespmem:s8+$0x190] =	vst v27;
	v44 =	vbroadcast v10, $0x0;
	v43 =	vmul.f32 v38, v31;
	v45 =	vld [tilespmem:s18+$0xFFFFFE50]  }
0x2d6: {  	v46 =	vld [tilespmem:s10+$0x20];
	[tilespmem:s8+$0xFFFFFE30] =	vst v16;
	v50 =	vbroadcast v5, $0x0;
	v47 =	vmul.f32 v42, v33  }
0x2d7: {  	v49 =	vld [tilespmem:s18+$0x1C0];
	v48 =	vbroadcast v12, $0x0;
	[tilespmem:s21+$0xFFFFFF70] =	vst v43;
	v17 =	vmul.f32 v44, v37  }
0x2d8: {  	v52 =	vbroadcast v6, $0x0;
	v51 =	vld [tilespmem:s18+$0xFFFFFF80];
	[tilespmem:s21+$0x120] =	vst v47;
	v16 =	vmul.f32 v50, v41  }
0x2d9: {  	v19 =	vmul.f32 v48, v40;
	v53 =	vld [tilespmem:s18+$0x130];
	[tilespmem:s21+$0x90] =	vst v17  }
0x2da: {  	v17 =	vld [tilespmem:s18+$0xA0];
	v15 =	vmul.f32 v52, v45;
	[tilespmem:s21+$0xFFFFFEE0] =	vst v16  }
0x2db: {  	v13 =	vmul.f32 v13, v46;
	v54 =	vbroadcast v11, $0x1;
	[tilespmem:s21+$0xFFFFFDC0] =	vst v19;
	v56 =	vld [tilespmem:s18+$0xFFFFFEF0]  }
0x2dc: {  	v8 =	vmul.f32 v8, v49;
	v57 =	vbroadcast v7, $0x1;
	v55 =	vld [tilespmem:s18+$0xFFFFFDD0];
	[tilespmem:s21+$0xFFFFFE50] =	vst v15  }
0x2dd: {  	[tilespmem:s21+$0x20] =	vst v13;
	v59 =	vbroadcast v10, $0x1;
	v58 =	vmul.f32 v54, v51;
	v60 =	vld [tilespmem:s18+$0xFFFFFE60]  }
0x2de: {  	v61 =	vld [tilespmem:s25+$0xFFFFFEC0];
	[tilespmem:s21+$0x1C0] =	vst v8;
	v25 =	vbroadcast v5, $0x1;
	v62 =	vmul.f32 v57, v53  }
0x2df: {  	v24 =	vld [tilespmem:s18+$0x1D0];
	v63 =	vbroadcast v12, $0x1;
	v15 =	vmul.f32 v59, v17;
	[tilespmem:s21+$0xFFFFFF80] =	vst v58  }
0x2e0: {  	v26 =	vbroadcast v6, $0x1;
	[tilespmem:s21+$0x130] =	vst v62;
	v13 =	vld [tilespmem:s18+$0xFFFFFF90];
	v27 =	vmul.f32 v25, v56  }
0x2e1: {  	v16 =	vmul.f32 v63, v55;
	v28 =	vld [tilespmem:s18+$0x140];
	[tilespmem:s21+$0xA0] =	vst v15  }
0x2e2: {  	v29 =	vbroadcast v3, $0x2;
	v30 =	vld [tilespmem:s18+$0xB0];
	v8 =	vmul.f32 v26, v60;
	[tilespmem:s21+$0xFFFFFEF0] =	vst v27  }
0x2e3: {  	v9 =	vmul.f32 v61, v9;
	v31 =	vbroadcast v11, $0x2;
	[tilespmem:s21+$0xFFFFFDD0] =	vst v16;
	v33 =	vld [tilespmem:s18+$0xFFFFFF00]  }
0x2e4: {  	v34 =	vbroadcast v7, $0x2;
	v15 =	vmul.f32 v29, v24;
	v32 =	vld [tilespmem:s18+$0xFFFFFDE0];
	[tilespmem:s21+$0xFFFFFE60] =	vst v8  }
0x2e5: {  	[tilespmem:s8+$0xFFFFFEC0] =	vst v9;
	v35 =	vbroadcast v10, $0x2;
	v36 =	vmul.f32 v31, v13;
	v37 =	vld [tilespmem:s18+$0xFFFFFE70]  }
0x2e6: {  	v38 =	vld [tilespmem:s18+$0x30];
	v42 =	vbroadcast v5, $0x2;
	[tilespmem:s21+$0x1D0] =	vst v15;
	v39 =	vmul.f32 v34, v28  }
0x2e7: {  	v40 =	vbroadcast v12, $0x2;
	v41 =	vld [tilespmem:s18+$0x1E0];
	v8 =	vmul.f32 v35, v30;
	[tilespmem:s21+$0xFFFFFF90] =	vst v36  }
0x2e8: {  	v43 =	vbroadcast v6, $0x2;
	v44 =	vld [tilespmem:s18+$0xFFFFFFA0];
	[tilespmem:s21+$0x140] =	vst v39;
	v46 =	vmul.f32 v42, v33  }
0x2e9: {  	v45 =	vmul.f32 v40, v32;
	[tilespmem:s21+$0xB0] =	vst v8;
	v47 =	vld [tilespmem:s18+$0x150]  }
0x2ea: {  	v48 =	vbroadcast v3, $0x3;
	v49 =	vld [tilespmem:s18+$0xC0];
	v9 =	vmul.f32 v43, v37;
	[tilespmem:s21+$0xFFFFFF00] =	vst v46  }
0x2eb: {  	v50 =	vmul.f32 v14, v38;
	v51 =	vbroadcast v11, $0x3;
	[tilespmem:s21+$0xFFFFFDE0] =	vst v45;
	v17 =	vld [tilespmem:s18+$0xFFFFFF10]  }
0x2ec: {  	v53 =	vbroadcast v7, $0x3;
	v52 =	vmul.f32 v48, v41;
	v15 =	vld [tilespmem:s18+$0xFFFFFDF0];
	[tilespmem:s21+$0xFFFFFE70] =	vst v9  }
0x2ed: {  	[tilespmem:s21+$0x30] =	vst v50;
	v54 =	vbroadcast v10, $0x3;
	v55 =	vmul.f32 v51, v44;
	v56 =	vld [tilespmem:s18+$0xFFFFFE80]  }
0x2ee: {  	v57 =	vld [tilespmem:s18+$0x40];
	v60 =	vbroadcast v5, $0x3;
	[tilespmem:s21+$0x1E0] =	vst v52;
	v8 =	vmul.f32 v53, v47  }
0x2ef: {  	v58 =	vbroadcast v12, $0x3;
	v59 =	vld [tilespmem:s18+$0x1F0];
	v9 =	vmul.f32 v54, v49;
	[tilespmem:s21+$0xFFFFFFA0] =	vst v55  }
0x2f0: {  	v61 =	vbroadcast v6, $0x3;
	v62 =	vld [tilespmem:s18+$0xFFFFFFB0];
	[tilespmem:s21+$0x150] =	vst v8;
	v25 =	vmul.f32 v60, v17  }
0x2f1: {  	v24 =	vbroadcast v4, $0x4;
	v63 =	vmul.f32 v58, v15;
	[tilespmem:s21+$0xC0] =	vst v9;
	v26 =	vld [tilespmem:s18+$0x160]  }
0x2f2: {  	v27 =	vbroadcast v3, $0x4;
	v28 =	vld [tilespmem:s18+$0xD0];
	v29 =	vmul.f32 v61, v56;
	[tilespmem:s21+$0xFFFFFF10] =	vst v25  }
0x2f3: {  	v31 =	vbroadcast v11, $0x4;
	v30 =	vmul.f32 v57, v24;
	[tilespmem:s21+$0xFFFFFDF0] =	vst v63;
	v34 =	vld [tilespmem:s18+$0xFFFFFF20]  }
0x2f4: {  	v35 =	vbroadcast v7, $0x4;
	v33 =	vmul.f32 v59, v27;
	v32 =	vld [tilespmem:s18+$0xFFFFFE00];
	[tilespmem:s21+$0xFFFFFE80] =	vst v29  }
0x2f5: {  	v36 =	vbroadcast v10, $0x4;
	[tilespmem:s21+$0x40] =	vst v30;
	v37 =	vmul.f32 v62, v31;
	v38 =	vld [tilespmem:s18+$0xFFFFFE90]  }
0x2f6: {  	v42 =	vbroadcast v5, $0x4;
	v39 =	vld [tilespmem:s18+$0x50];
	[tilespmem:s21+$0x1F0] =	vst v33;
	v9 =	vmul.f32 v26, v35  }
0x2f7: {  	v40 =	vbroadcast v12, $0x4;
	v41 =	vld [tilespmem:s18+$0x200];
	v8 =	vmul.f32 v28, v36;
	[tilespmem:s21+$0xFFFFFFB0] =	vst v37  }
0x2f8: {  	v43 =	vbroadcast v6, $0x4;
	v44 =	vld [tilespmem:s18+$0xFFFFFFC0];
	[tilespmem:s21+$0x160] =	vst v9;
	v47 =	vmul.f32 v34, v42  }
0x2f9: {  	v46 =	vbroadcast v4, $0x5;
	v45 =	vmul.f32 v32, v40;
	[tilespmem:s21+$0xD0] =	vst v8;
	v48 =	vld [tilespmem:s18+$0x170]  }
0x2fa: {  	v49 =	vbroadcast v3, $0x5;
	v50 =	vld [tilespmem:s18+$0xE0];
	v51 =	vmul.f32 v38, v43;
	[tilespmem:s21+$0xFFFFFF20] =	vst v47  }
0x2fb: {  	v53 =	vbroadcast v11, $0x5;
	v52 =	vmul.f32 v39, v46;
	[tilespmem:s21+$0xFFFFFE00] =	vst v45;
	v56 =	vld [tilespmem:s18+$0xFFFFFF30]  }
0x2fc: {  	v57 =	vbroadcast v7, $0x5;
	v55 =	vmul.f32 v41, v49;
	v54 =	vld [tilespmem:s18+$0xFFFFFE10];
	[tilespmem:s21+$0xFFFFFE90] =	vst v51  }
0x2fd: {  	[tilespmem:s21+$0x50] =	vst v52;
	v58 =	vbroadcast v10, $0x5;
	v59 =	vmul.f32 v44, v53;
	v60 =	vld [tilespmem:s18+$0xFFFFFEA0]  }
0x2fe: {  	v24 =	vbroadcast v5, $0x5;
	v61 =	vld [tilespmem:s18+$0x60];
	[tilespmem:s21+$0x200] =	vst v55;
	v8 =	vmul.f32 v48, v57  }
0x2ff: {  	v62 =	vbroadcast v12, $0x5;
	v63 =	vld [tilespmem:s18+$0x210];
	v9 =	vmul.f32 v50, v58;
	[tilespmem:s21+$0xFFFFFFC0] =	vst v59  }
0x300: {  	v25 =	vbroadcast v6, $0x5;
	v26 =	vld [tilespmem:s18+$0xFFFFFFD0];
	[tilespmem:s21+$0x170] =	vst v8;
	v29 =	vmul.f32 v56, v24  }
0x301: {  	v28 =	vbroadcast v4, $0x6;
	v27 =	vmul.f32 v54, v62;
	[tilespmem:s21+$0xE0] =	vst v9;
	v30 =	vld [tilespmem:s18+$0x180]  }
0x302: {  	v31 =	vbroadcast v3, $0x6;
	v32 =	vld [tilespmem:s18+$0xF0];
	v33 =	vmul.f32 v60, v25;
	[tilespmem:s21+$0xFFFFFF30] =	vst v29  }
0x303: {  	v35 =	vbroadcast v11, $0x6;
	v34 =	vmul.f32 v61, v28;
	[tilespmem:s21+$0xFFFFFE10] =	vst v27;
	v38 =	vld [tilespmem:s18+$0xFFFFFF40]  }
0x304: {  	v39 =	vbroadcast v7, $0x6;
	v37 =	vmul.f32 v63, v31;
	v36 =	vld [tilespmem:s18+$0xFFFFFE20];
	[tilespmem:s21+$0xFFFFFEA0] =	vst v33  }
0x305: {  	v40 =	vbroadcast v10, $0x6;
	[tilespmem:s21+$0x60] =	vst v34;
	v41 =	vmul.f32 v26, v35;
	v42 =	vld [tilespmem:s18+$0xFFFFFEB0]  }
0x306: {  	v45 =	vbroadcast v5, $0x6;
	v43 =	vld [tilespmem:s18+$0x70];
	[tilespmem:s21+$0x210] =	vst v37;
	v9 =	vmul.f32 v30, v39  }
0x307: {  	v44 =	vbroadcast v12, $0x6;
	v46 =	vld [tilespmem:s18+$0x220];
	v8 =	vmul.f32 v32, v40;
	[tilespmem:s21+$0xFFFFFFD0] =	vst v41  }
0x308: {  	v47 =	vbroadcast v6, $0x6;
	v48 =	vld [tilespmem:s18+$0xFFFFFFE0];
	[tilespmem:s21+$0x180] =	vst v9;
	v51 =	vmul.f32 v38, v45  }
0x309: {  	v50 =	vbroadcast v4, $0x7;
	v49 =	vmul.f32 v36, v44;
	[tilespmem:s21+$0xF0] =	vst v8;
	v52 =	vld [tilespmem:s18+$0x190]  }
0x30a: {  	v3 =	vbroadcast v3, $0x7;
	v53 =	vld [tilespmem:s18+$0x100];
	v54 =	vmul.f32 v42, v47;
	[tilespmem:s21+$0xFFFFFF40] =	vst v51  }
0x30b: {  	v11 =	vbroadcast v11, $0x7;
	v4 =	vmul.f32 v43, v50;
	[tilespmem:s21+$0xFFFFFE20] =	vst v49;
	v56 =	vld [tilespmem:s18+$0xFFFFFF50]  }
0x30c: {  	v7 =	vbroadcast v7, $0x7;
	v3 =	vmul.f32 v46, v3;
	v55 =	vld [tilespmem:s18+$0xFFFFFE30];
	[tilespmem:s21+$0xFFFFFEB0] =	vst v54  }
0x30d: {  	v57 =	vbroadcast v10, $0x7;
	[tilespmem:s21+$0x70] =	vst v4;
	v58 =	vmul.f32 v48, v11;
	v59 =	vld [tilespmem:s18+$0xFFFFFEC0]  }
0x30e: {  	v5 =	vbroadcast v5, $0x7;
	[tilespmem:s21+$0x220] =	vst v3;
	v3 =	vmul.f32 v52, v7  }
0x30f: {  	v60 =	vbroadcast v12, $0x7;
	[tilespmem:s21+$0xFFFFFFE0] =	vst v58;
	v61 =	vmul.f32 v53, v57  }
0x310: {  	v6 =	vbroadcast v6, $0x7;
	[tilespmem:s21+$0x190] =	vst v3;
	v3 =	vmul.f32 v56, v5  }
0x311: {  	v62 =	vmul.f32 v55, v60;
	[tilespmem:s21+$0x100] =	vst v61  }
0x312: {  	v63 =	vmul.f32 v59, v6;
	[tilespmem:s21+$0xFFFFFF50] =	vst v3  }
0x313: {  	p1 =	seq.s32 s22, $0x3D;
	[tilespmem:s21+$0xFFFFFE30] =	vst v62  }
.Ltmp3:
0x314: {  	[tilespmem:s21+$0xFFFFFEC0] =	vst v63;
	(pc) =	sbr.rel @p1 .LBB2_10-.Ltmp3, $4  }
0x315: {  	[spmem:s4] =	stream.indirect.scatter.add.f32 [tilespmem:s19], [sflag:$0x5], $0x90, s29, s7, $0xb8;
	[tilespmem:$0x1F760] =	vst v63  }
0x316: {  	_ =	swait.ge [sflag:s0], $0x2D00  }
0x317: {  	[sflag:s0] =	ssyncset.done $0x0  }
0x318: {  	[sflag:s0] =	ssyncadd.s32 $0xFFFFD300  }
0x319: {  	s8 =	sadd.s32 s24, s12  }
0x31a: {  	s8 =	sshrl.u32 s8, $0x3  }
0x31b: {  	s8 =	sadd.s32 s1, s8  }
0x31c: {  	[tilespmem:s28], [sflag:$0x2] =	stream.linear.gather [hbm4b:s8+s5], $0x50, $0x38;
	[tilespmem:$0x1F760] =	vst v63  }
.Ltmp4:
0x31d: {  	_ = 	snop;
	(pc) =	sbr.rel .LBB2_4-.Ltmp4, $4  }
0x31e: {  	s10 =	sadd.s32 $0x9C40, s8  }
0x31f: {  	[tilespmem:s29], [sflag:$0x2] =	stream.linear.gather [hbm4b:s10+s5], $0x50, $0x38;
	[tilespmem:$0x1F760] =	vst v63  }
0x320: {  	s30 =	simm.s32 $0x1E0;
	s22 =	sadd.s32 $0x1, s22;
	s8 =	sadd.s32 $0x13880, s8  }
0x321: {  	[tilespmem:s30], [sflag:$0x2] =	stream.linear.gather [hbm4b:s8+s5], $0x50, $0x38;
	[tilespmem:$0x1F760] =	vst v63  }
.LBB2_10:
0x322: {  	_ =	swait.ge [sflag:s15], $0x2D00  }
0x323: {  	[sflag:s15] =	ssyncset.done $0x0  }
0x324: {  	[sflag:s15] =	ssyncadd.s32 $0xFFFFD300  }
0x325: {  	_ =	swait.ge [sflag:s15], $0x500  }
0x326: {  	[sflag:s15] =	ssyncset.done $0x0  }
0x327: {  	s17 =	simm.s32 $0x280;
	[sflag:s15] =	ssyncadd.s32 $0xFFFFFB00  }
0x328: {  	s22 =	simm.s32 $0xE80;
	v3 =	vld [tilespmem:s17+$0x30]  }
0x329: {  	s10 =	simm.s32 $0xC7;
	v4 =	vld [tilespmem:s22+$0x230]  }
0x32a: {  	v5 =	vld.msk [tilespmem:s10+$0x0 ss:$0x0], $0xffff  }
0x32b: {  	v6 =	vld [tilespmem:s22+$0x80]  }
0x32c: {  	v7 =	vld [tilespmem:s17+$0x0]  }
0x32d: {  	v8 =	vld.msk [tilespmem:s10+$0xFFFFFFFD ss:$0x0], $0xffff;
	_ =	sdelay $0x3  }
0x32e: {  	v3 =	vadd.f32 v3, v4;
	v4 =	vmul.f32 v5, v2  }
0x32f: {  	v5 =	vadd.f32 v7, v6;
	v6 =	vmul.f32 v8, v2  }
0x330: {  	v3 =	vadd.f32 v3, v4  }
0x331: {  	v4 =	vadd.f32 v5, v6  }
0x332: {  	v5 =	vmul.f32 $2.000000030e-01, v3  }
0x333: {  	vm1 =	vgt.f32 v3, $0.0e+00;
	v6 =	vmul.f32 $2.000000030e-01, v4  }
0x334: {  	v3 =	vsel vm1, v3, v5;
	vm1 =	vgt.f32 v4, $0.0e+00  }
0x335: {  	v3 =	vsub.f32 v3, v1;
	v4 =	vsel vm1, v4, v6  }
0x336: {  	v4 =	vsub.f32 v4, v1  }
0x337: {  	v3 =	vmul.f32 $1.442695020e+00, v3  }
0x338: {  	v4 =	vmul.f32 $1.442695020e+00, v4  }
0x339: {  	(erf) = vpow2.f32 v3  }
0x33a: {  	(erf) = vpow2.f32 v4;
	_ =	sdelay $0x2  }
0x33b: {  	v9 =	vld.msk [tilespmem:s10+$0xFFFFFFFB ss:$0x0], $0xffff  }
0x33c: {  	v10 =	vld [tilespmem:s17+$0xFFFFFFC0]  }
0x33d: {  	v11 =	vld.msk [tilespmem:s10+$0xFFFFFFFF ss:$0x0], $0xffff  }
0x33e: {  	v13 =	vld [tilespmem:s17+$0x20]  }
0x33f: {  	v14 =	vld [tilespmem:s22+$0x1A0]  }
0x340: {  	v15 =	vld [tilespmem:s22+$0x110];
	v4 =	vpop (erf)  }
0x341: {  	v16 =	vld.msk [tilespmem:s10+$0xFFFFFFFC ss:$0x0], $0xffff;
	v3 =	vpop (erf)  }
0x342: {  	s8 =	simm.s32 $0x6880;
	v18 =	vld [tilespmem:s17+$0x10];
	v12 =	vnsel vm0, $0x0, v3  }
0x343: {  	v19 =	vld [tilespmem:s17+$0xFFFFFFF0];
	[tilespmem:s8+$0x80] =	vst v12  }
0x344: {  	v12 =	vld [tilespmem:s22+$0x0]  }
0x345: {  	v21 =	vld.msk [tilespmem:s10+$0xFFFFFFFE ss:$0x0], $0xffff  }
0x346: {  	v23 =	vld [tilespmem:s22+$0xFFFFFE40]  }
0x347: {  	v7 =	vld [tilespmem:s17+$0xFFFFFFE0];
	v17 =	vbroadcast v3, $0x0  }
0x348: {  	v8 =	vld [tilespmem:s22+$0xFFFFFF60]  }
0x349: {  	v12 =	vmul.f32 v17, v12;
	v17 =	vld [tilespmem:s22+$0xFFFFFFF0]  }
0x34a: {  	v5 =	vld [tilespmem:s17+$0xFFFFFFD0]  }
0x34b: {  	v6 =	vld [tilespmem:s22+$0xFFFFFED0];
	[tilespmem:s8+$0x0] =	vst v12  }
0x34c: {  	v9 =	vmul.f32 v9, v2;
	v15 =	vadd.f32 v18, v15;
	v12 =	vld [tilespmem:s22+$0x10]  }
0x34d: {  	v13 =	vadd.f32 v13, v14;
	v11 =	vmul.f32 v11, v2;
	v20 =	vnsel vm0, $0x0, v4  }
0x34e: {  	v24 =	vld.msk [tilespmem:s10+$0xFFFFFFF9 ss:$0x0], $0xffff;
	v14 =	vmul.f32 v16, v2;
	v16 =	vadd.f32 v10, v23;
	[tilespmem:s8+$0x230] =	vst v20;
	v17 =	vadd.f32 v19, v17  }
0x34f: {  	v13 =	vadd.f32 v13, v11;
	v7 =	vadd.f32 v7, v8;
	v18 =	vbroadcast v3, $0x1;
	v20 =	vld [tilespmem:s22+$0x1B0]  }
0x350: {  	v5 =	vadd.f32 v5, v6;
	v6 =	vld.msk [tilespmem:s10+$0xFFFFFFFA ss:$0x0], $0xffff;
	v14 =	vadd.f32 v17, v14  }
0x351: {  	s24 =	simm.s32 $0x300;
	v7 =	vadd.f32 v7, v9;
	v9 =	vmul.f32 v21, v2;
	v12 =	vmul.f32 v18, v12  }
0x352: {  	v29 =	vld [tilespmem:s24+$0x10];
	vm1 =	vgt.f32 v13, $0.0e+00;
	v22 =	vbroadcast v4, $0x0;
	v17 =	vmul.f32 $2.000000030e-01, v14  }
0x353: {  	v32 =	vld [tilespmem:s24+$0xFFFFFFF0];
	v9 =	vadd.f32 v15, v9;
	v15 =	vmul.f32 v24, v2;
	vm2 =	vgt.f32 v14, $0.0e+00;
	[tilespmem:s8+$0x10] =	vst v12  }
0x354: {  	v19 =	vmul.f32 v22, v20;
	v20 =	vmul.f32 $2.000000030e-01, v13;
	v12 =	vld [tilespmem:s22+$0x20];
	v14 =	vsel vm2, v14, v17  }
0x355: {  	v53 =	vld [tilespmem:s24+$0x0];
	v15 =	vadd.f32 v16, v15;
	v6 =	vmul.f32 v6, v2;
	v14 =	vsub.f32 v14, v1  }
0x356: {  	v10 =	vld [tilespmem:s24+$0xFFFFFFD0];
	s17 =	simm.s32 $0xCF;
	v22 =	vmul.f32 $2.000000030e-01, v7;
	v13 =	vsel vm1, v13, v20;
	v20 =	vmul.f32 $2.000000030e-01, v9  }
0x357: {  	v44 =	vld.msk [tilespmem:s17+$0xFFFFFFFD ss:$0x0], $0xffff;
	vm1 =	vgt.f32 v9, $0.0e+00;
	v18 =	vbroadcast v3, $0x2;
	v14 =	vmul.f32 $1.442695020e+00, v14  }
0x358: {  	v16 =	vld [tilespmem:s24+$0xFFFFFFE0];
	[tilespmem:s8+$0x1B0] =	vst v19;
	v21 =	vsub.f32 v13, v1;
	v9 =	vsel vm1, v9, v20;
	vm2 =	vgt.f32 v7, $0.0e+00  }
0x359: {  	s10 =	simm.s32 $0x1300;
	v20 =	vld [tilespmem:s22+$0x1C0];
	v7 =	vsel vm2, v7, v22;
	v12 =	vmul.f32 v18, v12;
	(erf) = vpow2.f32 v14  }
0x35a: {  	v11 =	vld [tilespmem:s10+$0xFFFFFED0];
	v8 =	vbroadcast v4, $0x1;
	v9 =	vsub.f32 v9, v1;
	v7 =	vsub.f32 v7, v1  }
0x35b: {  	v5 =	vadd.f32 v5, v6;
	v6 =	vld.msk [tilespmem:s17+$0xFFFFFFFB ss:$0x0], $0xffff;
	v19 =	vmul.f32 $2.000000030e-01, v15;
	v14 =	vmul.f32 $1.442695020e+00, v21;
	[tilespmem:s8+$0x20] =	vst v12  }
0x35c: {  	vm1 =	vgt.f32 v15, $0.0e+00;
	v9 =	vmul.f32 $1.442695020e+00, v9;
	v7 =	vmul.f32 $1.442695020e+00, v7;
	v23 =	vld [tilespmem:s22+$0x30]  }
0x35d: {  	v13 =	vld [tilespmem:s24+$0xFFFFFFC0];
	v19 =	vsel vm1, v15, v19;
	v12 =	vmul.f32 $2.000000030e-01, v5;
	(erf) = vpow2.f32 v14  }
0x35e: {  	v15 =	vld.msk [tilespmem:s17+$0xFFFFFFFF ss:$0x0], $0xffff;
	vm1 =	vgt.f32 v5, $0.0e+00;
	v8 =	vmul.f32 v8, v20;
	(erf) = vpow2.f32 v9  }
0x35f: {  	v17 =	vld [tilespmem:s10+$0xFFFFFF60];
	v5 =	vsel vm1, v5, v12;
	v12 =	vbroadcast v3, $0x3;
	(erf) = vpow2.f32 v7  }
0x360: {  	v22 =	vld [tilespmem:s10+$0x110];
	v14 =	vsub.f32 v19, v1  }
0x361: {  	v18 =	vld [tilespmem:s24+$0x20];
	[tilespmem:s8+$0x1C0] =	vst v8;
	v12 =	vmul.f32 v12, v23  }
0x362: {  	v9 =	vld [tilespmem:s22+$0x1D0];
	v8 =	vmul.f32 $1.442695020e+00, v14;
	v25 =	vpop (erf)  }
0x363: {  	v21 =	vld [tilespmem:s10+$0x1A0];
	[tilespmem:s8+$0x30] =	vst v12;
	v12 =	vnsel vm0, $0x0, v25  }
0x364: {  	v5 =	vsub.f32 v5, v1;
	(erf) = vpow2.f32 v8;
	v14 =	vld [tilespmem:s22+$0x40];
	[tilespmem:s8+$0xFFFFFFF0] =	vst v12  }
0x365: {  	v28 =	vbroadcast v3, $0x4;
	v20 =	vbroadcast v4, $0x2;
	v12 =	vld [tilespmem:s22+$0xFFFFFF70]  }
0x366: {  	v37 =	vbroadcast v3, $0x5;
	v7 =	vld [tilespmem:s24+$0x30];
	v5 =	vmul.f32 $1.442695020e+00, v5;
	v27 =	vpop (erf)  }
0x367: {  	v24 =	vmul.f32 v6, v2;
	v8 =	vld [tilespmem:s10+$0x230];
	v9 =	vmul.f32 v20, v9;
	v26 =	vnsel vm0, $0x0, v27;
	v31 =	vpop (erf)  }
0x368: {  	(erf) = vpow2.f32 v5;
	v5 =	vld.msk [tilespmem:s17+$0x0 ss:$0x0], $0xffff;
	v20 =	vbroadcast v25, $0x0;
	[tilespmem:s8+$0x1A0] =	vst v26;
	v26 =	vnsel vm0, $0x0, v31;
	v6 =	vpop (erf)  }
0x369: {  	v23 =	vld.msk [tilespmem:s17+$0xFFFFFFFE ss:$0x0], $0xffff;
	v51 =	vbroadcast v25, $0x1;
	[tilespmem:s8+$0x110] =	vst v26;
	v28 =	vmul.f32 v14, v28;
	v14 =	vnsel vm0, $0x0, v6  }
0x36a: {  	v16 =	vadd.f32 v16, v17;
	v60 =	vbroadcast v25, $0x2;
	[tilespmem:s8+$0xFFFFFF60] =	vst v14;
	v12 =	vmul.f32 v20, v12;
	v20 =	vld [tilespmem:s22+$0x90]  }
0x36b: {  	v29 =	vadd.f32 v29, v22;
	v22 =	vbroadcast v25, $0x7;
	v36 =	vbroadcast v27, $0x0;
	v35 =	vld [tilespmem:s22+$0xFFFFFEE0]  }
0x36c: {  	v16 =	vadd.f32 v16, v24;
	v52 =	vbroadcast v27, $0x1;
	v49 =	vbroadcast v31, $0x0;
	v33 =	vld [tilespmem:s22+$0x120];
	[tilespmem:s8+$0x40] =	vst v28  }
0x36d: {  	v8 =	vadd.f32 v7, v8;
	v55 =	vbroadcast v31, $0x1;
	v34 =	vmul.f32 v5, v2;
	v30 =	vpop (erf);
	[tilespmem:s8+$0xFFFFFF70] =	vst v12;
	v12 =	vld [tilespmem:s22+$0x50]  }
0x36e: {  	v19 =	vld.msk [tilespmem:s17+$0xFFFFFFFC ss:$0x0], $0xffff;
	[tilespmem:s8+$0x1D0] =	vst v9;
	v46 =	vbroadcast v31, $0x2;
	v9 =	vbroadcast v6, $0x0;
	v39 =	vnsel vm0, $0x0, v30  }
0x36f: {  	v50 =	vld [tilespmem:s22+$0x1E0];
	v24 =	vmul.f32 v23, v2;
	v8 =	vadd.f32 v8, v34;
	[tilespmem:s8+$0xFFFFFE40] =	vst v39;
	v20 =	vmul.f32 v49, v20  }
0x370: {  	v5 =	vbroadcast v31, $0x7;
	v39 =	vld [tilespmem:s22+$0xFFFFFDC0];
	v9 =	vmul.f32 v9, v35  }
0x371: {  	v40 =	vmul.f32 $2.000000030e-01, v8;
	v36 =	vmul.f32 v36, v33;
	v38 =	vld [tilespmem:s22+$0xFFFFFF80];
	[tilespmem:s8+$0x90] =	vst v20  }
0x372: {  	v26 =	vbroadcast v4, $0x7;
	vm1 =	vgt.f32 v8, $0.0e+00;
	v14 =	vpop (erf);
	[tilespmem:s8+$0xFFFFFEE0] =	vst v9;
	v9 =	vmul.f32 v12, v37;
	v12 =	vld [tilespmem:s22+$0xA0]  }
0x373: {  	v54 =	vbroadcast v30, $0x0;
	v42 =	vnsel vm0, $0x0, v14;
	v8 =	vsel vm1, v8, v40;
	[tilespmem:s8+$0x120] =	vst v36;
	v43 =	vld [tilespmem:s22+$0xFFFFFEF0]  }
0x374: {  	v57 =	vbroadcast v6, $0x1;
	v34 =	vld [tilespmem:s10+$0xFFFFFFF0];
	v33 =	vbroadcast v4, $0x6;
	[tilespmem:s8+$0xFFFFFED0] =	vst v42;
	v8 =	vsub.f32 v8, v1  }
0x375: {  	v41 =	vbroadcast v14, $0x0;
	v56 =	vmul.f32 v54, v39;
	[tilespmem:s8+$0x50] =	vst v9;
	v9 =	vld [tilespmem:s22+$0xFFFFFE50]  }
0x376: {  	v36 =	vld [tilespmem:s22+$0x130];
	v8 =	vmul.f32 $1.442695020e+00, v8;
	v35 =	vmul.f32 v51, v38  }
0x377: {  	v28 =	vld [tilespmem:s10+$0x80];
	v20 =	vbroadcast v4, $0x3;
	[tilespmem:s8+$0xFFFFFDC0] =	vst v56;
	v12 =	vmul.f32 v55, v12  }
0x378: {  	(erf) = vpow2.f32 v8;
	v8 =	vld [tilespmem:s22+$0xFFFFFDD0];
	[tilespmem:s8+$0xFFFFFF80] =	vst v35;
	v59 =	vmul.f32 v57, v43  }
0x379: {  	v7 =	vbroadcast v14, $0x6;
	v20 =	vmul.f32 v20, v50;
	v58 =	vld [tilespmem:s22+$0x60];
	[tilespmem:s8+$0xA0] =	vst v12  }
0x37a: {  	v62 =	vbroadcast v14, $0x1;
	v9 =	vmul.f32 v41, v9;
	[tilespmem:s8+$0xFFFFFEF0] =	vst v59;
	v63 =	vld [tilespmem:s22+$0xB0]  }
0x37b: {  	v47 =	vbroadcast v14, $0x5;
	v36 =	vmul.f32 v52, v36;
	[tilespmem:s8+$0x1E0] =	vst v20;
	v48 =	vld [tilespmem:s22+$0xFFFFFF00]  }
0x37c: {  	v50 =	vmul.f32 v44, v2;
	v45 =	vld [tilespmem:s22+$0xFFFFFF90];
	v12 =	vbroadcast v30, $0x1;
	[tilespmem:s8+$0xFFFFFE50] =	vst v9  }
0x37d: {  	v35 =	vbroadcast v3, $0x7;
	v3 =	vbroadcast v3, $0x6;
	[tilespmem:s8+$0x130] =	vst v36;
	v20 =	vld [tilespmem:s22+$0xFFFFFE60]  }
0x37e: {  	v61 =	vld [tilespmem:s22+$0x140];
	v9 =	vbroadcast v6, $0x2;
	v8 =	vmul.f32 v12, v8  }
0x37f: {  	v28 =	vadd.f32 v53, v28;
	v51 =	vld [tilespmem:s22+$0x1F0];
	v42 =	vmul.f32 v58, v3;
	v3 =	vmul.f32 v46, v63  }
0x380: {  	v49 =	vbroadcast v27, $0x2;
	v44 =	vld [tilespmem:s10+$0xFFFFFE40];
	[tilespmem:s8+$0xFFFFFDD0] =	vst v8;
	v8 =	vmul.f32 v9, v48  }
0x381: {  	v37 =	vbroadcast v4, $0x4;
	v28 =	vadd.f32 v28, v50;
	v36 =	vmul.f32 v60, v45;
	v52 =	vld [tilespmem:s22+$0xFFFFFDE0];
	[tilespmem:s8+$0xB0] =	vst v3  }
0x382: {  	v4 =	vbroadcast v4, $0x5;
	v20 =	vmul.f32 v62, v20;
	[tilespmem:s8+$0xFFFFFF00] =	vst v8;
	v54 =	vld [tilespmem:s22+$0xC0]  }
0x383: {  	v53 =	vmul.f32 $2.000000030e-01, v28;
	[tilespmem:s8+$0xFFFFFF90] =	vst v36;
	v56 =	vmul.f32 v49, v61;
	v55 =	vld [tilespmem:s22+$0xFFFFFF10]  }
0x384: {  	vm1 =	vgt.f32 v28, $0.0e+00;
	v57 =	vbroadcast v30, $0x2;
	v37 =	vmul.f32 v51, v37;
	[tilespmem:s8+$0xFFFFFE60] =	vst v20;
	v20 =	vld [tilespmem:s22+$0xFFFFFFA0]  }
0x385: {  	v41 =	vbroadcast v14, $0x2;
	v28 =	vsel vm1, v28, v53;
	v59 =	vbroadcast v31, $0x3;
	[tilespmem:s8+$0x140] =	vst v56;
	v58 =	vld [tilespmem:s22+$0xFFFFFE70]  }
0x386: {  	v28 =	vsub.f32 v28, v1;
	v61 =	vbroadcast v6, $0x3;
	[tilespmem:s8+$0x1F0] =	vst v37;
	v62 =	vld [tilespmem:s22+$0x150];
	v38 =	vmul.f32 v57, v52  }
0x387: {  	[tilespmem:s8+$0x60] =	vst v42;
	v9 =	vbroadcast v25, $0x3;
	v48 =	vld [tilespmem:s22+$0x200];
	v63 =	vmul.f32 v59, v54  }
0x388: {  	v28 =	vmul.f32 $1.442695020e+00, v28;
	v42 =	vld [tilespmem:s22+$0x70];
	[tilespmem:s8+$0xFFFFFDE0] =	vst v38;
	v49 =	vmul.f32 v61, v55  }
0x389: {  	v60 =	vbroadcast v27, $0x3;
	v51 =	vld [tilespmem:s22+$0xFFFFFDF0];
	v20 =	vmul.f32 v9, v20;
	[tilespmem:s8+$0xC0] =	vst v63  }
0x38a: {  	v3 =	vpop (erf);
	(erf) = vpow2.f32 v28;
	v28 =	vmul.f32 v41, v58;
	[tilespmem:s8+$0xFFFFFF10] =	vst v49;
	v37 =	vld [tilespmem:s22+$0xD0]  }
0x38b: {  	v50 =	vbroadcast v25, $0x4;
	[tilespmem:s8+$0xFFFFFFA0] =	vst v20;
	v20 =	vmul.f32 v60, v62;
	v38 =	vld [tilespmem:s22+$0xFFFFFF20]  }
0x38c: {  	v53 =	vbroadcast v30, $0x3;
	v4 =	vmul.f32 v48, v4;
	[tilespmem:s8+$0xFFFFFE70] =	vst v28;
	v28 =	vld [tilespmem:s22+$0xFFFFFFB0]  }
0x38d: {  	v45 =	vbroadcast v14, $0x4;
	v56 =	vbroadcast v31, $0x4;
	v55 =	vld [tilespmem:s22+$0xFFFFFE80];
	[tilespmem:s8+$0x150] =	vst v20  }
0x38e: {  	s21 =	simm.s32 $0x6D00;
	v57 =	vbroadcast v6, $0x4;
	v54 =	vnsel vm0, $0x0, v3;
	[tilespmem:s8+$0x200] =	vst v4;
	v20 =	vmul.f32 v53, v51;
	v58 =	vld [tilespmem:s22+$0x160]  }
0x38f: {  	v36 =	vbroadcast v25, $0x5;
	[tilespmem:s21+$0x230] =	vst v54;
	v61 =	vld [tilespmem:s22+$0x210];
	v37 =	vmul.f32 v37, v56  }
0x390: {  	v52 =	vbroadcast v14, $0x3;
	v59 =	vld [tilespmem:s10+$0x1B0];
	[tilespmem:s8+$0xFFFFFDF0] =	vst v20;
	v4 =	vmul.f32 v38, v57  }
0x391: {  	v60 =	vbroadcast v27, $0x4;
	v62 =	vld [tilespmem:s22+$0xFFFFFE00];
	v28 =	vmul.f32 v28, v50;
	[tilespmem:s8+$0xD0] =	vst v37  }
0x392: {  	v35 =	vmul.f32 v42, v35;
	v48 =	vmul.f32 v52, v55;
	[tilespmem:s8+$0xFFFFFF20] =	vst v4;
	v49 =	vld [tilespmem:s22+$0xE0]  }
0x393: {  	v8 =	vbroadcast v3, $0x1;
	[tilespmem:s8+$0xFFFFFFB0] =	vst v28;
	v39 =	vmul.f32 v58, v60;
	v50 =	vld [tilespmem:s22+$0xFFFFFF30]  }
0x394: {  	v9 =	vbroadcast v14, $0x7;
	v51 =	vbroadcast v30, $0x4;
	[tilespmem:s8+$0xFFFFFE80] =	vst v48;
	v52 =	vld [tilespmem:s22+$0xFFFFFFC0]  }
0x395: {  	v54 =	vbroadcast v31, $0x5;
	v63 =	vbroadcast v3, $0x0;
	v4 =	vpop (erf);
	v53 =	vld [tilespmem:s22+$0xFFFFFE90];
	[tilespmem:s8+$0x160] =	vst v39  }
0x396: {  	[tilespmem:s8+$0x70] =	vst v35;
	v56 =	vbroadcast v6, $0x5;
	v37 =	vmul.f32 v62, v51;
	v55 =	vnsel vm0, $0x0, v4;
	v57 =	vld [tilespmem:s22+$0x170]  }
0x397: {  	v12 =	vld.msk [tilespmem:s17+$0xFFFFFFF9 ss:$0x0], $0xffff;
	v38 =	vmul.f32 v61, v33;
	[tilespmem:s21+$0x80] =	vst v55;
	v58 =	vmul.f32 v49, v54  }
0x398: {  	v28 =	vmul.f32 v63, v59;
	[tilespmem:s8+$0xFFFFFE00] =	vst v37;
	v60 =	vld [tilespmem:s10+$0x0];
	v61 =	vmul.f32 v50, v56  }
0x399: {  	v59 =	vbroadcast v27, $0x5;
	v62 =	vld [tilespmem:s22+$0xFFFFFE10];
	v14 =	vmul.f32 v52, v36;
	[tilespmem:s8+$0xE0] =	vst v58  }
0x39a: {  	v20 =	vbroadcast v30, $0x7;
	v48 =	vmul.f32 v53, v45;
	[tilespmem:s8+$0xFFFFFF30] =	vst v61;
	v49 =	vld [tilespmem:s22+$0xF0]  }
0x39b: {  	v63 =	vbroadcast v4, $0x0;
	[tilespmem:s8+$0xFFFFFFC0] =	vst v14;
	v35 =	vmul.f32 v57, v59;
	v50 =	vld [tilespmem:s22+$0xFFFFFF40]  }
0x39c: {  	v33 =	vbroadcast v27, $0x7;
	v51 =	vbroadcast v30, $0x5;
	[tilespmem:s8+$0xFFFFFE90] =	vst v48;
	v52 =	vld [tilespmem:s22+$0xFFFFFFD0]  }
0x39d: {  	v54 =	vbroadcast v31, $0x6;
	v36 =	vmul.f32 v63, v60;
	v53 =	vld [tilespmem:s22+$0xFFFFFEA0];
	[tilespmem:s8+$0x170] =	vst v35  }
0x39e: {  	[tilespmem:s8+$0x210] =	vst v38;
	v55 =	vbroadcast v6, $0x6;
	v17 =	vmul.f32 v62, v51;
	v56 =	vld [tilespmem:s22+$0x180]  }
0x39f: {  	v39 =	vbroadcast v25, $0x6;
	v25 =	vadd.f32 v18, v21;
	v59 =	vld [tilespmem:s22+$0x220];
	[tilespmem:s21+$0x0] =	vst v36;
	v57 =	vmul.f32 v49, v54  }
0x3a0: {  	v21 =	vadd.f32 v10, v11;
	v11 =	vmul.f32 v15, v2;
	[tilespmem:s8+$0xFFFFFE10] =	vst v17;
	v60 =	vld [tilespmem:s10+$0x10];
	v17 =	vmul.f32 v50, v55  }
0x3a1: {  	v58 =	vbroadcast v27, $0x6;
	v62 =	vld [tilespmem:s22+$0xFFFFFE20];
	v18 =	vmul.f32 v52, v39;
	[tilespmem:s8+$0xF0] =	vst v57  }
0x3a2: {  	v30 =	vbroadcast v30, $0x6;
	v27 =	vld.msk [tilespmem:s17+$0xFFFFFFFA ss:$0x0], $0xffff;
	v10 =	vmul.f32 v53, v47;
	[tilespmem:s8+$0xFFFFFF40] =	vst v17  }
0x3a3: {  	v25 =	vadd.f32 v25, v11;
	v61 =	vbroadcast v4, $0x1;
	[tilespmem:s8+$0xFFFFFFD0] =	vst v18;
	v17 =	vmul.f32 v56, v58;
	v15 =	vld [tilespmem:s22+$0xFFFFFF50]  }
0x3a4: {  	v31 =	vadd.f32 v32, v34;
	v14 =	vbroadcast v4, $0x3;
	v63 =	vmul.f32 v59, v26;
	[tilespmem:s8+$0xFFFFFEA0] =	vst v10;
	v10 =	vld [tilespmem:s22+$0xFFFFFFE0]  }
0x3a5: {  	v26 =	vmul.f32 v19, v2;
	v19 =	vadd.f32 v29, v24;
	v23 =	vmul.f32 v61, v60;
	v11 =	vld [tilespmem:s22+$0xFFFFFEB0];
	[tilespmem:s8+$0x180] =	vst v17  }
0x3a6: {  	s25 =	simm.s32 $0x8;
	s18 =	simm.s32 $0x1300;
	[tilespmem:s8+$0x220] =	vst v63;
	v18 =	vadd.f32 v13, v44;
	v13 =	vbroadcast v4, $0x2;
	v24 =	vmul.f32 v62, v30;
	v17 =	vld [tilespmem:s22+$0x190]  }
.LBB2_11:
0x3a7: {  	s25 =	sadd.s32 $0x8, s25;
	[tilespmem:s21+$0x10] =	vst v23;
	vm2 =	vgt.f32 v25, $0.0e+00;
	v23 =	vmul.f32 $2.000000030e-01, v25;
	v6 =	vbroadcast v6, $0x7;
	v29 =	vld [tilespmem:s22+$0x100]  }
0x3a8: {  	v27 =	vmul.f32 v27, v2;
	p1 =	slt.u32 s25, $0x48;
	v26 =	vadd.f32 v31, v26;
	v30 =	vld [tilespmem:s10+$0x20];
	vm1 =	vgt.f32 v19, $0.0e+00;
	[tilespmem:s8+$0xFFFFFE20] =	vst v24  }
0x3a9: {  	v12 =	vmul.f32 v12, v2;
	s24 =	sadd.s32 $0x80, s24;
	v23 =	vsel vm2, v25, v23;
	v24 =	vld [tilespmem:s22+$0xFFFFFE30];
	v22 =	vmul.f32 v10, v22  }
0x3aa: {  	s10 =	sadd.s32 $0x480, s10;
	v10 =	vld [tilespmem:s24+$0xFFFFFFD0];
	vm2 =	vgt.f32 v26, $0.0e+00;
	v25 =	vmul.f32 $2.000000030e-01, v26;
	v7 =	vmul.f32 v11, v7  }
0x3ab: {  	v31 =	vmul.f32 $2.000000030e-01, v19;
	v23 =	vsub.f32 v23, v1;
	v11 =	vld [tilespmem:s10+$0xFFFFFED0];
	[tilespmem:s8+$0xFFFFFFE0] =	vst v22;
	v17 =	vmul.f32 v17, v33  }
0x3ac: {  	v12 =	vadd.f32 v18, v12;
	v6 =	vmul.f32 v15, v6;
	v32 =	vld [tilespmem:s24+$0xFFFFFFE0];
	v18 =	vsel vm2, v26, v25;
	[tilespmem:s8+$0xFFFFFEB0] =	vst v7  }
0x3ad: {  	v5 =	vmul.f32 v29, v5;
	v7 =	vsub.f32 v18, v1;
	v18 =	vmul.f32 $1.442695020e+00, v23;
	[tilespmem:s21+$0x1B0] =	vst v28;
	v25 =	vld [tilespmem:s22+$0xFFFFFEC0];
	s22 =	smov.u32 s18;
	s18 =	smov.u32 s10  }
0x3ae: {  	v19 =	vsel vm1, v19, v31;
	v15 =	vmul.f32 $2.000000030e-01, v12;
	v26 =	vld [tilespmem:s10+$0xFFFFFF60];
	v20 =	vmul.f32 v24, v20;
	[tilespmem:s8+$0x190] =	vst v17  }
0x3af: {  	s17 =	sadd.s32 $0x8, s17;
	vm1 =	vgt.f32 v12, $0.0e+00;
	v17 =	vadd.f32 v21, v27;
	v7 =	vmul.f32 $1.442695020e+00, v7;
	v21 =	vld [tilespmem:s22+$0x1C0];
	[tilespmem:s8+$0x100] =	vst v5  }
0x3b0: {  	v22 =	vmul.f32 $2.000000030e-01, v16;
	v19 =	vsub.f32 v19, v1;
	v23 =	vmul.f32 v13, v30;
	v5 =	vld.msk [tilespmem:s17+$0xFFFFFFFB ss:$0x0], $0xffff;
	[tilespmem:s8+$0xFFFFFE30] =	vst v20  }
0x3b1: {  	v12 =	vsel vm1, v12, v15;
	vm1 =	vgt.f32 v16, $0.0e+00;
	v13 =	vld [tilespmem:s24+$0xFFFFFFC0];
	(erf) = vpow2.f32 v7;
	[tilespmem:s8+$0xFFFFFF50] =	vst v6  }
0x3b2: {  	v19 =	vmul.f32 $1.442695020e+00, v19;
	v6 =	vmul.f32 $2.000000030e-01, v17;
	v7 =	vsel vm1, v16, v22;
	v15 =	vld.msk [tilespmem:s17+$0xFFFFFFFF ss:$0x0], $0xffff;
	[tilespmem:s21+$0x20] =	vst v23  }
0x3b3: {  	v12 =	vsub.f32 v12, v1;
	vm1 =	vgt.f32 v17, $0.0e+00;
	v7 =	vsub.f32 v7, v1;
	v24 =	vld [tilespmem:s22+$0x30]  }
0x3b4: {  	v6 =	vsel vm1, v17, v6;
	v22 =	vld [tilespmem:s24+$0x20];
	v8 =	vmul.f32 v8, v21;
	(erf) = vpow2.f32 v18  }
0x3b5: {  	v12 =	vmul.f32 $1.442695020e+00, v12;
	v6 =	vsub.f32 v6, v1;
	v7 =	vmul.f32 $1.442695020e+00, v7;
	v23 =	vld [tilespmem:s10+$0x1A0]  }
0x3b6: {  	v16 =	vadd.f32 v32, v26;
	v20 =	vld [tilespmem:s10+$0x110];
	[tilespmem:s21+$0x1C0] =	vst v8;
	(erf) = vpow2.f32 v19;
	v8 =	vmul.f32 v25, v9  }
0x3b7: {  	v6 =	vmul.f32 $1.442695020e+00, v6;
	v9 =	vld [tilespmem:s22+$0x1D0];
	(erf) = vpow2.f32 v7  }
0x3b8: {  	v7 =	vld [tilespmem:s24+$0x30];
	v14 =	vmul.f32 v14, v24;
	(erf) = vpow2.f32 v12;
	[tilespmem:s8+$0xFFFFFEC0] =	vst v8;
	s8 =	smov.u32 s21  }
0x3b9: {  	v18 =	vmul.f32 v5, v2;
	v5 =	vld [tilespmem:s10+$0x230];
	(erf) = vpow2.f32 v6  }
0x3ba: {  	v6 =	vbroadcast v3, $0x2;
	v8 =	vld.msk [tilespmem:s17+$0x0 ss:$0x0], $0xffff;
	[tilespmem:s21+$0x30] =	vst v14;
	v21 =	vpop (erf)  }
0x3bb: {  	v12 =	vnsel vm0, $0x0, v21;
	v14 =	vld [tilespmem:s22+$0x40]  }
0x3bc: {  	v17 =	vld.msk [tilespmem:s17+$0xFFFFFFFC ss:$0x0], $0xffff;
	[tilespmem:s21+$0xFFFFFFF0] =	vst v12;
	v6 =	vmul.f32 v6, v9  }
0x3bd: {  	v12 =	vld [tilespmem:s22+$0xFFFFFF70];
	v24 =	vpop (erf)  }
0x3be: {  	v19 =	vld.msk [tilespmem:s17+$0xFFFFFFFE ss:$0x0], $0xffff;
	v7 =	vadd.f32 v7, v5;
	v5 =	vbroadcast v4, $0x4;
	v9 =	vnsel vm0, $0x0, v24;
	[tilespmem:s21+$0x1D0] =	vst v6  }
0x3bf: {  	v28 =	vld [tilespmem:s24+$0x10];
	[tilespmem:s21+$0x1A0] =	vst v9;
	v27 =	vpop (erf)  }
0x3c0: {  	v25 =	vbroadcast v21, $0x0;
	v29 =	vmul.f32 v14, v5;
	v5 =	vnsel vm0, $0x0, v27;
	v30 =	vld [tilespmem:s22+$0x120];
	v6 =	vpop (erf)  }
0x3c1: {  	v8 =	vmul.f32 v8, v2;
	v9 =	vld [tilespmem:s24+$0xFFFFFFF0];
	v33 =	vnsel vm0, $0x0, v6;
	[tilespmem:s21+$0x110] =	vst v5;
	v5 =	vbroadcast v27, $0x7;
	v26 =	vpop (erf)  }
0x3c2: {  	v31 =	vnsel vm0, $0x0, v26;
	[tilespmem:s21+$0xFFFFFF60] =	vst v33;
	v12 =	vmul.f32 v25, v12;
	v32 =	vld [tilespmem:s22+$0x90];
	v25 =	vbroadcast v3, $0x7;
	v14 =	vpop (erf)  }
0x3c3: {  	v8 =	vadd.f32 v7, v8;
	v33 =	vnsel vm0, $0x0, v14;
	v34 =	vld [tilespmem:s22+$0xFFFFFEE0];
	[tilespmem:s21+$0x40] =	vst v29;
	v29 =	vbroadcast v24, $0x0  }
0x3c4: {  	v7 =	vbroadcast v14, $0x6;
	v35 =	vld [tilespmem:s10+$0x80];
	[tilespmem:s21+$0xFFFFFF70] =	vst v12;
	v12 =	vbroadcast v4, $0x5  }
0x3c5: {  	v36 =	vbroadcast v27, $0x0;
	[tilespmem:s21+$0xFFFFFED0] =	vst v33;
	v33 =	vld [tilespmem:s22+$0x50];
	v30 =	vmul.f32 v29, v30  }
0x3c6: {  	v37 =	vbroadcast v6, $0x0;
	v29 =	vbroadcast v3, $0x6;
	v38 =	vld [tilespmem:s22+$0xFFFFFF80]  }
0x3c7: {  	v39 =	vmul.f32 $2.000000030e-01, v8;
	v32 =	vmul.f32 v36, v32;
	[tilespmem:s21+$0x120] =	vst v30;
	v30 =	vld [tilespmem:s22+$0x1E0]  }
0x3c8: {  	vm1 =	vgt.f32 v8, $0.0e+00;
	[tilespmem:s21+$0xFFFFFE40] =	vst v31;
	v31 =	vmul.f32 v37, v34;
	v34 =	vbroadcast v21, $0x1;
	v36 =	vld [tilespmem:s22+$0x130]  }
0x3c9: {  	v8 =	vsel vm1, v8, v39;
	v39 =	vbroadcast v14, $0x0;
	v37 =	vld [tilespmem:s22+$0xFFFFFDC0];
	[tilespmem:s21+$0x90] =	vst v32;
	v32 =	vbroadcast v3, $0x3  }
0x3ca: {  	v8 =	vsub.f32 v8, v1;
	[tilespmem:s21+$0xFFFFFEE0] =	vst v31;
	v12 =	vmul.f32 v33, v12;
	v31 =	vld [tilespmem:s22+$0xA0];
	v33 =	vbroadcast v3, $0x4  }
0x3cb: {  	v40 =	vld [tilespmem:s22+$0xFFFFFEF0];
	v34 =	vmul.f32 v34, v38;
	v38 =	vbroadcast v24, $0x1  }
0x3cc: {  	v42 =	vbroadcast v26, $0x0;
	v41 =	vld [tilespmem:s24+$0x0];
	[tilespmem:s21+$0x50] =	vst v12;
	v12 =	vmul.f32 v32, v30  }
0x3cd: {  	v32 =	vbroadcast v27, $0x1;
	v30 =	vld [tilespmem:s22+$0xFFFFFE50];
	v36 =	vmul.f32 v38, v36  }
0x3ce: {  	v38 =	vbroadcast v6, $0x1;
	v37 =	vmul.f32 v42, v37;
	v42 =	vld [tilespmem:s22+$0x60];
	[tilespmem:s21+$0x1E0] =	vst v12  }
0x3cf: {  	v8 =	vmul.f32 $1.442695020e+00, v8;
	v12 =	vld.msk [tilespmem:s17+$0xFFFFFFFD ss:$0x0], $0xffff;
	v31 =	vmul.f32 v32, v31;
	[tilespmem:s21+$0x130] =	vst v36  }
0x3d0: {  	v36 =	vbroadcast v21, $0x2;
	[tilespmem:s21+$0xFFFFFDC0] =	vst v37;
	v32 =	vmul.f32 v38, v40;
	v37 =	vld [tilespmem:s22+$0x140]  }
0x3d1: {  	v38 =	vbroadcast v14, $0x1;
	(erf) = vpow2.f32 v8;
	v8 =	vld [tilespmem:s22+$0xFFFFFDD0];
	[tilespmem:s21+$0xA0] =	vst v31  }
0x3d2: {  	v30 =	vmul.f32 v39, v30;
	[tilespmem:s21+$0xFFFFFEF0] =	vst v32;
	v31 =	vld [tilespmem:s22+$0xB0];
	v32 =	vbroadcast v3, $0x5  }
0x3d3: {  	v3 =	vadd.f32 v41, v35;
	v39 =	vbroadcast v24, $0x2;
	v35 =	vld [tilespmem:s22+$0xFFFFFF00];
	[tilespmem:s21+$0xFFFFFF80] =	vst v34;
	v34 =	vbroadcast v4, $0x7  }
0x3d4: {  	v40 =	vbroadcast v26, $0x1;
	[tilespmem:s21+$0xFFFFFE50] =	vst v30;
	v30 =	vbroadcast v6, $0x2;
	v41 =	vld [tilespmem:s22+$0xFFFFFF90]  }
0x3d5: {  	v44 =	vbroadcast v27, $0x2;
	v4 =	vbroadcast v4, $0x6;
	v43 =	vld [tilespmem:s22+$0xFFFFFE60]  }
0x3d6: {  	v45 =	vmul.f32 v12, v2;
	v8 =	vmul.f32 v40, v8;
	v40 =	vld [tilespmem:s22+$0x1F0]  }
0x3d7: {  	v4 =	vmul.f32 v42, v4;
	v12 =	vld.msk [tilespmem:s17+$0xFFFFFFF9 ss:$0x0], $0xffff;
	v31 =	vmul.f32 v44, v31  }
0x3d8: {  	v44 =	vadd.f32 v3, v45;
	v42 =	vld [tilespmem:s10+$0xFFFFFFF0];
	[tilespmem:s21+$0xFFFFFDD0] =	vst v8;
	v8 =	vmul.f32 v30, v35;
	v30 =	vbroadcast v21, $0x3  }
0x3d9: {  	v45 =	vbroadcast v14, $0x2;
	v35 =	vld [tilespmem:s22+$0xFFFFFDE0];
	v36 =	vmul.f32 v36, v41;
	[tilespmem:s21+$0xB0] =	vst v31  }
0x3da: {  	vm1 =	vgt.f32 v44, $0.0e+00;
	v31 =	vmul.f32 $2.000000030e-01, v44;
	v3 =	vpop (erf);
	v38 =	vmul.f32 v38, v43;
	[tilespmem:s21+$0xFFFFFF00] =	vst v8;
	v41 =	vld [tilespmem:s22+$0xC0]  }
0x3db: {  	s21 =	sadd.s32 $0x480, s21;
	v43 =	vnsel vm0, $0x0, v3;
	v8 =	vbroadcast v3, $0x1;
	v46 =	vld [tilespmem:s22+$0xFFFFFF10];
	[tilespmem:s8+$0xFFFFFF90] =	vst v36;
	v36 =	vmul.f32 v39, v37  }
0x3dc: {  	v31 =	vsel vm1, v44, v31;
	v37 =	vbroadcast v26, $0x2;
	v33 =	vmul.f32 v40, v33;
	[tilespmem:s8+$0xFFFFFE60] =	vst v38;
	v38 =	vld [tilespmem:s22+$0xFFFFFFA0]  }
0x3dd: {  	v40 =	vbroadcast v27, $0x3;
	v31 =	vsub.f32 v31, v1;
	v39 =	vld [tilespmem:s22+$0xFFFFFE70];
	[tilespmem:s8+$0x140] =	vst v36;
	v36 =	vbroadcast v24, $0x3  }
0x3de: {  	v35 =	vmul.f32 v37, v35;
	v37 =	vbroadcast v6, $0x3;
	v44 =	vld [tilespmem:s22+$0x150];
	[tilespmem:s8+$0x1F0] =	vst v33  }
0x3df: {  	v33 =	vmul.f32 $1.442695020e+00, v31;
	[tilespmem:s8+$0x60] =	vst v4;
	v4 =	vmul.f32 v40, v41;
	v40 =	vld [tilespmem:s22+$0x200]  }
0x3e0: {  	[tilespmem:s8+$0xFFFFFDE0] =	vst v35;
	v35 =	vmul.f32 v37, v46;
	v37 =	vbroadcast v21, $0x4;
	v41 =	vld [tilespmem:s22+$0x70]  }
0x3e1: {  	v31 =	vadd.f32 v9, v42;
	v46 =	vbroadcast v14, $0x3;
	v42 =	vld [tilespmem:s22+$0xFFFFFDF0];
	v30 =	vmul.f32 v30, v38;
	[tilespmem:s8+$0xC0] =	vst v4  }
0x3e2: {  	(erf) = vpow2.f32 v33;
	v4 =	vmul.f32 v45, v39;
	[tilespmem:s8+$0xFFFFFF10] =	vst v35;
	v33 =	vld [tilespmem:s22+$0xD0]  }
0x3e3: {  	v9 =	vbroadcast v14, $0x7;
	v35 =	vld [tilespmem:s22+$0xFFFFFF20];
	[tilespmem:s8+$0xFFFFFFA0] =	vst v30;
	v30 =	vmul.f32 v36, v44  }
0x3e4: {  	v36 =	vbroadcast v26, $0x3;
	[tilespmem:s8+$0xFFFFFE70] =	vst v4;
	v4 =	vld [tilespmem:s22+$0xFFFFFFB0];
	v32 =	vmul.f32 v40, v32  }
0x3e5: {  	v39 =	vbroadcast v27, $0x4;
	v38 =	vld [tilespmem:s22+$0xFFFFFE80];
	v34 =	vmul.f32 v41, v34;
	[tilespmem:s8+$0x150] =	vst v30  }
0x3e6: {  	[tilespmem:s21+$0x230] =	vst v43;
	v30 =	vmul.f32 v36, v42;
	v36 =	vbroadcast v6, $0x4;
	v40 =	vld [tilespmem:s22+$0x160]  }
0x3e7: {  	v41 =	vld [tilespmem:s10+$0x1B0];
	v33 =	vmul.f32 v33, v39;
	v39 =	vbroadcast v24, $0x4;
	[tilespmem:s8+$0x200] =	vst v32  }
0x3e8: {  	v32 =	vbroadcast v21, $0x5;
	[tilespmem:s8+$0xFFFFFDF0] =	vst v30;
	v30 =	vmul.f32 v35, v36;
	v35 =	vld [tilespmem:s22+$0x210]  }
0x3e9: {  	v43 =	vbroadcast v14, $0x4;
	v36 =	vadd.f32 v28, v20;
	v42 =	vld [tilespmem:s22+$0xFFFFFE00];
	v28 =	vmul.f32 v4, v37;
	[tilespmem:s8+$0xD0] =	vst v33  }
0x3ea: {  	v33 =	vbroadcast v3, $0x0;
	v37 =	vmul.f32 v46, v38;
	[tilespmem:s8+$0xFFFFFF20] =	vst v30;
	v30 =	vld [tilespmem:s22+$0xE0]  }
0x3eb: {  	v20 =	vbroadcast v26, $0x7;
	v4 =	vpop (erf);
	v38 =	vld [tilespmem:s22+$0xFFFFFF30];
	[tilespmem:s8+$0xFFFFFFB0] =	vst v28;
	v39 =	vmul.f32 v40, v39  }
0x3ec: {  	v40 =	vnsel vm0, $0x0, v4;
	v28 =	vmul.f32 v33, v41;
	v33 =	vbroadcast v26, $0x4;
	[tilespmem:s8+$0xFFFFFE80] =	vst v37;
	v37 =	vld [tilespmem:s22+$0xFFFFFFC0]  }
0x3ed: {  	v44 =	vbroadcast v27, $0x5;
	v41 =	vld [tilespmem:s22+$0xFFFFFE90];
	[tilespmem:s8+$0x160] =	vst v39;
	v29 =	vmul.f32 v35, v29  }
0x3ee: {  	v35 =	vbroadcast v6, $0x5;
	v33 =	vmul.f32 v42, v33;
	[tilespmem:s8+$0x70] =	vst v34;
	v34 =	vld [tilespmem:s22+$0x170]  }
0x3ef: {  	v39 =	vld [tilespmem:s10+$0xFFFFFE40];
	[tilespmem:s21+$0x80] =	vst v40;
	v30 =	vmul.f32 v30, v44;
	v40 =	vbroadcast v24, $0x5  }
0x3f0: {  	v42 =	vld [tilespmem:s10+$0x0];
	[tilespmem:s8+$0xFFFFFE00] =	vst v33;
	v33 =	vmul.f32 v38, v35;
	v35 =	vbroadcast v21, $0x6  }
0x3f1: {  	v38 =	vadd.f32 v22, v23;
	v23 =	vbroadcast v14, $0x5;
	v22 =	vld [tilespmem:s22+$0xFFFFFE10];
	v14 =	vmul.f32 v37, v32;
	[tilespmem:s8+$0xE0] =	vst v30  }
0x3f2: {  	v30 =	vbroadcast v4, $0x0;
	v32 =	vmul.f32 v41, v43;
	[tilespmem:s8+$0xFFFFFF30] =	vst v33;
	v37 =	vld [tilespmem:s22+$0xF0]  }
0x3f3: {  	v33 =	vbroadcast v24, $0x7;
	v41 =	vld [tilespmem:s22+$0xFFFFFF40];
	[tilespmem:s8+$0xFFFFFFC0] =	vst v14;
	v34 =	vmul.f32 v34, v40  }
0x3f4: {  	v14 =	vbroadcast v4, $0x3;
	v40 =	vbroadcast v26, $0x5;
	[tilespmem:s8+$0xFFFFFE90] =	vst v32;
	v32 =	vld [tilespmem:s22+$0xFFFFFFD0]  }
0x3f5: {  	v27 =	vbroadcast v27, $0x6;
	v30 =	vmul.f32 v30, v42;
	v42 =	vld [tilespmem:s22+$0xFFFFFEA0];
	[tilespmem:s8+$0x170] =	vst v34  }
0x3f6: {  	v34 =	vbroadcast v6, $0x6;
	v22 =	vmul.f32 v22, v40;
	v40 =	vld [tilespmem:s22+$0x180];
	[tilespmem:s8+$0x210] =	vst v29  }
0x3f7: {  	v24 =	vbroadcast v24, $0x6;
	[tilespmem:s21+$0x0] =	vst v30;
	v27 =	vmul.f32 v37, v27;
	v29 =	vld [tilespmem:s22+$0x220]  }
0x3f8: {  	v30 =	vld [tilespmem:s10+$0x10];
	[tilespmem:s8+$0xFFFFFE10] =	vst v22;
	v34 =	vmul.f32 v41, v34;
	v22 =	vbroadcast v21, $0x7  }
0x3f9: {  	v37 =	vbroadcast v4, $0x1;
	v41 =	vld [tilespmem:s22+$0xFFFFFE20];
	v32 =	vmul.f32 v32, v35;
	[tilespmem:s8+$0xF0] =	vst v27  }
.Ltmp5:
0x3fa: {  	v21 =	vadd.f32 v10, v11;
	v35 =	vbroadcast v26, $0x6;
	v27 =	vld.msk [tilespmem:s17+$0xFFFFFFFA ss:$0x0], $0xffff;
	v10 =	vmul.f32 v42, v23;
	[tilespmem:s8+$0xFFFFFF40] =	vst v34;
	(pc) =	sbr.rel @p1 .LBB2_11-.Ltmp5, $4  }
0x3fb: {  	v16 =	vadd.f32 v16, v18;
	v11 =	vmul.f32 v15, v2;
	v15 =	vld [tilespmem:s22+$0xFFFFFF50];
	[tilespmem:s8+$0xFFFFFFD0] =	vst v32;
	v24 =	vmul.f32 v40, v24  }
0x3fc: {  	v19 =	vmul.f32 v19, v2;
	v18 =	vadd.f32 v13, v39;
	[tilespmem:s8+$0xFFFFFEA0] =	vst v10;
	v10 =	vld [tilespmem:s22+$0xFFFFFFE0];
	v29 =	vmul.f32 v29, v25  }
0x3fd: {  	v13 =	vbroadcast v4, $0x2;
	v25 =	vadd.f32 v38, v11;
	v23 =	vmul.f32 v37, v30;
	v11 =	vld [tilespmem:s22+$0xFFFFFEB0];
	[tilespmem:s8+$0x180] =	vst v24  }
0x3fe: {  	v19 =	vadd.f32 v36, v19;
	v26 =	vmul.f32 v17, v2;
	v24 =	vmul.f32 v41, v35;
	v17 =	vld [tilespmem:s22+$0x190];
	[tilespmem:s8+$0x220] =	vst v29  }
0x3ff: {  	_ = 	snop  }
0x400: {  	v29 =	vmul.f32 $2.000000030e-01, v25;
	v26 =	vadd.f32 v31, v26  }
0x401: {  	vm1 =	vgt.f32 v25, $0.0e+00;
	v12 =	vmul.f32 v12, v2;
	v2 =	vmul.f32 v27, v2  }
0x402: {  	v32 =	vmul.f32 $2.000000030e-01, v16;
	vm2 =	vgt.f32 v19, $0.0e+00;
	v63 =	vmul.f32 $2.000000030e-01, v26  }
0x403: {  	v30 =	vmul.f32 $2.000000030e-01, v19;
	v25 =	vsel vm1, v25, v29;
	vm1 =	vgt.f32 v26, $0.0e+00  }
0x404: {  	v12 =	vadd.f32 v18, v12;
	v2 =	vadd.f32 v21, v2;
	v26 =	vsel vm1, v26, v63  }
0x405: {  	v25 =	vsub.f32 v25, v1;
	v18 =	vsel vm2, v19, v30;
	v26 =	vsub.f32 v26, v1  }
0x406: {  	vm2 =	vgt.f32 v16, $0.0e+00;
	v31 =	vmul.f32 $2.000000030e-01, v12;
	v18 =	vsub.f32 v18, v1  }
0x407: {  	v16 =	vsel vm2, v16, v32;
	v35 =	vmul.f32 $2.000000030e-01, v2;
	v34 =	vmul.f32 $1.442695020e+00, v26  }
0x408: {  	v25 =	vmul.f32 $1.442695020e+00, v25;
	vm1 =	vgt.f32 v12, $0.0e+00;
	v16 =	vsub.f32 v16, v1  }
0x409: {  	v12 =	vsel vm1, v12, v31;
	vm1 =	vgt.f32 v2, $0.0e+00;
	(erf) = vpow2.f32 v34  }
0x40a: {  	v18 =	vmul.f32 $1.442695020e+00, v18;
	v12 =	vsub.f32 v12, v1;
	v2 =	vsel vm1, v2, v35  }
0x40b: {  	v16 =	vmul.f32 $1.442695020e+00, v16;
	v1 =	vsub.f32 v2, v1;
	(erf) = vpow2.f32 v25  }
0x40c: {  	v2 =	vld [tilespmem:s22+$0x100];
	v12 =	vmul.f32 $1.442695020e+00, v12;
	(erf) = vpow2.f32 v18  }
0x40d: {  	v1 =	vmul.f32 $1.442695020e+00, v1;
	(erf) = vpow2.f32 v16  }
0x40e: {  	[tilespmem:s21+$0x10] =	vst v23;
	v7 =	vmul.f32 v11, v7;
	(erf) = vpow2.f32 v12  }
0x40f: {  	[tilespmem:s21+$0x1B0] =	vst v28;
	v10 =	vmul.f32 v10, v22;
	(erf) = vpow2.f32 v1  }
0x410: {  	[tilespmem:s8+$0xFFFFFE20] =	vst v24  }
0x411: {  	[tilespmem:s8+$0xFFFFFFE0] =	vst v10;
	v5 =	vmul.f32 v2, v5;
	v1 =	vmul.f32 v17, v33  }
0x412: {  	[tilespmem:s8+$0xFFFFFEB0] =	vst v7;
	v7 =	vpop (erf)  }
0x413: {  	[tilespmem:s8+$0x190] =	vst v1;
	v1 =	vnsel vm0, $0x0, v7  }
0x414: {  	[tilespmem:s8+$0x100] =	vst v5;
	v2 =	vpop (erf)  }
0x415: {  	v36 =	vld [tilespmem:s22+$0xFFFFFE30];
	v5 =	vpop (erf);
	[tilespmem:s21+$0xFFFFFFF0] =	vst v1;
	v37 =	vnsel vm0, $0x0, v2  }
0x416: {  	v38 =	vld [tilespmem:s18+$0xFFFFFF70];
	[tilespmem:s21+$0x1A0] =	vst v37;
	v39 =	vnsel vm0, $0x0, v5;
	v1 =	vpop (erf)  }
0x417: {  	v42 =	vbroadcast v6, $0x7;
	v40 =	vld [tilespmem:s18+$0x120];
	[tilespmem:s21+$0x110] =	vst v39;
	v10 =	vpop (erf);
	v43 =	vnsel vm0, $0x0, v1  }
0x418: {  	v44 =	vld [tilespmem:s18+$0x90];
	v41 =	vnsel vm0, $0x0, v10;
	v6 =	vpop (erf);
	[tilespmem:s21+$0xFFFFFF60] =	vst v43  }
0x419: {  	v15 =	vmul.f32 v15, v42;
	v45 =	vbroadcast v7, $0x0;
	[tilespmem:s21+$0xFFFFFE40] =	vst v41;
	v46 =	vnsel vm0, $0x0, v6;
	v48 =	vld [tilespmem:s18+$0xFFFFFEE0]  }
0x41a: {  	v11 =	vmul.f32 v36, v20;
	v49 =	vbroadcast v2, $0x0;
	v47 =	vld [tilespmem:s18+$0xFFFFFDC0];
	[tilespmem:s21+$0xFFFFFED0] =	vst v46  }
0x41b: {  	[tilespmem:s8+$0xFFFFFF50] =	vst v15;
	v51 =	vbroadcast v5, $0x0;
	v50 =	vmul.f32 v45, v38;
	v52 =	vld [tilespmem:s18+$0xFFFFFE50]  }
0x41c: {  	v53 =	vld [tilespmem:s10+$0x20];
	[tilespmem:s8+$0xFFFFFE30] =	vst v11;
	v57 =	vbroadcast v1, $0x0;
	v54 =	vmul.f32 v49, v40  }
0x41d: {  	v56 =	vld [tilespmem:s18+$0x1C0];
	v55 =	vbroadcast v10, $0x0;
	[tilespmem:s21+$0xFFFFFF70] =	vst v50;
	v12 =	vmul.f32 v51, v44  }
0x41e: {  	v59 =	vbroadcast v6, $0x0;
	v58 =	vld [tilespmem:s18+$0xFFFFFF80];
	[tilespmem:s21+$0x120] =	vst v54;
	v11 =	vmul.f32 v57, v48  }
0x41f: {  	v60 =	vld [tilespmem:s18+$0x130];
	[tilespmem:s21+$0x90] =	vst v12;
	v17 =	vmul.f32 v55, v47  }
0x420: {  	v12 =	vld [tilespmem:s18+$0xA0];
	v15 =	vmul.f32 v59, v52;
	[tilespmem:s21+$0xFFFFFEE0] =	vst v11  }
0x421: {  	v13 =	vmul.f32 v13, v53;
	v61 =	vbroadcast v7, $0x1;
	[tilespmem:s21+$0xFFFFFDC0] =	vst v17;
	v63 =	vld [tilespmem:s18+$0xFFFFFEF0]  }
0x422: {  	v8 =	vmul.f32 v8, v56;
	v24 =	vbroadcast v2, $0x1;
	v62 =	vld [tilespmem:s18+$0xFFFFFDD0];
	[tilespmem:s21+$0xFFFFFE50] =	vst v15  }
0x423: {  	[tilespmem:s21+$0x20] =	vst v13;
	v26 =	vbroadcast v5, $0x1;
	v25 =	vmul.f32 v61, v58;
	v27 =	vld [tilespmem:s18+$0xFFFFFE60]  }
0x424: {  	v28 =	vld [tilespmem:s22+$0xFFFFFEC0];
	[tilespmem:s21+$0x1C0] =	vst v8;
	v32 =	vbroadcast v1, $0x1;
	v29 =	vmul.f32 v24, v60  }
0x425: {  	v31 =	vld [tilespmem:s18+$0x1D0];
	v30 =	vbroadcast v10, $0x1;
	v12 =	vmul.f32 v26, v12;
	[tilespmem:s21+$0xFFFFFF80] =	vst v25  }
0x426: {  	v33 =	vbroadcast v6, $0x1;
	[tilespmem:s21+$0x130] =	vst v29;
	v13 =	vld [tilespmem:s18+$0xFFFFFF90];
	v34 =	vmul.f32 v32, v63  }
0x427: {  	v35 =	vld [tilespmem:s18+$0x140];
	[tilespmem:s21+$0xA0] =	vst v12;
	v11 =	vmul.f32 v30, v62  }
0x428: {  	v36 =	vbroadcast v3, $0x2;
	v37 =	vld [tilespmem:s18+$0xB0];
	v8 =	vmul.f32 v33, v27;
	[tilespmem:s21+$0xFFFFFEF0] =	vst v34  }
0x429: {  	v9 =	vmul.f32 v28, v9;
	v38 =	vbroadcast v7, $0x2;
	[tilespmem:s21+$0xFFFFFDD0] =	vst v11;
	v40 =	vld [tilespmem:s18+$0xFFFFFF00]  }
0x42a: {  	v41 =	vbroadcast v2, $0x2;
	v12 =	vmul.f32 v36, v31;
	v39 =	vld [tilespmem:s18+$0xFFFFFDE0];
	[tilespmem:s21+$0xFFFFFE60] =	vst v8  }
0x42b: {  	[tilespmem:s8+$0xFFFFFEC0] =	vst v9;
	v42 =	vbroadcast v5, $0x2;
	v43 =	vmul.f32 v38, v13;
	v44 =	vld [tilespmem:s18+$0xFFFFFE70]  }
0x42c: {  	v45 =	vld [tilespmem:s18+$0x30];
	v49 =	vbroadcast v1, $0x2;
	[tilespmem:s21+$0x1D0] =	vst v12;
	v46 =	vmul.f32 v41, v35  }
0x42d: {  	v47 =	vbroadcast v10, $0x2;
	v48 =	vld [tilespmem:s18+$0x1E0];
	v8 =	vmul.f32 v42, v37;
	[tilespmem:s21+$0xFFFFFF90] =	vst v43  }
0x42e: {  	v50 =	vbroadcast v6, $0x2;
	v51 =	vld [tilespmem:s18+$0xFFFFFFA0];
	[tilespmem:s21+$0x140] =	vst v46;
	v53 =	vmul.f32 v49, v40  }
0x42f: {  	[tilespmem:s21+$0xB0] =	vst v8;
	v54 =	vld [tilespmem:s18+$0x150];
	v52 =	vmul.f32 v47, v39  }
0x430: {  	v55 =	vbroadcast v3, $0x3;
	v56 =	vld [tilespmem:s18+$0xC0];
	v9 =	vmul.f32 v50, v44;
	[tilespmem:s21+$0xFFFFFF00] =	vst v53  }
0x431: {  	v57 =	vmul.f32 v14, v45;
	v58 =	vbroadcast v7, $0x3;
	[tilespmem:s21+$0xFFFFFDE0] =	vst v52;
	v15 =	vld [tilespmem:s18+$0xFFFFFF10]  }
0x432: {  	v61 =	vbroadcast v2, $0x3;
	v60 =	vmul.f32 v55, v48;
	v59 =	vld [tilespmem:s18+$0xFFFFFDF0];
	[tilespmem:s21+$0xFFFFFE70] =	vst v9  }
0x433: {  	[tilespmem:s21+$0x30] =	vst v57;
	v62 =	vbroadcast v5, $0x3;
	v63 =	vmul.f32 v58, v51;
	v21 =	vld [tilespmem:s18+$0xFFFFFE80]  }
0x434: {  	v22 =	vld [tilespmem:s18+$0x40];
	v25 =	vbroadcast v1, $0x3;
	[tilespmem:s21+$0x1E0] =	vst v60;
	v8 =	vmul.f32 v61, v54  }
0x435: {  	v23 =	vbroadcast v10, $0x3;
	v24 =	vld [tilespmem:s18+$0x1F0];
	v9 =	vmul.f32 v62, v56;
	[tilespmem:s21+$0xFFFFFFA0] =	vst v63  }
0x436: {  	v26 =	vbroadcast v6, $0x3;
	v27 =	vld [tilespmem:s18+$0xFFFFFFB0];
	[tilespmem:s21+$0x150] =	vst v8;
	v30 =	vmul.f32 v25, v15  }
0x437: {  	v29 =	vbroadcast v4, $0x4;
	[tilespmem:s21+$0xC0] =	vst v9;
	v31 =	vld [tilespmem:s18+$0x160];
	v28 =	vmul.f32 v23, v59  }
0x438: {  	v32 =	vbroadcast v3, $0x4;
	v33 =	vld [tilespmem:s18+$0xD0];
	v34 =	vmul.f32 v26, v21;
	[tilespmem:s21+$0xFFFFFF10] =	vst v30  }
0x439: {  	v36 =	vbroadcast v7, $0x4;
	v35 =	vmul.f32 v22, v29;
	[tilespmem:s21+$0xFFFFFDF0] =	vst v28;
	v39 =	vld [tilespmem:s18+$0xFFFFFF20]  }
0x43a: {  	v40 =	vbroadcast v2, $0x4;
	v38 =	vmul.f32 v24, v32;
	v37 =	vld [tilespmem:s18+$0xFFFFFE00];
	[tilespmem:s21+$0xFFFFFE80] =	vst v34  }
0x43b: {  	v41 =	vbroadcast v5, $0x4;
	[tilespmem:s21+$0x40] =	vst v35;
	v42 =	vmul.f32 v27, v36;
	v43 =	vld [tilespmem:s18+$0xFFFFFE90]  }
0x43c: {  	v47 =	vbroadcast v1, $0x4;
	v44 =	vld [tilespmem:s18+$0x50];
	[tilespmem:s21+$0x1F0] =	vst v38;
	v9 =	vmul.f32 v31, v40  }
0x43d: {  	v45 =	vbroadcast v10, $0x4;
	v46 =	vld [tilespmem:s18+$0x200];
	v8 =	vmul.f32 v33, v41;
	[tilespmem:s21+$0xFFFFFFB0] =	vst v42  }
0x43e: {  	v48 =	vbroadcast v6, $0x4;
	v49 =	vld [tilespmem:s18+$0xFFFFFFC0];
	[tilespmem:s21+$0x160] =	vst v9;
	v52 =	vmul.f32 v39, v47  }
0x43f: {  	v51 =	vbroadcast v4, $0x5;
	[tilespmem:s21+$0xD0] =	vst v8;
	v53 =	vld [tilespmem:s18+$0x170];
	v50 =	vmul.f32 v37, v45  }
0x440: {  	v54 =	vbroadcast v3, $0x5;
	v55 =	vld [tilespmem:s18+$0xE0];
	v56 =	vmul.f32 v43, v48;
	[tilespmem:s21+$0xFFFFFF20] =	vst v52  }
0x441: {  	v58 =	vbroadcast v7, $0x5;
	v57 =	vmul.f32 v44, v51;
	[tilespmem:s21+$0xFFFFFE00] =	vst v50;
	v61 =	vld [tilespmem:s18+$0xFFFFFF30]  }
0x442: {  	v62 =	vbroadcast v2, $0x5;
	v60 =	vmul.f32 v46, v54;
	v59 =	vld [tilespmem:s18+$0xFFFFFE10];
	[tilespmem:s21+$0xFFFFFE90] =	vst v56  }
0x443: {  	v63 =	vbroadcast v5, $0x5;
	[tilespmem:s21+$0x50] =	vst v57;
	v21 =	vmul.f32 v49, v58;
	v22 =	vld [tilespmem:s18+$0xFFFFFEA0]  }
0x444: {  	v23 =	vld [tilespmem:s18+$0x60];
	v26 =	vbroadcast v1, $0x5;
	[tilespmem:s21+$0x200] =	vst v60;
	v8 =	vmul.f32 v53, v62  }
0x445: {  	v24 =	vbroadcast v10, $0x5;
	v25 =	vld [tilespmem:s18+$0x210];
	v9 =	vmul.f32 v55, v63;
	[tilespmem:s21+$0xFFFFFFC0] =	vst v21  }
0x446: {  	v27 =	vbroadcast v6, $0x5;
	v28 =	vld [tilespmem:s18+$0xFFFFFFD0];
	[tilespmem:s21+$0x170] =	vst v8;
	v31 =	vmul.f32 v61, v26  }
0x447: {  	v30 =	vbroadcast v4, $0x6;
	[tilespmem:s21+$0xE0] =	vst v9;
	v32 =	vld [tilespmem:s18+$0x180];
	v29 =	vmul.f32 v59, v24  }
0x448: {  	v33 =	vbroadcast v3, $0x6;
	v34 =	vld [tilespmem:s18+$0xF0];
	v35 =	vmul.f32 v22, v27;
	[tilespmem:s21+$0xFFFFFF30] =	vst v31  }
0x449: {  	v36 =	vmul.f32 v23, v30;
	v37 =	vbroadcast v7, $0x6;
	[tilespmem:s21+$0xFFFFFE10] =	vst v29;
	v40 =	vld [tilespmem:s18+$0xFFFFFF40]  }
0x44a: {  	v41 =	vbroadcast v2, $0x6;
	v39 =	vmul.f32 v25, v33;
	v38 =	vld [tilespmem:s18+$0xFFFFFE20];
	[tilespmem:s21+$0xFFFFFEA0] =	vst v35  }
0x44b: {  	v42 =	vbroadcast v5, $0x6;
	[tilespmem:s21+$0x60] =	vst v36;
	v43 =	vmul.f32 v28, v37;
	v44 =	vld [tilespmem:s18+$0xFFFFFEB0]  }
0x44c: {  	v47 =	vbroadcast v1, $0x6;
	v45 =	vld [tilespmem:s18+$0x70];
	[tilespmem:s21+$0x210] =	vst v39;
	v9 =	vmul.f32 v32, v41  }
0x44d: {  	v46 =	vbroadcast v10, $0x6;
	v48 =	vld [tilespmem:s18+$0x220];
	v8 =	vmul.f32 v34, v42;
	[tilespmem:s21+$0xFFFFFFD0] =	vst v43  }
0x44e: {  	v49 =	vbroadcast v6, $0x6;
	v50 =	vld [tilespmem:s18+$0xFFFFFFE0];
	[tilespmem:s21+$0x180] =	vst v9;
	v53 =	vmul.f32 v40, v47  }
0x44f: {  	v52 =	vbroadcast v4, $0x7;
	[tilespmem:s21+$0xF0] =	vst v8;
	v54 =	vld [tilespmem:s18+$0x190];
	v51 =	vmul.f32 v38, v46  }
0x450: {  	v3 =	vbroadcast v3, $0x7;
	v55 =	vld [tilespmem:s18+$0x100];
	v56 =	vmul.f32 v44, v49;
	[tilespmem:s21+$0xFFFFFF40] =	vst v53  }
0x451: {  	v7 =	vbroadcast v7, $0x7;
	v4 =	vmul.f32 v45, v52;
	[tilespmem:s21+$0xFFFFFE20] =	vst v51;
	v58 =	vld [tilespmem:s18+$0xFFFFFF50]  }
0x452: {  	v2 =	vbroadcast v2, $0x7;
	v3 =	vmul.f32 v48, v3;
	v57 =	vld [tilespmem:s18+$0xFFFFFE30];
	[tilespmem:s21+$0xFFFFFEB0] =	vst v56  }
0x453: {  	v5 =	vbroadcast v5, $0x7;
	[tilespmem:s21+$0x70] =	vst v4;
	v59 =	vmul.f32 v50, v7;
	v60 =	vld [tilespmem:s18+$0xFFFFFEC0]  }
0x454: {  	v1 =	vbroadcast v1, $0x7;
	[tilespmem:s21+$0x220] =	vst v3;
	v2 =	vmul.f32 v54, v2  }
0x455: {  	v61 =	vbroadcast v10, $0x7;
	[tilespmem:s21+$0xFFFFFFE0] =	vst v59;
	v3 =	vmul.f32 v55, v5  }
0x456: {  	v62 =	vbroadcast v6, $0x7;
	[tilespmem:s21+$0x190] =	vst v2;
	v1 =	vmul.f32 v58, v1  }
0x457: {  	[tilespmem:s21+$0x100] =	vst v3;
	v63 =	vmul.f32 v57, v61  }
0x458: {  	v2 =	vmul.f32 v60, v62;
	[tilespmem:s21+$0xFFFFFF50] =	vst v1  }
0x459: {  	[tilespmem:s21+$0xFFFFFE30] =	vst v63  }
0x45a: {  	[tilespmem:s21+$0xFFFFFEC0] =	vst v2  }
0x45b: {  	[spmem:s4] =	stream.indirect.scatter.add.f32 [tilespmem:s19], [sflag:$0x5], $0x90, s23, s7, $0xb8;
	[tilespmem:$0x1F760] =	vst v63  }
0x45c: {  	_ =	swait.ge [sflag:s0], $0x2D00  }
0x45d: {  	s17 =	stileid.u32;
	[sflag:s0] =	ssyncset.done $0x0  }
0x45e: {  	s8 =	sshll.u32 s17, $0x6;
	[sflag:s0] =	ssyncadd.s32 $0xFFFFD300  }
0x45f: {  	s22 =	simm.s32 $0x12;
	s8 =	sor.u32 $0x1C05, s8;
	[bflag:$0x0] =	sbarrier.arrive $0xFFFF  }
0x460: {  	s18 =	sshrl.u32 s14, $0x3;
	s21 =	simm.s32 $0x10;
	s17 =	rddreg [dreg:$0xa]  }
0x461: {  	[hbm:s17@s21], [sflag:s8] =	dma.strided [spmem:s18@s22], $0x2700, s3, $0x10   }
0x462: {  	_ =	swait.ge [sflag:s0], $0x2700  }
0x463: {  	[sflag:s0] =	ssyncset.done $0x0;
	s24 =	rddreg [dreg:$0xb]  }
0x464: {  	s25 =	rddreg [dreg:$0x13];
	[sflag:s0] =	ssyncadd.s32 $0xFFFFD900  }
0x465: {  	[hbm:s24@s16], [sflag:s8] =	dma.strided [spmem:s25@s22], $0x4E0, s3, $0x2   }
0x466: {  	s17 =	simm.s32 @!p0 $0x1;
	s18 =	simm.s32 @!p0 $0x10;
	_ =	swait.ge [sflag:s0], $0x4E0  }
0x467: {  	s21 =	simm.s32 @!p0 $0x12;
	[sflag:s0] =	ssyncset.done $0x0;
	s22 =	rddreg [dreg:$0x9]  }
0x468: {  	s24 =	rddreg [dreg:$0xc];
	[sflag:s0] =	ssyncadd.s32 $0xFFFFFB20;
	s10 =	sshrl.u32 @!p0 s22, $0x3  }
0x469: {  	[hbm:s24@s18], [sflag:s8] =	dma.strided @!p0 [spmem:s10@s21], $0x100, s17, $0x10   }
0x46a: {  	s10 =	simm.s32 @!p0 $0x5  }
0x46b: {  	_ =	swait.ge @!p0 [sflag:s10], $0x100  }
0x46c: {  	[sflag:s10] =	ssyncset.done @!p0 $0x0;
	s24 =	rddreg [dreg:$0xd]  }
0x46d: {  	s18 =	simm.s32 @!p0 $0x2;
	s25 =	rddreg [dreg:$0x14];
	[sflag:s10] =	ssyncadd.s32 @!p0 $0xFFFFFF00  }
0x46e: {  	[hbm:s24@s18], [sflag:s8] =	dma.strided @!p0 [spmem:s25@s21], $0x20, s17, $0x2   }
0x46f: {  	_ =	swait.ge @!p0 [sflag:s10], $0x20  }
0x470: {  	s26 =	rddreg [dreg:$0x15]  }
0x471: {  	s30 =	rddreg [dreg:$0xe];
	s17 =	sadd.s32 $0x1, s26  }
0x472: {  	p1 =	sne.s32 s17, s30  }
.Ltmp6:
0x473: {  	_ = 	snop;
	(pc) =	sbr.rel @p1 .LBB2_1-.Ltmp6, $3  }
0x474: {  	_ =	sdelay $0x1  }
0x475: {  	[sflag:s10] =	ssyncset.done @!p0 $0x0  }
0x476: {  	[sflag:s10] =	ssyncadd.s32 @!p0 $0xFFFFFFE0  }
0x477: {  	_ =	sfence.sel $0x180000  }
0x478: {  	[bflag:$0x0] =	sbarrier.arrive $0xFFFF  }
0x479: {  	_ =	strace $0x90000047  }
0x47a: {  	s0 =	stileid.u32;
	[bflag:$0x2] =	sbarrier.arrive $0xFFFF  }
0x47b: {  	p0 =	sne.s32 s0, $0x0;
	s0 =	rddreg [dreg:$0x5]  }
0x47c: {  	s0 =	sadd.s32 @!p0 $0x100000, s0  }
0x47d: {  	[sflag:s0] =	ssyncadd.tile.s32 @!p0 $0x1;
	_ =	shalt  }
.Lfunc_end2:
_tile_overlayer_lowered:
.L_overlay_start_2:
0x47e: {  	(tag) =	ssettag $0x2  }
0x47f: {  	s0 =	rddreg [dreg:$0x0];
	s2 =	stileid.u32  }
0x480: {  	s1 =	rddreg [dreg:$0x1];
	p0 =	sne.s32 s2, $0x0  }
0x481: {  	s3 =	rddreg [dreg:$0x2];
	[bflag:$0x3] =	sbarrier.arrive $0xFFFF;
	s2 =	simm.s32 @!p0 $0x1C05  }
0x482: {  	[timem:s3], [sflag:s2] =	dma.local @!p0 [hbm:s0], s1  }
0x483: {  	s0 =	simm.s32 @!p0 $0x5  }
0x484: {  	_ =	swait.ge @!p0 [sflag:s0], s1  }
0x485: {  	s1 =	ssub.s32 @!p0 $0x0, s1;
	[sflag:s0] =	ssyncset.done @!p0 $0x0  }
0x486: {  	[sflag:s0] =	ssyncadd.s32 @!p0 s1  }
0x487: {  	[bflag:$0x3] =	sbarrier.arrive $0xFFFF  }
0x488: {  	_ =	shalt  }

</sc_bundles>
